<compile_context>
chip_gen: v7x
topology: tpu7x:2x2x1
jax: 0.10.2.dev20260603
libtpu: 0.0.44.dev20260713+nightly
codegen_flags: <defaults>
</compile_context>

<pallas_src>
import functools

import jax
import jax.numpy as jnp
from jax import lax
from jax.experimental import pallas as pl
from jax.experimental.pallas import tpu as pltpu
from jax.experimental.pallas import tpu_sc as plsc

_B, _T, _D_IN, _D_LAT, _K = 128, 1024, 96, 32, 512
_N = _B * _T
_BB = 4
_NT = _B // _BB

_DP = 128
_NW = 32
_BPW = _N // _NW
_CH = 128
_NCH = _BPW // _CH


def _prep_body(cb_ref, decw_ref, decb_ref, dect_ref, cm2_ref, c2_ref):
    cb = cb_ref[...]
    dect_ref[...] = (jnp.dot(cb, decw_ref[...],
                             preferred_element_type=jnp.float32)
                     + decb_ref[...])
    cm2_ref[...] = -2.0 * cb
    c2_ref[...] = jnp.sum(cb * cb, axis=1, keepdims=True)


def _prep_pass(codebook, dec_W, dec_b):
    return pl.pallas_call(
        _prep_body,
        out_shape=[
            jax.ShapeDtypeStruct((_K, _DP), jnp.float32),
            jax.ShapeDtypeStruct((_K, _D_LAT), jnp.float32),
            jax.ShapeDtypeStruct((_K, 1), jnp.float32),
        ],
    )(codebook, dec_W, dec_b.reshape(1, _DP))


def _vq_body(x_ref, encw_ref, encb_ref, cm2_ref, c2_ref, q_ref, loss_ref):
    i = pl.program_id(0)

    @pl.when(i == 0)
    def _init():
        loss_ref[...] = jnp.zeros((1, 1), jnp.float32)

    x2 = x_ref[...]
    encw = encw_ref[...]
    zTs = [lax.dot_general(encw, x2[b * _D_IN:(b + 1) * _D_IN, :],
                           (((0,), (0,)), ((), ())),
                           preferred_element_type=jnp.float32)
           for b in range(_BB)]
    zT = jnp.concatenate(zTs, axis=1) + encb_ref[...]
    sT = lax.dot_general(cm2_ref[...], zT, (((1,), (0,)), ((), ())),
                         preferred_element_type=jnp.float32)
    dT = sT + c2_ref[...]
    dminT = jnp.min(dT, axis=0, keepdims=True)
    q = jnp.argmin(dT, axis=0).astype(jnp.int32)
    z2T = jnp.sum(zT * zT, axis=0, keepdims=True)
    loss_ref[...] += (jnp.sum(dminT + z2T, keepdims=True)
                      * (1.0 / (_N * _D_LAT)))
    q_ref[...] = q


def _tc_pass(xt, enc_W, enc_b, cm2, c2):
    full2 = lambda i: (0, 0)
    full3 = lambda i: (0, 0, 0)
    return pl.pallas_call(
        _vq_body,
        grid=(_NT,),
        in_specs=[
            pl.BlockSpec((_BB * _D_IN, _T), lambda i: (i, 0)),
            pl.BlockSpec((_D_IN, _D_LAT), full2),
            pl.BlockSpec((_D_LAT, 1), full2),
            pl.BlockSpec((_K, _D_LAT), full2),
            pl.BlockSpec((_K, 1), full2),
        ],
        out_specs=[
            pl.BlockSpec((_BB * _T,), lambda i: (i,)),
            pl.BlockSpec((1, 1), full2),
        ],
        out_shape=[
            jax.ShapeDtypeStruct((_N,), jnp.int32),
            jax.ShapeDtypeStruct((1, 1), jnp.float32),
        ],
    )(xt.reshape(_B * _D_IN, _T), enc_W, enc_b.reshape(_D_LAT, 1), cm2, c2)


@functools.cache
def _make_sc_gather():
    mesh = plsc.VectorSubcoreMesh(core_axis_name="c", subcore_axis_name="s")

    @functools.partial(
        pl.kernel,
        mesh=mesh,
        out_type=jax.ShapeDtypeStruct((_N, _DP), jnp.float32),
        scratch_types=[
            pltpu.VMEM((_BPW,), jnp.int32),
            pltpu.VMEM((4, _CH, _DP), jnp.float32),
            pltpu.VMEM_SHARED((_K, _DP), jnp.float32),
            pltpu.SemaphoreType.DMA,
            pltpu.SemaphoreType.DMA,
            pltpu.SemaphoreType.DMA,
            pltpu.SemaphoreType.DMA,
            pltpu.SemaphoreType.DMA,
            pltpu.SemaphoreType.DMA,
            pltpu.SemaphoreType.DMA,
            pltpu.SemaphoreType.DMA,
        ],
    )
    def _sc_gather(dect_hbm, idx_hbm, out_hbm, idx_v, rows_v, dect_s,
                   gsem0, gsem1, gsem2, gsem3, wsem0, wsem1, wsem2, wsem3):
        sid = lax.axis_index("s")
        wid = sid * 2 + lax.axis_index("c")
        base = wid * _BPW
        gsems = (gsem0, gsem1, gsem2, gsem3)
        wsems = (wsem0, wsem1, wsem2, wsem3)

        @pl.when(sid == 0)
        def _stage():
            pltpu.sync_copy(dect_hbm, dect_s)

        pltpu.sync_copy(idx_hbm.at[pl.ds(base, _BPW)], idx_v)
        plsc.subcore_barrier()

        def gather(c, b):
            return pltpu.async_copy(
                dect_s.at[idx_v.at[pl.ds(c * _CH, _CH)]],
                rows_v.at[b], gsems[b])

        pend = [None] * 4
        wpend = [None] * 4
        pend[0] = gather(0, 0)
        pend[1] = gather(1, 1)
        for c in range(_NCH):
            b = c & 3
            if c + 2 < _NCH:
                bn = (c + 2) & 3
                if wpend[bn] is not None:
                    wpend[bn].wait()
                    wpend[bn] = None
                pend[bn] = gather(c + 2, bn)
            pend[b].wait()
            wpend[b] = pltpu.async_copy(
                rows_v.at[b], out_hbm.at[pl.ds(base + c * _CH, _CH)],
                wsems[b])
        for b in range(4):
            if wpend[b] is not None:
                wpend[b].wait()

    return _sc_gather


def kernel(samples, enc_W, enc_b, codebook, dec_W, dec_b):
    xt = jnp.swapaxes(samples, 1, 2)
    dec_Wp = jnp.pad(dec_W, ((0, 0), (0, _DP - _D_IN)))
    dec_bp = jnp.pad(dec_b, ((0, _DP - _D_IN),))
    dect, cm2, c2 = _prep_pass(codebook, dec_Wp, dec_bp)
    q, loss = _tc_pass(xt, enc_W, enc_b, cm2, c2)
    out = _make_sc_gather()(dect, q)
    return out[:, :_D_IN].reshape(_B, _T, _D_IN), loss[0, 0]

# --- scband reference (transcript-rebuilt; emitter-appended) ---
"""Pipeline reference for scband-vqvaemlp-50525995270571 (READ-ONLY COPY).

The authoritative reference and input builder live on the scoring server;
editing this copy changes nothing except your own understanding.
"""

import jax, jax.numpy as jnp
import numpy as np

B, T, D_IN, D_LAT, K = 128, 1024, 96, 32, 512
BETA = 0.95

def setup_inputs(seed: int = 0) -> dict:
    key = jax.random.key(seed)
    ks = jax.random.split(key, 6)
    samples = jax.random.normal(ks[0], (B, T, D_IN), dtype=jnp.float32)
    enc_W = jax.random.normal(ks[1], (D_IN, D_LAT), dtype=jnp.float32) * (1.0 / np.sqrt(D_IN))
    enc_b = jnp.zeros((D_LAT,), dtype=jnp.float32)
    codebook = jax.random.normal(ks[2], (K, D_LAT), dtype=jnp.float32)
    dec_W = jax.random.normal(ks[3], (D_LAT, D_IN), dtype=jnp.float32) * (1.0 / np.sqrt(D_LAT))
    dec_b = jnp.zeros((D_IN,), dtype=jnp.float32)
    return {"samples": samples, "enc_W": enc_W, "enc_b": enc_b, "codebook": codebook, "dec_W": dec_W, "dec_b": dec_b}

def reference(samples, enc_W, enc_b, codebook, dec_W, dec_b):
    # encoder: single Linear(input_dim, latent_dim)  (encoder_layers=None)
    z = samples @ enc_W + enc_b
    # VectorQuant: nearest-neighbor lookup in codebook
    zf = z.reshape(-1, z.shape[-1])
    d = (jnp.sum(zf * zf, axis=1, keepdims=True)
         - 2.0 * (zf @ codebook.T)
         + jnp.sum(codebook * codebook, axis=1)[None, :])
    q = jnp.argmin(d, axis=1)
    z_q = jnp.take(codebook, q, axis=0).reshape(z.shape)
    # commitment / codebook loss (vqtorch-style beta weighting)
    commit_loss = (BETA * jnp.mean((jax.lax.stop_gradient(z_q) - z) ** 2)
                   + (1.0 - BETA) * jnp.mean((z_q - jax.lax.stop_gradient(z)) ** 2))
    # straight-through estimator
    z_q_st = z + jax.lax.stop_gradient(z_q - z)
    # decoder: single Linear(latent_dim, input_dim)  (decoder_layers=None)
    x_reco = z_q_st @ dec_W + dec_b
    return (x_reco, commit_loss)

if __name__ == "__main__":
    import jax
    _d = setup_inputs()
    print(jax.jit(kernel)(*tuple(_d.values())))

</pallas_src>

<mosaic_0001>
#map = affine_map<(d0, d1) -> (0, 0)>
#map1 = affine_map<(d0, d1) -> (0)>
module attributes {stable_mosaic.version = 14 : i64} {
  func.func @_sc_gather(%arg0: i32, %arg1: i32, %arg2: memref<512x128xf32, #tpu.memory_space<hbm>>, %arg3: memref<131072xi32, #tpu.memory_space<hbm>>, %arg4: memref<131072x128xf32, #tpu.memory_space<hbm>>, %arg5: memref<4096xi32, #tpu.memory_space<vmem>>, %arg6: memref<4x128x128xf32, #tpu.memory_space<vmem>>, %arg7: memref<512x128xf32, #tpu.memory_space<vmem_shared>>, %arg8: memref<!tpu.dma_semaphore, #tpu.memory_space<semaphore_mem>>, %arg9: memref<!tpu.dma_semaphore, #tpu.memory_space<semaphore_mem>>, %arg10: memref<!tpu.dma_semaphore, #tpu.memory_space<semaphore_mem>>, %arg11: memref<!tpu.dma_semaphore, #tpu.memory_space<semaphore_mem>>, %arg12: memref<!tpu.dma_semaphore, #tpu.memory_space<semaphore_mem>>, %arg13: memref<!tpu.dma_semaphore, #tpu.memory_space<semaphore_mem>>, %arg14: memref<!tpu.dma_semaphore, #tpu.memory_space<semaphore_mem>>, %arg15: memref<!tpu.dma_semaphore, #tpu.memory_space<semaphore_mem>>) attributes {dimension_semantics = [#tpu.dimension_semantics<core_parallel>, #tpu.dimension_semantics<subcore_parallel>], iteration_bounds = array<i64: 2, 16>, scalar_prefetch = 0 : i64, scratch_operands = 11 : i64, tpu.core_type = #tpu.core_type<sc_vector_subcore>, window_params = [{transform_indices = #map}, {transform_indices = #map1}, {transform_indices = #map}]} {
    %mul3A = arith.constant 2 : i32
    %mul3A_0 = arith.muli %arg1, %mul3A : i32
    %add3A = arith.addi %mul3A_0, %arg0 : i32
    %mul3A_1 = arith.constant 4096 : i32
    %mul3A_2 = arith.muli %add3A, %mul3A_1 : i32
    %eq3A = arith.constant 0 : i32
    %eq3A_3 = arith.cmpi eq, %arg1, %eq3A : i32
    %convert_element_type3A = arith.extui %eq3A_3 : i1 to i32
    %cond3A = arith.constant 0 : i32
    %cond3A_4 = arith.cmpi ne, %convert_element_type3A, %cond3A : i32
    scf.if %cond3A_4 {
      "tpu.region"() ({
        %run_scoped3A = tpu.sem_alloc : memref<!tpu.dma_semaphore, #tpu.memory_space<semaphore_mem>>
        tpu.enqueue_dma source(%arg2 : memref<512x128xf32, #tpu.memory_space<hbm>>) target(%arg7 : memref<512x128xf32, #tpu.memory_space<vmem_shared>>) target_semaphore(%run_scoped3A : memref<!tpu.dma_semaphore, #tpu.memory_space<semaphore_mem>>)
        tpu.wait_dma2 semaphore(%run_scoped3A : memref<!tpu.dma_semaphore, #tpu.memory_space<semaphore_mem>>) src(%arg2 : memref<512x128xf32, #tpu.memory_space<hbm>>) dst(%arg7 : memref<512x128xf32, #tpu.memory_space<vmem_shared>>)
        tpu.yield
      }) : () -> ()
    } else {
    }
    "tpu.region"() ({
      %run_scoped3A = tpu.sem_alloc : memref<!tpu.dma_semaphore, #tpu.memory_space<semaphore_mem>>
      %dma_start3A_1539 = tpu.memref_slice %arg3[%mul3A_2] : memref<131072xi32, #tpu.memory_space<hbm>> -> memref<4096xi32, #tpu.memory_space<hbm>>
      %dma_start3A_1540 = tpu.memref_slice %arg3[%mul3A_2] : memref<131072xi32, #tpu.memory_space<hbm>> -> memref<4096xi32, #tpu.memory_space<hbm>>
      tpu.enqueue_dma source(%dma_start3A_1540 : memref<4096xi32, #tpu.memory_space<hbm>>) target(%arg5 : memref<4096xi32, #tpu.memory_space<vmem>>) target_semaphore(%run_scoped3A : memref<!tpu.dma_semaphore, #tpu.memory_space<semaphore_mem>>)
      %dma_wait3A_1541 = tpu.memref_slice %arg3[%mul3A_2] : memref<131072xi32, #tpu.memory_space<hbm>> -> memref<4096xi32, #tpu.memory_space<hbm>>
      %dma_wait3A_1542 = tpu.memref_slice %arg3[%mul3A_2] : memref<131072xi32, #tpu.memory_space<hbm>> -> memref<4096xi32, #tpu.memory_space<hbm>>
      tpu.wait_dma2 semaphore(%run_scoped3A : memref<!tpu.dma_semaphore, #tpu.memory_space<semaphore_mem>>) src(%dma_wait3A_1542 : memref<4096xi32, #tpu.memory_space<hbm>>) dst(%arg5 : memref<4096xi32, #tpu.memory_space<vmem>>)
      tpu.yield
    }) : () -> ()
    %barrier3A = arith.constant 0 : index
    tpu.barrier barrier_id(%barrier3A)
    %dma_start3A = arith.constant 0 : i32
    %dma_start3A_5 = arith.constant 0 : i32
    %dma_start3A_6 = arith.constant 0 : i32
    %dma_start3A_7 = tpu.memref_slice %arg6[%dma_start3A, %dma_start3A_5, %dma_start3A_6] : memref<4x128x128xf32, #tpu.memory_space<vmem>> -> memref<1x128x128xf32, #tpu.memory_space<vmem>>
    %dma_start3A_8 = tpu.memref_squeeze %dma_start3A_7 : memref<1x128x128xf32, #tpu.memory_space<vmem>> -> memref<128x128xf32, #tpu.memory_space<vmem>>
    %dma_start3A_9 = arith.constant 0 : i32
    %dma_start3A_10 = tpu.memref_slice %arg5[%dma_start3A_9] : memref<4096xi32, #tpu.memory_space<vmem>> -> memref<128xi32, #tpu.memory_space<vmem>>
    %dma_start3A_11 = arith.constant 0 : i32
    %dma_start3A_12 = arith.constant 0 : i32
    %dma_start3A_13 = tpu.memref_slice %arg7[%dma_start3A_11, %dma_start3A_12] : memref<512x128xf32, #tpu.memory_space<vmem_shared>> -> memref<512x128xf32, #tpu.memory_space<vmem_shared>>
    tpu.enqueue_indirect_dma source(%dma_start3A_13 : memref<512x128xf32, #tpu.memory_space<vmem_shared>>) target(%dma_start3A_8 : memref<128x128xf32, #tpu.memory_space<vmem>>) offsets(%dma_start3A_10 : memref<128xi32, #tpu.memory_space<vmem>>) semaphore(%arg8 : memref<!tpu.dma_semaphore, #tpu.memory_space<semaphore_mem>>)
    %dma_start3A_14 = arith.constant 1 : i32
    %dma_start3A_15 = arith.constant 0 : i32
    %dma_start3A_16 = arith.constant 0 : i32
    %dma_start3A_17 = tpu.memref_slice %arg6[%dma_start3A_14, %dma_start3A_15, %dma_start3A_16] : memref<4x128x128xf32, #tpu.memory_space<vmem>> -> memref<1x128x128xf32, #tpu.memory_space<vmem>>
    %dma_start3A_18 = tpu.memref_squeeze %dma_start3A_17 : memref<1x128x128xf32, #tpu.memory_space<vmem>> -> memref<128x128xf32, #tpu.memory_space<vmem>>
    %dma_start3A_19 = arith.constant 128 : i32
    %dma_start3A_20 = tpu.memref_slice %arg5[%dma_start3A_19] : memref<4096xi32, #tpu.memory_space<vmem>> -> memref<128xi32, #tpu.memory_space<vmem>>
    %dma_start3A_21 = arith.constant 0 : i32
    %dma_start3A_22 = arith.constant 0 : i32
    %dma_start3A_23 = tpu.memref_slice %arg7[%dma_start3A_21, %dma_start3A_22] : memref<512x128xf32, #tpu.memory_space<vmem_shared>> -> memref<512x128xf32, #tpu.memory_space<vmem_shared>>
    tpu.enqueue_indirect_dma source(%dma_start3A_23 : memref<512x128xf32, #tpu.memory_space<vmem_shared>>) target(%dma_start3A_18 : memref<128x128xf32, #tpu.memory_space<vmem>>) offsets(%dma_start3A_20 : memref<128xi32, #tpu.memory_space<vmem>>) semaphore(%arg9 : memref<!tpu.dma_semaphore, #tpu.memory_space<semaphore_mem>>)
    %dma_start3A_24 = arith.constant 2 : i32
    %dma_start3A_25 = arith.constant 0 : i32
    %dma_start3A_26 = arith.constant 0 : i32
    %dma_start3A_27 = tpu.memref_slice %arg6[%dma_start3A_24, %dma_start3A_25, %dma_start3A_26] : memref<4x128x128xf32, #tpu.memory_space<vmem>> -> memref<1x128x128xf32, #tpu.memory_space<vmem>>
    %dma_start3A_28 = tpu.memref_squeeze %dma_start3A_27 : memref<1x128x128xf32, #tpu.memory_space<vmem>> -> memref<128x128xf32, #tpu.memory_space<vmem>>
    %dma_start3A_29 = arith.constant 256 : i32
    %dma_start3A_30 = tpu.memref_slice %arg5[%dma_start3A_29] : memref<4096xi32, #tpu.memory_space<vmem>> -> memref<128xi32, #tpu.memory_space<vmem>>
    %dma_start3A_31 = arith.constant 0 : i32
    %dma_start3A_32 = arith.constant 0 : i32
    %dma_start3A_33 = tpu.memref_slice %arg7[%dma_start3A_31, %dma_start3A_32] : memref<512x128xf32, #tpu.memory_space<vmem_shared>> -> memref<512x128xf32, #tpu.memory_space<vmem_shared>>
    tpu.enqueue_indirect_dma source(%dma_start3A_33 : memref<512x128xf32, #tpu.memory_space<vmem_shared>>) target(%dma_start3A_28 : memref<128x128xf32, #tpu.memory_space<vmem>>) offsets(%dma_start3A_30 : memref<128xi32, #tpu.memory_space<vmem>>) semaphore(%arg10 : memref<!tpu.dma_semaphore, #tpu.memory_space<semaphore_mem>>)
    %dma_wait3A = arith.constant 0 : i32
    %dma_wait3A_34 = arith.constant 0 : i32
    %dma_wait3A_35 = arith.constant 0 : i32
    %dma_wait3A_36 = tpu.memref_slice %arg6[%dma_wait3A, %dma_wait3A_34, %dma_wait3A_35] : memref<4x128x128xf32, #tpu.memory_space<vmem>> -> memref<1x128x128xf32, #tpu.memory_space<vmem>>
    %dma_wait3A_37 = tpu.memref_squeeze %dma_wait3A_36 : memref<1x128x128xf32, #tpu.memory_space<vmem>> -> memref<128x128xf32, #tpu.memory_space<vmem>>
    %dma_wait3A_38 = arith.constant 0 : i32
    %dma_wait3A_39 = tpu.memref_slice %arg5[%dma_wait3A_38] : memref<4096xi32, #tpu.memory_space<vmem>> -> memref<128xi32, #tpu.memory_space<vmem>>
    %dma_wait3A_40 = arith.constant 0 : i32
    %dma_wait3A_41 = arith.constant 0 : i32
    %dma_wait3A_42 = tpu.memref_slice %arg7[%dma_wait3A_40, %dma_wait3A_41] : memref<512x128xf32, #tpu.memory_space<vmem_shared>> -> memref<512x128xf32, #tpu.memory_space<vmem_shared>>
    tpu.wait_indirect_dma semaphore(%arg8 : memref<!tpu.dma_semaphore, #tpu.memory_space<semaphore_mem>>) src(%dma_wait3A_42 : memref<512x128xf32, #tpu.memory_space<vmem_shared>>) dst(%dma_wait3A_37 : memref<128x128xf32, #tpu.memory_space<vmem>>)
    %add3A_43 = arith.constant 0 : i32
    %add3A_44 = arith.addi %mul3A_2, %add3A_43 : i32
    %dma_start3A_45 = arith.constant 0 : i32
    %dma_start3A_46 = arith.constant 0 : i32
    %dma_start3A_47 = arith.constant 0 : i32
    %dma_start3A_48 = tpu.memref_slice %arg6[%dma_start3A_45, %dma_start3A_46, %dma_start3A_47] : memref<4x128x128xf32, #tpu.memory_space<vmem>> -> memref<1x128x128xf32, #tpu.memory_space<vmem>>
    %dma_start3A_49 = tpu.memref_squeeze %dma_start3A_48 : memref<1x128x128xf32, #tpu.memory_space<vmem>> -> memref<128x128xf32, #tpu.memory_space<vmem>>
    %dma_start3A_50 = arith.constant 0 : i32
    %dma_start3A_51 = tpu.memref_slice %arg4[%add3A_44, %dma_start3A_50] : memref<131072x128xf32, #tpu.memory_space<hbm>> -> memref<128x128xf32, #tpu.memory_space<hbm>>
    %dma_start3A_52 = arith.constant 0 : i32
    %dma_start3A_53 = tpu.memref_slice %arg4[%add3A_44, %dma_start3A_52] : memref<131072x128xf32, #tpu.memory_space<hbm>> -> memref<128x128xf32, #tpu.memory_space<hbm>>
    %dma_start3A_54 = arith.constant 0 : i32
    %dma_start3A_55 = arith.constant 0 : i32
    %dma_start3A_56 = tpu.memref_slice %arg6[%dma_start3A_45, %dma_start3A_54, %dma_start3A_55] : memref<4x128x128xf32, #tpu.memory_space<vmem>> -> memref<1x128x128xf32, #tpu.memory_space<vmem>>
    %dma_start3A_57 = tpu.memref_squeeze %dma_start3A_56 : memref<1x128x128xf32, #tpu.memory_space<vmem>> -> memref<128x128xf32, #tpu.memory_space<vmem>>
    tpu.enqueue_dma source(%dma_start3A_57 : memref<128x128xf32, #tpu.memory_space<vmem>>) target(%dma_start3A_53 : memref<128x128xf32, #tpu.memory_space<hbm>>) target_semaphore(%arg12 : memref<!tpu.dma_semaphore, #tpu.memory_space<semaphore_mem>>)
    %dma_start3A_58 = arith.constant 3 : i32
    %dma_start3A_59 = arith.constant 0 : i32
    %dma_start3A_60 = arith.constant 0 : i32
    %dma_start3A_61 = tpu.memref_slice %arg6[%dma_start3A_58, %dma_start3A_59, %dma_start3A_60] : memref<4x128x128xf32, #tpu.memory_space<vmem>> -> memref<1x128x128xf32, #tpu.memory_space<vmem>>
    %dma_start3A_62 = tpu.memref_squeeze %dma_start3A_61 : memref<1x128x128xf32, #tpu.memory_space<vmem>> -> memref<128x128xf32, #tpu.memory_space<vmem>>
    %dma_start3A_63 = arith.constant 384 : i32
    %dma_start3A_64 = tpu.memref_slice %arg5[%dma_start3A_63] : memref<4096xi32, #tpu.memory_space<vmem>> -> memref<128xi32, #tpu.memory_space<vmem>>
    %dma_start3A_65 = arith.constant 0 : i32
    %dma_start3A_66 = arith.constant 0 : i32
    %dma_start3A_67 = tpu.memref_slice %arg7[%dma_start3A_65, %dma_start3A_66] : memref<512x128xf32, #tpu.memory_space<vmem_shared>> -> memref<512x128xf32, #tpu.memory_space<vmem_shared>>
    tpu.enqueue_indirect_dma source(%dma_start3A_67 : memref<512x128xf32, #tpu.memory_space<vmem_shared>>) target(%dma_start3A_62 : memref<128x128xf32, #tpu.memory_space<vmem>>) offsets(%dma_start3A_64 : memref<128xi32, #tpu.memory_space<vmem>>) semaphore(%arg11 : memref<!tpu.dma_semaphore, #tpu.memory_space<semaphore_mem>>)
    %dma_wait3A_68 = arith.constant 1 : i32
    %dma_wait3A_69 = arith.constant 0 : i32
    %dma_wait3A_70 = arith.constant 0 : i32
    %dma_wait3A_71 = tpu.memref_slice %arg6[%dma_wait3A_68, %dma_wait3A_69, %dma_wait3A_70] : memref<4x128x128xf32, #tpu.memory_space<vmem>> -> memref<1x128x128xf32, #tpu.memory_space<vmem>>
    %dma_wait3A_72 = tpu.memref_squeeze %dma_wait3A_71 : memref<1x128x128xf32, #tpu.memory_space<vmem>> -> memref<128x128xf32, #tpu.memory_space<vmem>>
    %dma_wait3A_73 = arith.constant 128 : i32
    %dma_wait3A_74 = tpu.memref_slice %arg5[%dma_wait3A_73] : memref<4096xi32, #tpu.memory_space<vmem>> -> memref<128xi32, #tpu.memory_space<vmem>>
    %dma_wait3A_75 = arith.constant 0 : i32
    %dma_wait3A_76 = arith.constant 0 : i32
    %dma_wait3A_77 = tpu.memref_slice %arg7[%dma_wait3A_75, %dma_wait3A_76] : memref<512x128xf32, #tpu.memory_space<vmem_shared>> -> memref<512x128xf32, #tpu.memory_space<vmem_shared>>
    tpu.wait_indirect_dma semaphore(%arg9 : memref<!tpu.dma_semaphore, #tpu.memory_space<semaphore_mem>>) src(%dma_wait3A_77 : memref<512x128xf32, #tpu.memory_space<vmem_shared>>) dst(%dma_wait3A_72 : memref<128x128xf32, #tpu.memory_space<vmem>>)
    %add3A_78 = arith.constant 128 : i32
    %add3A_79 = arith.addi %mul3A_2, %add3A_78 : i32
    %dma_start3A_80 = arith.constant 1 : i32
    %dma_start3A_81 = arith.constant 0 : i32
    %dma_start3A_82 = arith.constant 0 : i32
    %dma_start3A_83 = tpu.memref_slice %arg6[%dma_start3A_80, %dma_start3A_81, %dma_start3A_82] : memref<4x128x128xf32, #tpu.memory_space<vmem>> -> memref<1x128x128xf32, #tpu.memory_space<vmem>>
    %dma_start3A_84 = tpu.memref_squeeze %dma_start3A_83 : memref<1x128x128xf32, #tpu.memory_space<vmem>> -> memref<128x128xf32, #tpu.memory_space<vmem>>
    %dma_start3A_85 = arith.constant 0 : i32
    %dma_start3A_86 = tpu.memref_slice %arg4[%add3A_79, %dma_start3A_85] : memref<131072x128xf32, #tpu.memory_space<hbm>> -> memref<128x128xf32, #tpu.memory_space<hbm>>
    %dma_start3A_87 = arith.constant 0 : i32
    %dma_start3A_88 = tpu.memref_slice %arg4[%add3A_79, %dma_start3A_87] : memref<131072x128xf32, #tpu.memory_space<hbm>> -> memref<128x128xf32, #tpu.memory_space<hbm>>
    %dma_start3A_89 = arith.constant 0 : i32
    %dma_start3A_90 = arith.constant 0 : i32
    %dma_start3A_91 = tpu.memref_slice %arg6[%dma_start3A_80, %dma_start3A_89, %dma_start3A_90] : memref<4x128x128xf32, #tpu.memory_space<vmem>> -> memref<1x128x128xf32, #tpu.memory_space<vmem>>
    %dma_start3A_92 = tpu.memref_squeeze %dma_start3A_91 : memref<1x128x128xf32, #tpu.memory_space<vmem>> -> memref<128x128xf32, #tpu.memory_space<vmem>>
    tpu.enqueue_dma source(%dma_start3A_92 : memref<128x128xf32, #tpu.memory_space<vmem>>) target(%dma_start3A_88 : memref<128x128xf32, #tpu.memory_space<hbm>>) target_semaphore(%arg13 : memref<!tpu.dma_semaphore, #tpu.memory_space<semaphore_mem>>)
    %dma_wait3A_93 = arith.constant 0 : i32
    %dma_wait3A_94 = arith.constant 0 : i32
    %dma_wait3A_95 = arith.constant 0 : i32
    %dma_wait3A_96 = tpu.memref_slice %arg6[%dma_wait3A_93, %dma_wait3A_94, %dma_wait3A_95] : memref<4x128x128xf32, #tpu.memory_space<vmem>> -> memref<1x128x128xf32, #tpu.memory_space<vmem>>
    %dma_wait3A_97 = tpu.memref_squeeze %dma_wait3A_96 : memref<1x128x128xf32, #tpu.memory_space<vmem>> -> memref<128x128xf32, #tpu.memory_space<vmem>>
    %dma_wait3A_98 = arith.constant 0 : i32
    %dma_wait3A_99 = tpu.memref_slice %arg4[%add3A_44, %dma_wait3A_98] : memref<131072x128xf32, #tpu.memory_space<hbm>> -> memref<128x128xf32, #tpu.memory_space<hbm>>
    %dma_wait3A_100 = arith.constant 0 : i32
    %dma_wait3A_101 = tpu.memref_slice %arg4[%add3A_44, %dma_wait3A_100] : memref<131072x128xf32, #tpu.memory_space<hbm>> -> memref<128x128xf32, #tpu.memory_space<hbm>>
    %dma_wait3A_102 = arith.constant 0 : i32
    %dma_wait3A_103 = arith.constant 0 : i32
    %dma_wait3A_104 = tpu.memref_slice %arg6[%dma_wait3A_93, %dma_wait3A_102, %dma_wait3A_103] : memref<4x128x128xf32, #tpu.memory_space<vmem>> -> memref<1x128x128xf32, #tpu.memory_space<vmem>>
    %dma_wait3A_105 = tpu.memref_squeeze %dma_wait3A_104 : memref<1x128x128xf32, #tpu.memory_space<vmem>> -> memref<128x128xf32, #tpu.memory_space<vmem>>
    tpu.wait_dma2 semaphore(%arg12 : memref<!tpu.dma_semaphore, #tpu.memory_space<semaphore_mem>>) src(%dma_wait3A_105 : memref<128x128xf32, #tpu.memory_space<vmem>>) dst(%dma_wait3A_101 : memref<128x128xf32, #tpu.memory_space<hbm>>)
    %dma_start3A_106 = arith.constant 0 : i32
    %dma_start3A_107 = arith.constant 0 : i32
    %dma_start3A_108 = arith.constant 0 : i32
    %dma_start3A_109 = tpu.memref_slice %arg6[%dma_start3A_106, %dma_start3A_107, %dma_start3A_108] : memref<4x128x128xf32, #tpu.memory_space<vmem>> -> memref<1x128x128xf32, #tpu.memory_space<vmem>>
    %dma_start3A_110 = tpu.memref_squeeze %dma_start3A_109 : memref<1x128x128xf32, #tpu.memory_space<vmem>> -> memref<128x128xf32, #tpu.memory_space<vmem>>
    %dma_start3A_111 = arith.constant 512 : i32
    %dma_start3A_112 = tpu.memref_slice %arg5[%dma_start3A_111] : memref<4096xi32, #tpu.memory_space<vmem>> -> memref<128xi32, #tpu.memory_space<vmem>>
    %dma_start3A_113 = arith.constant 0 : i32
    %dma_start3A_114 = arith.constant 0 : i32
    %dma_start3A_115 = tpu.memref_slice %arg7[%dma_start3A_113, %dma_start3A_114] : memref<512x128xf32, #tpu.memory_space<vmem_shared>> -> memref<512x128xf32, #tpu.memory_space<vmem_shared>>
    tpu.enqueue_indirect_dma source(%dma_start3A_115 : memref<512x128xf32, #tpu.memory_space<vmem_shared>>) target(%dma_start3A_110 : memref<128x128xf32, #tpu.memory_space<vmem>>) offsets(%dma_start3A_112 : memref<128xi32, #tpu.memory_space<vmem>>) semaphore(%arg8 : memref<!tpu.dma_semaphore, #tpu.memory_space<semaphore_mem>>)
    %dma_wait3A_116 = arith.constant 2 : i32
    %dma_wait3A_117 = arith.constant 0 : i32
    %dma_wait3A_118 = arith.constant 0 : i32
    %dma_wait3A_119 = tpu.memref_slice %arg6[%dma_wait3A_116, %dma_wait3A_117, %dma_wait3A_118] : memref<4x128x128xf32, #tpu.memory_space<vmem>> -> memref<1x128x128xf32, #tpu.memory_space<vmem>>
    %dma_wait3A_120 = tpu.memref_squeeze %dma_wait3A_119 : memref<1x128x128xf32, #tpu.memory_space<vmem>> -> memref<128x128xf32, #tpu.memory_space<vmem>>
    %dma_wait3A_121 = arith.constant 256 : i32
    %dma_wait3A_122 = tpu.memref_slice %arg5[%dma_wait3A_121] : memref<4096xi32, #tpu.memory_space<vmem>> -> memref<128xi32, #tpu.memory_space<vmem>>
    %dma_wait3A_123 = arith.constant 0 : i32
    %dma_wait3A_124 = arith.constant 0 : i32
    %dma_wait3A_125 = tpu.memref_slice %arg7[%dma_wait3A_123, %dma_wait3A_124] : memref<512x128xf32, #tpu.memory_space<vmem_shared>> -> memref<512x128xf32, #tpu.memory_space<vmem_shared>>
    tpu.wait_indirect_dma semaphore(%arg10 : memref<!tpu.dma_semaphore, #tpu.memory_space<semaphore_mem>>) src(%dma_wait3A_125 : memref<512x128xf32, #tpu.memory_space<vmem_shared>>) dst(%dma_wait3A_120 : memref<128x128xf32, #tpu.memory_space<vmem>>)
    %add3A_126 = arith.constant 256 : i32
    %add3A_127 = arith.addi %mul3A_2, %add3A_126 : i32
    %dma_start3A_128 = arith.constant 2 : i32
    %dma_start3A_129 = arith.constant 0 : i32
    %dma_start3A_130 = arith.constant 0 : i32
    %dma_start3A_131 = tpu.memref_slice %arg6[%dma_start3A_128, %dma_start3A_129, %dma_start3A_130] : memref<4x128x128xf32, #tpu.memory_space<vmem>> -> memref<1x128x128xf32, #tpu.memory_space<vmem>>
    %dma_start3A_132 = tpu.memref_squeeze %dma_start3A_131 : memref<1x128x128xf32, #tpu.memory_space<vmem>> -> memref<128x128xf32, #tpu.memory_space<vmem>>
    %dma_start3A_133 = arith.constant 0 : i32
    %dma_start3A_134 = tpu.memref_slice %arg4[%add3A_127, %dma_start3A_133] : memref<131072x128xf32, #tpu.memory_space<hbm>> -> memref<128x128xf32, #tpu.memory_space<hbm>>
    %dma_start3A_135 = arith.constant 0 : i32
    %dma_start3A_136 = tpu.memref_slice %arg4[%add3A_127, %dma_start3A_135] : memref<131072x128xf32, #tpu.memory_space<hbm>> -> memref<128x128xf32, #tpu.memory_space<hbm>>
    %dma_start3A_137 = arith.constant 0 : i32
    %dma_start3A_138 = arith.constant 0 : i32
    %dma_start3A_139 = tpu.memref_slice %arg6[%dma_start3A_128, %dma_start3A_137, %dma_start3A_138] : memref<4x128x128xf32, #tpu.memory_space<vmem>> -> memref<1x128x128xf32, #tpu.memory_space<vmem>>
    %dma_start3A_140 = tpu.memref_squeeze %dma_start3A_139 : memref<1x128x128xf32, #tpu.memory_space<vmem>> -> memref<128x128xf32, #tpu.memory_space<vmem>>
    tpu.enqueue_dma source(%dma_start3A_140 : memref<128x128xf32, #tpu.memory_space<vmem>>) target(%dma_start3A_136 : memref<128x128xf32, #tpu.memory_space<hbm>>) target_semaphore(%arg14 : memref<!tpu.dma_semaphore, #tpu.memory_space<semaphore_mem>>)
    %dma_wait3A_141 = arith.constant 1 : i32
    %dma_wait3A_142 = arith.constant 0 : i32
    %dma_wait3A_143 = arith.constant 0 : i32
    %dma_wait3A_144 = tpu.memref_slice %arg6[%dma_wait3A_141, %dma_wait3A_142, %dma_wait3A_143] : memref<4x128x128xf32, #tpu.memory_space<vmem>> -> memref<1x128x128xf32, #tpu.memory_space<vmem>>
    %dma_wait3A_145 = tpu.memref_squeeze %dma_wait3A_144 : memref<1x128x128xf32, #tpu.memory_space<vmem>> -> memref<128x128xf32, #tpu.memory_space<vmem>>
    %dma_wait3A_146 = arith.constant 0 : i32
    %dma_wait3A_147 = tpu.memref_slice %arg4[%add3A_79, %dma_wait3A_146] : memref<131072x128xf32, #tpu.memory_space<hbm>> -> memref<128x128xf32, #tpu.memory_space<hbm>>
    %dma_wait3A_148 = arith.constant 0 : i32
    %dma_wait3A_149 = tpu.memref_slice %arg4[%add3A_79, %dma_wait3A_148] : memref<131072x128xf32, #tpu.memory_space<hbm>> -> memref<128x128xf32, #tpu.memory_space<hbm>>
    %dma_wait3A_150 = arith.constant 0 : i32
    %dma_wait3A_151 = arith.constant 0 : i32
    %dma_wait3A_152 = tpu.memref_slice %arg6[%dma_wait3A_141, %dma_wait3A_150, %dma_wait3A_151] : memref<4x128x128xf32, #tpu.memory_space<vmem>> -> memref<1x128x128xf32, #tpu.memory_space<vmem>>
    %dma_wait3A_153 = tpu.memref_squeeze %dma_wait3A_152 : memref<1x128x128xf32, #tpu.memory_space<vmem>> -> memref<128x128xf32, #tpu.memory_space<vmem>>
    tpu.wait_dma2 semaphore(%arg13 : memref<!tpu.dma_semaphore, #tpu.memory_space<semaphore_mem>>) src(%dma_wait3A_153 : memref<128x128xf32, #tpu.memory_space<vmem>>) dst(%dma_wait3A_149 : memref<128x128xf32, #tpu.memory_space<hbm>>)
    %dma_start3A_154 = arith.constant 1 : i32
    %dma_start3A_155 = arith.constant 0 : i32
    %dma_start3A_156 = arith.constant 0 : i32
    %dma_start3A_157 = tpu.memref_slice %arg6[%dma_start3A_154, %dma_start3A_155, %dma_start3A_156] : memref<4x128x128xf32, #tpu.memory_space<vmem>> -> memref<1x128x128xf32, #tpu.memory_space<vmem>>
    %dma_start3A_158 = tpu.memref_squeeze %dma_start3A_157 : memref<1x128x128xf32, #tpu.memory_space<vmem>> -> memref<128x128xf32, #tpu.memory_space<vmem>>
    %dma_start3A_159 = arith.constant 640 : i32
    %dma_start3A_160 = tpu.memref_slice %arg5[%dma_start3A_159] : memref<4096xi32, #tpu.memory_space<vmem>> -> memref<128xi32, #tpu.memory_space<vmem>>
    %dma_start3A_161 = arith.constant 0 : i32
    %dma_start3A_162 = arith.constant 0 : i32
    %dma_start3A_163 = tpu.memref_slice %arg7[%dma_start3A_161, %dma_start3A_162] : memref<512x128xf32, #tpu.memory_space<vmem_shared>> -> memref<512x128xf32, #tpu.memory_space<vmem_shared>>
    tpu.enqueue_indirect_dma source(%dma_start3A_163 : memref<512x128xf32, #tpu.memory_space<vmem_shared>>) target(%dma_start3A_158 : memref<128x128xf32, #tpu.memory_space<vmem>>) offsets(%dma_start3A_160 : memref<128xi32, #tpu.memory_space<vmem>>) semaphore(%arg9 : memref<!tpu.dma_semaphore, #tpu.memory_space<semaphore_mem>>)
    %dma_wait3A_164 = arith.constant 3 : i32
    %dma_wait3A_165 = arith.constant 0 : i32
    %dma_wait3A_166 = arith.constant 0 : i32
    %dma_wait3A_167 = tpu.memref_slice %arg6[%dma_wait3A_164, %dma_wait3A_165, %dma_wait3A_166] : memref<4x128x128xf32, #tpu.memory_space<vmem>> -> memref<1x128x128xf32, #tpu.memory_space<vmem>>
    %dma_wait3A_168 = tpu.memref_squeeze %dma_wait3A_167 : memref<1x128x128xf32, #tpu.memory_space<vmem>> -> memref<128x128xf32, #tpu.memory_space<vmem>>
    %dma_wait3A_169 = arith.constant 384 : i32
    %dma_wait3A_170 = tpu.memref_slice %arg5[%dma_wait3A_169] : memref<4096xi32, #tpu.memory_space<vmem>> -> memref<128xi32, #tpu.memory_space<vmem>>
    %dma_wait3A_171 = arith.constant 0 : i32
    %dma_wait3A_172 = arith.constant 0 : i32
    %dma_wait3A_173 = tpu.memref_slice %arg7[%dma_wait3A_171, %dma_wait3A_172] : memref<512x128xf32, #tpu.memory_space<vmem_shared>> -> memref<512x128xf32, #tpu.memory_space<vmem_shared>>
    tpu.wait_indirect_dma semaphore(%arg11 : memref<!tpu.dma_semaphore, #tpu.memory_space<semaphore_mem>>) src(%dma_wait3A_173 : memref<512x128xf32, #tpu.memory_space<vmem_shared>>) dst(%dma_wait3A_168 : memref<128x128xf32, #tpu.memory_space<vmem>>)
    %add3A_174 = arith.constant 384 : i32
    %add3A_175 = arith.addi %mul3A_2, %add3A_174 : i32
    %dma_start3A_176 = arith.constant 3 : i32
    %dma_start3A_177 = arith.constant 0 : i32
    %dma_start3A_178 = arith.constant 0 : i32
    %dma_start3A_179 = tpu.memref_slice %arg6[%dma_start3A_176, %dma_start3A_177, %dma_start3A_178] : memref<4x128x128xf32, #tpu.memory_space<vmem>> -> memref<1x128x128xf32, #tpu.memory_space<vmem>>
    %dma_start3A_180 = tpu.memref_squeeze %dma_start3A_179 : memref<1x128x128xf32, #tpu.memory_space<vmem>> -> memref<128x128xf32, #tpu.memory_space<vmem>>
    %dma_start3A_181 = arith.constant 0 : i32
    %dma_start3A_182 = tpu.memref_slice %arg4[%add3A_175, %dma_start3A_181] : memref<131072x128xf32, #tpu.memory_space<hbm>> -> memref<128x128xf32, #tpu.memory_space<hbm>>
    %dma_start3A_183 = arith.constant 0 : i32
    %dma_start3A_184 = tpu.memref_slice %arg4[%add3A_175, %dma_start3A_183] : memref<131072x128xf32, #tpu.memory_space<hbm>> -> memref<128x128xf32, #tpu.memory_space<hbm>>
    %dma_start3A_185 = arith.constant 0 : i32
    %dma_start3A_186 = arith.constant 0 : i32
    %dma_start3A_187 = tpu.memref_slice %arg6[%dma_start3A_176, %dma_start3A_185, %dma_start3A_186] : memref<4x128x128xf32, #tpu.memory_space<vmem>> -> memref<1x128x128xf32, #tpu.memory_space<vmem>>
    %dma_start3A_188 = tpu.memref_squeeze %dma_start3A_187 : memref<1x128x128xf32, #tpu.memory_space<vmem>> -> memref<128x128xf32, #tpu.memory_space<vmem>>
    tpu.enqueue_dma source(%dma_start3A_188 : memref<128x128xf32, #tpu.memory_space<vmem>>) target(%dma_start3A_184 : memref<128x128xf32, #tpu.memory_space<hbm>>) target_semaphore(%arg15 : memref<!tpu.dma_semaphore, #tpu.memory_space<semaphore_mem>>)
    %dma_wait3A_189 = arith.constant 2 : i32
    %dma_wait3A_190 = arith.constant 0 : i32
    %dma_wait3A_191 = arith.constant 0 : i32
    %dma_wait3A_192 = tpu.memref_slice %arg6[%dma_wait3A_189, %dma_wait3A_190, %dma_wait3A_191] : memref<4x128x128xf32, #tpu.memory_space<vmem>> -> memref<1x128x128xf32, #tpu.memory_space<vmem>>
    %dma_wait3A_193 = tpu.memref_squeeze %dma_wait3A_192 : memref<1x128x128xf32, #tpu.memory_space<vmem>> -> memref<128x128xf32, #tpu.memory_space<vmem>>
    %dma_wait3A_194 = arith.constant 0 : i32
    %dma_wait3A_195 = tpu.memref_slice %arg4[%add3A_127, %dma_wait3A_194] : memref<131072x128xf32, #tpu.memory_space<hbm>> -> memref<128x128xf32, #tpu.memory_space<hbm>>
    %dma_wait3A_196 = arith.constant 0 : i32
    %dma_wait3A_197 = tpu.memref_slice %arg4[%add3A_127, %dma_wait3A_196] : memref<131072x128xf32, #tpu.memory_space<hbm>> -> memref<128x128xf32, #tpu.memory_space<hbm>>
    %dma_wait3A_198 = arith.constant 0 : i32
    %dma_wait3A_199 = arith.constant 0 : i32
    %dma_wait3A_200 = tpu.memref_slice %arg6[%dma_wait3A_189, %dma_wait3A_198, %dma_wait3A_199] : memref<4x128x128xf32, #tpu.memory_space<vmem>> -> memref<1x128x128xf32, #tpu.memory_space<vmem>>
    %dma_wait3A_201 = tpu.memref_squeeze %dma_wait3A_200 : memref<1x128x128xf32, #tpu.memory_space<vmem>> -> memref<128x128xf32, #tpu.memory_space<vmem>>
    tpu.wait_dma2 semaphore(%arg14 : memref<!tpu.dma_semaphore, #tpu.memory_space<semaphore_mem>>) src(%dma_wait3A_201 : memref<128x128xf32, #tpu.memory_space<vmem>>) dst(%dma_wait3A_197 : memref<128x128xf32, #tpu.memory_space<hbm>>)
    %dma_start3A_202 = arith.constant 2 : i32
    %dma_start3A_203 = arith.constant 0 : i32
    %dma_start3A_204 = arith.constant 0 : i32
    %dma_start3A_205 = tpu.memref_slice %arg6[%dma_start3A_202, %dma_start3A_203, %dma_start3A_204] : memref<4x128x128xf32, #tpu.memory_space<vmem>> -> memref<1x128x128xf32, #tpu.memory_space<vmem>>
    %dma_start3A_206 = tpu.memref_squeeze %dma_start3A_205 : memref<1x128x128xf32, #tpu.memory_space<vmem>> -> memref<128x128xf32, #tpu.memory_space<vmem>>
    %dma_start3A_207 = arith.constant 768 : i32
    %dma_start3A_208 = tpu.memref_slice %arg5[%dma_start3A_207] : memref<4096xi32, #tpu.memory_space<vmem>> -> memref<128xi32, #tpu.memory_space<vmem>>
    %dma_start3A_209 = arith.constant 0 : i32
    %dma_start3A_210 = arith.constant 0 : i32
    %dma_start3A_211 = tpu.memref_slice %arg7[%dma_start3A_209, %dma_start3A_210] : memref<512x128xf32, #tpu.memory_space<vmem_shared>> -> memref<512x128xf32, #tpu.memory_space<vmem_shared>>
    tpu.enqueue_indirect_dma source(%dma_start3A_211 : memref<512x128xf32, #tpu.memory_space<vmem_shared>>) target(%dma_start3A_206 : memref<128x128xf32, #tpu.memory_space<vmem>>) offsets(%dma_start3A_208 : memref<128xi32, #tpu.memory_space<vmem>>) semaphore(%arg10 : memref<!tpu.dma_semaphore, #tpu.memory_space<semaphore_mem>>)
    %dma_wait3A_212 = arith.constant 0 : i32
    %dma_wait3A_213 = arith.constant 0 : i32
    %dma_wait3A_214 = arith.constant 0 : i32
    %dma_wait3A_215 = tpu.memref_slice %arg6[%dma_wait3A_212, %dma_wait3A_213, %dma_wait3A_214] : memref<4x128x128xf32, #tpu.memory_space<vmem>> -> memref<1x128x128xf32, #tpu.memory_space<vmem>>
    %dma_wait3A_216 = tpu.memref_squeeze %dma_wait3A_215 : memref<1x128x128xf32, #tpu.memory_space<vmem>> -> memref<128x128xf32, #tpu.memory_space<vmem>>
    %dma_wait3A_217 = arith.constant 512 : i32
    %dma_wait3A_218 = tpu.memref_slice %arg5[%dma_wait3A_217] : memref<4096xi32, #tpu.memory_space<vmem>> -> memref<128xi32, #tpu.memory_space<vmem>>
    %dma_wait3A_219 = arith.constant 0 : i32
    %dma_wait3A_220 = arith.constant 0 : i32
    %dma_wait3A_221 = tpu.memref_slice %arg7[%dma_wait3A_219, %dma_wait3A_220] : memref<512x128xf32, #tpu.memory_space<vmem_shared>> -> memref<512x128xf32, #tpu.memory_space<vmem_shared>>
    tpu.wait_indirect_dma semaphore(%arg8 : memref<!tpu.dma_semaphore, #tpu.memory_space<semaphore_mem>>) src(%dma_wait3A_221 : memref<512x128xf32, #tpu.memory_space<vmem_shared>>) dst(%dma_wait3A_216 : memref<128x128xf32, #tpu.memory_space<vmem>>)
    %add3A_222 = arith.constant 512 : i32
    %add3A_223 = arith.addi %mul3A_2, %add3A_222 : i32
    %dma_start3A_224 = arith.constant 0 : i32
    %dma_start3A_225 = arith.constant 0 : i32
    %dma_start3A_226 = arith.constant 0 : i32
    %dma_start3A_227 = tpu.memref_slice %arg6[%dma_start3A_224, %dma_start3A_225, %dma_start3A_226] : memref<4x128x128xf32, #tpu.memory_space<vmem>> -> memref<1x128x128xf32, #tpu.memory_space<vmem>>
    %dma_start3A_228 = tpu.memref_squeeze %dma_start3A_227 : memref<1x128x128xf32, #tpu.memory_space<vmem>> -> memref<128x128xf32, #tpu.memory_space<vmem>>
    %dma_start3A_229 = arith.constant 0 : i32
    %dma_start3A_230 = tpu.memref_slice %arg4[%add3A_223, %dma_start3A_229] : memref<131072x128xf32, #tpu.memory_space<hbm>> -> memref<128x128xf32, #tpu.memory_space<hbm>>
    %dma_start3A_231 = arith.constant 0 : i32
    %dma_start3A_232 = tpu.memref_slice %arg4[%add3A_223, %dma_start3A_231] : memref<131072x128xf32, #tpu.memory_space<hbm>> -> memref<128x128xf32, #tpu.memory_space<hbm>>
    %dma_start3A_233 = arith.constant 0 : i32
    %dma_start3A_234 = arith.constant 0 : i32
    %dma_start3A_235 = tpu.memref_slice %arg6[%dma_start3A_224, %dma_start3A_233, %dma_start3A_234] : memref<4x128x128xf32, #tpu.memory_space<vmem>> -> memref<1x128x128xf32, #tpu.memory_space<vmem>>
    %dma_start3A_236 = tpu.memref_squeeze %dma_start3A_235 : memref<1x128x128xf32, #tpu.memory_space<vmem>> -> memref<128x128xf32, #tpu.memory_space<vmem>>
    tpu.enqueue_dma source(%dma_start3A_236 : memref<128x128xf32, #tpu.memory_space<vmem>>) target(%dma_start3A_232 : memref<128x128xf32, #tpu.memory_space<hbm>>) target_semaphore(%arg12 : memref<!tpu.dma_semaphore, #tpu.memory_space<semaphore_mem>>)
    %dma_wait3A_237 = arith.constant 3 : i32
    %dma_wait3A_238 = arith.constant 0 : i32
    %dma_wait3A_239 = arith.constant 0 : i32
    %dma_wait3A_240 = tpu.memref_slice %arg6[%dma_wait3A_237, %dma_wait3A_238, %dma_wait3A_239] : memref<4x128x128xf32, #tpu.memory_space<vmem>> -> memref<1x128x128xf32, #tpu.memory_space<vmem>>
    %dma_wait3A_241 = tpu.memref_squeeze %dma_wait3A_240 : memref<1x128x128xf32, #tpu.memory_space<vmem>> -> memref<128x128xf32, #tpu.memory_space<vmem>>
    %dma_wait3A_242 = arith.constant 0 : i32
    %dma_wait3A_243 = tpu.memref_slice %arg4[%add3A_175, %dma_wait3A_242] : memref<131072x128xf32, #tpu.memory_space<hbm>> -> memref<128x128xf32, #tpu.memory_space<hbm>>
    %dma_wait3A_244 = arith.constant 0 : i32
    %dma_wait3A_245 = tpu.memref_slice %arg4[%add3A_175, %dma_wait3A_244] : memref<131072x128xf32, #tpu.memory_space<hbm>> -> memref<128x128xf32, #tpu.memory_space<hbm>>
    %dma_wait3A_246 = arith.constant 0 : i32
    %dma_wait3A_247 = arith.constant 0 : i32
    %dma_wait3A_248 = tpu.memref_slice %arg6[%dma_wait3A_237, %dma_wait3A_246, %dma_wait3A_247] : memref<4x128x128xf32, #tpu.memory_space<vmem>> -> memref<1x128x128xf32, #tpu.memory_space<vmem>>
    %dma_wait3A_249 = tpu.memref_squeeze %dma_wait3A_248 : memref<1x128x128xf32, #tpu.memory_space<vmem>> -> memref<128x128xf32, #tpu.memory_space<vmem>>
    tpu.wait_dma2 semaphore(%arg15 : memref<!tpu.dma_semaphore, #tpu.memory_space<semaphore_mem>>) src(%dma_wait3A_249 : memref<128x128xf32, #tpu.memory_space<vmem>>) dst(%dma_wait3A_245 : memref<128x128xf32, #tpu.memory_space<hbm>>)
    %dma_start3A_250 = arith.constant 3 : i32
    %dma_start3A_251 = arith.constant 0 : i32
    %dma_start3A_252 = arith.constant 0 : i32
    %dma_start3A_253 = tpu.memref_slice %arg6[%dma_start3A_250, %dma_start3A_251, %dma_start3A_252] : memref<4x128x128xf32, #tpu.memory_space<vmem>> -> memref<1x128x128xf32, #tpu.memory_space<vmem>>
    %dma_start3A_254 = tpu.memref_squeeze %dma_start3A_253 : memref<1x128x128xf32, #tpu.memory_space<vmem>> -> memref<128x128xf32, #tpu.memory_space<vmem>>
    %dma_start3A_255 = arith.constant 896 : i32
    %dma_start3A_256 = tpu.memref_slice %arg5[%dma_start3A_255] : memref<4096xi32, #tpu.memory_space<vmem>> -> memref<128xi32, #tpu.memory_space<vmem>>
    %dma_start3A_257 = arith.constant 0 : i32
    %dma_start3A_258 = arith.constant 0 : i32
    %dma_start3A_259 = tpu.memref_slice %arg7[%dma_start3A_257, %dma_start3A_258] : memref<512x128xf32, #tpu.memory_space<vmem_shared>> -> memref<512x128xf32, #tpu.memory_space<vmem_shared>>
    tpu.enqueue_indirect_dma source(%dma_start3A_259 : memref<512x128xf32, #tpu.memory_space<vmem_shared>>) target(%dma_start3A_254 : memref<128x128xf32, #tpu.memory_space<vmem>>) offsets(%dma_start3A_256 : memref<128xi32, #tpu.memory_space<vmem>>) semaphore(%arg11 : memref<!tpu.dma_semaphore, #tpu.memory_space<semaphore_mem>>)
    %dma_wait3A_260 = arith.constant 1 : i32
    %dma_wait3A_261 = arith.constant 0 : i32
    %dma_wait3A_262 = arith.constant 0 : i32
    %dma_wait3A_263 = tpu.memref_slice %arg6[%dma_wait3A_260, %dma_wait3A_261, %dma_wait3A_262] : memref<4x128x128xf32, #tpu.memory_space<vmem>> -> memref<1x128x128xf32, #tpu.memory_space<vmem>>
    %dma_wait3A_264 = tpu.memref_squeeze %dma_wait3A_263 : memref<1x128x128xf32, #tpu.memory_space<vmem>> -> memref<128x128xf32, #tpu.memory_space<vmem>>
    %dma_wait3A_265 = arith.constant 640 : i32
    %dma_wait3A_266 = tpu.memref_slice %arg5[%dma_wait3A_265] : memref<4096xi32, #tpu.memory_space<vmem>> -> memref<128xi32, #tpu.memory_space<vmem>>
    %dma_wait3A_267 = arith.constant 0 : i32
    %dma_wait3A_268 = arith.constant 0 : i32
    %dma_wait3A_269 = tpu.memref_slice %arg7[%dma_wait3A_267, %dma_wait3A_268] : memref<512x128xf32, #tpu.memory_space<vmem_shared>> -> memref<512x128xf32, #tpu.memory_space<vmem_shared>>
    tpu.wait_indirect_dma semaphore(%arg9 : memref<!tpu.dma_semaphore, #tpu.memory_space<semaphore_mem>>) src(%dma_wait3A_269 : memref<512x128xf32, #tpu.memory_space<vmem_shared>>) dst(%dma_wait3A_264 : memref<128x128xf32, #tpu.memory_space<vmem>>)
    %add3A_270 = arith.constant 640 : i32
    %add3A_271 = arith.addi %mul3A_2, %add3A_270 : i32
    %dma_start3A_272 = arith.constant 1 : i32
    %dma_start3A_273 = arith.constant 0 : i32
    %dma_start3A_274 = arith.constant 0 : i32
    %dma_start3A_275 = tpu.memref_slice %arg6[%dma_start3A_272, %dma_start3A_273, %dma_start3A_274] : memref<4x128x128xf32, #tpu.memory_space<vmem>> -> memref<1x128x128xf32, #tpu.memory_space<vmem>>
    %dma_start3A_276 = tpu.memref_squeeze %dma_start3A_275 : memref<1x128x128xf32, #tpu.memory_space<vmem>> -> memref<128x128xf32, #tpu.memory_space<vmem>>
    %dma_start3A_277 = arith.constant 0 : i32
    %dma_start3A_278 = tpu.memref_slice %arg4[%add3A_271, %dma_start3A_277] : memref<131072x128xf32, #tpu.memory_space<hbm>> -> memref<128x128xf32, #tpu.memory_space<hbm>>
    %dma_start3A_279 = arith.constant 0 : i32
    %dma_start3A_280 = tpu.memref_slice %arg4[%add3A_271, %dma_start3A_279] : memref<131072x128xf32, #tpu.memory_space<hbm>> -> memref<128x128xf32, #tpu.memory_space<hbm>>
    %dma_start3A_281 = arith.constant 0 : i32
    %dma_start3A_282 = arith.constant 0 : i32
    %dma_start3A_283 = tpu.memref_slice %arg6[%dma_start3A_272, %dma_start3A_281, %dma_start3A_282] : memref<4x128x128xf32, #tpu.memory_space<vmem>> -> memref<1x128x128xf32, #tpu.memory_space<vmem>>
    %dma_start3A_284 = tpu.memref_squeeze %dma_start3A_283 : memref<1x128x128xf32, #tpu.memory_space<vmem>> -> memref<128x128xf32, #tpu.memory_space<vmem>>
    tpu.enqueue_dma source(%dma_start3A_284 : memref<128x128xf32, #tpu.memory_space<vmem>>) target(%dma_start3A_280 : memref<128x128xf32, #tpu.memory_space<hbm>>) target_semaphore(%arg13 : memref<!tpu.dma_semaphore, #tpu.memory_space<semaphore_mem>>)
    %dma_wait3A_285 = arith.constant 0 : i32
    %dma_wait3A_286 = arith.constant 0 : i32
    %dma_wait3A_287 = arith.constant 0 : i32
    %dma_wait3A_288 = tpu.memref_slice %arg6[%dma_wait3A_285, %dma_wait3A_286, %dma_wait3A_287] : memref<4x128x128xf32, #tpu.memory_space<vmem>> -> memref<1x128x128xf32, #tpu.memory_space<vmem>>
    %dma_wait3A_289 = tpu.memref_squeeze %dma_wait3A_288 : memref<1x128x128xf32, #tpu.memory_space<vmem>> -> memref<128x128xf32, #tpu.memory_space<vmem>>
    %dma_wait3A_290 = arith.constant 0 : i32
    %dma_wait3A_291 = tpu.memref_slice %arg4[%add3A_223, %dma_wait3A_290] : memref<131072x128xf32, #tpu.memory_space<hbm>> -> memref<128x128xf32, #tpu.memory_space<hbm>>
    %dma_wait3A_292 = arith.constant 0 : i32
    %dma_wait3A_293 = tpu.memref_slice %arg4[%add3A_223, %dma_wait3A_292] : memref<131072x128xf32, #tpu.memory_space<hbm>> -> memref<128x128xf32, #tpu.memory_space<hbm>>
    %dma_wait3A_294 = arith.constant 0 : i32
    %dma_wait3A_295 = arith.constant 0 : i32
    %dma_wait3A_296 = tpu.memref_slice %arg6[%dma_wait3A_285, %dma_wait3A_294, %dma_wait3A_295] : memref<4x128x128xf32, #tpu.memory_space<vmem>> -> memref<1x128x128xf32, #tpu.memory_space<vmem>>
    %dma_wait3A_297 = tpu.memref_squeeze %dma_wait3A_296 : memref<1x128x128xf32, #tpu.memory_space<vmem>> -> memref<128x128xf32, #tpu.memory_space<vmem>>
    tpu.wait_dma2 semaphore(%arg12 : memref<!tpu.dma_semaphore, #tpu.memory_space<semaphore_mem>>) src(%dma_wait3A_297 : memref<128x128xf32, #tpu.memory_space<vmem>>) dst(%dma_wait3A_293 : memref<128x128xf32, #tpu.memory_space<hbm>>)
    %dma_start3A_298 = arith.constant 0 : i32
    %dma_start3A_299 = arith.constant 0 : i32
    %dma_start3A_300 = arith.constant 0 : i32
    %dma_start3A_301 = tpu.memref_slice %arg6[%dma_start3A_298, %dma_start3A_299, %dma_start3A_300] : memref<4x128x128xf32, #tpu.memory_space<vmem>> -> memref<1x128x128xf32, #tpu.memory_space<vmem>>
    %dma_start3A_302 = tpu.memref_squeeze %dma_start3A_301 : memref<1x128x128xf32, #tpu.memory_space<vmem>> -> memref<128x128xf32, #tpu.memory_space<vmem>>
    %dma_start3A_303 = arith.constant 1024 : i32
    %dma_start3A_304 = tpu.memref_slice %arg5[%dma_start3A_303] : memref<4096xi32, #tpu.memory_space<vmem>> -> memref<128xi32, #tpu.memory_space<vmem>>
    %dma_start3A_305 = arith.constant 0 : i32
    %dma_start3A_306 = arith.constant 0 : i32
    %dma_start3A_307 = tpu.memref_slice %arg7[%dma_start3A_305, %dma_start3A_306] : memref<512x128xf32, #tpu.memory_space<vmem_shared>> -> memref<512x128xf32, #tpu.memory_space<vmem_shared>>
    tpu.enqueue_indirect_dma source(%dma_start3A_307 : memref<512x128xf32, #tpu.memory_space<vmem_shared>>) target(%dma_start3A_302 : memref<128x128xf32, #tpu.memory_space<vmem>>) offsets(%dma_start3A_304 : memref<128xi32, #tpu.memory_space<vmem>>) semaphore(%arg8 : memref<!tpu.dma_semaphore, #tpu.memory_space<semaphore_mem>>)
    %dma_wait3A_308 = arith.constant 2 : i32
    %dma_wait3A_309 = arith.constant 0 : i32
    %dma_wait3A_310 = arith.constant 0 : i32
    %dma_wait3A_311 = tpu.memref_slice %arg6[%dma_wait3A_308, %dma_wait3A_309, %dma_wait3A_310] : memref<4x128x128xf32, #tpu.memory_space<vmem>> -> memref<1x128x128xf32, #tpu.memory_space<vmem>>
    %dma_wait3A_312 = tpu.memref_squeeze %dma_wait3A_311 : memref<1x128x128xf32, #tpu.memory_space<vmem>> -> memref<128x128xf32, #tpu.memory_space<vmem>>
    %dma_wait3A_313 = arith.constant 768 : i32
    %dma_wait3A_314 = tpu.memref_slice %arg5[%dma_wait3A_313] : memref<4096xi32, #tpu.memory_space<vmem>> -> memref<128xi32, #tpu.memory_space<vmem>>
    %dma_wait3A_315 = arith.constant 0 : i32
    %dma_wait3A_316 = arith.constant 0 : i32
    %dma_wait3A_317 = tpu.memref_slice %arg7[%dma_wait3A_315, %dma_wait3A_316] : memref<512x128xf32, #tpu.memory_space<vmem_shared>> -> memref<512x128xf32, #tpu.memory_space<vmem_shared>>
    tpu.wait_indirect_dma semaphore(%arg10 : memref<!tpu.dma_semaphore, #tpu.memory_space<semaphore_mem>>) src(%dma_wait3A_317 : memref<512x128xf32, #tpu.memory_space<vmem_shared>>) dst(%dma_wait3A_312 : memref<128x128xf32, #tpu.memory_space<vmem>>)
    %add3A_318 = arith.constant 768 : i32
    %add3A_319 = arith.addi %mul3A_2, %add3A_318 : i32
    %dma_start3A_320 = arith.constant 2 : i32
    %dma_start3A_321 = arith.constant 0 : i32
    %dma_start3A_322 = arith.constant 0 : i32
    %dma_start3A_323 = tpu.memref_slice %arg6[%dma_start3A_320, %dma_start3A_321, %dma_start3A_322] : memref<4x128x128xf32, #tpu.memory_space<vmem>> -> memref<1x128x128xf32, #tpu.memory_space<vmem>>
    %dma_start3A_324 = tpu.memref_squeeze %dma_start3A_323 : memref<1x128x128xf32, #tpu.memory_space<vmem>> -> memref<128x128xf32, #tpu.memory_space<vmem>>
    %dma_start3A_325 = arith.constant 0 : i32
    %dma_start3A_326 = tpu.memref_slice %arg4[%add3A_319, %dma_start3A_325] : memref<131072x128xf32, #tpu.memory_space<hbm>> -> memref<128x128xf32, #tpu.memory_space<hbm>>
    %dma_start3A_327 = arith.constant 0 : i32
    %dma_start3A_328 = tpu.memref_slice %arg4[%add3A_319, %dma_start3A_327] : memref<131072x128xf32, #tpu.memory_space<hbm>> -> memref<128x128xf32, #tpu.memory_space<hbm>>
    %dma_start3A_329 = arith.constant 0 : i32
    %dma_start3A_330 = arith.constant 0 : i32
    %dma_start3A_331 = tpu.memref_slice %arg6[%dma_start3A_320, %dma_start3A_329, %dma_start3A_330] : memref<4x128x128xf32, #tpu.memory_space<vmem>> -> memref<1x128x128xf32, #tpu.memory_space<vmem>>
    %dma_start3A_332 = tpu.memref_squeeze %dma_start3A_331 : memref<1x128x128xf32, #tpu.memory_space<vmem>> -> memref<128x128xf32, #tpu.memory_space<vmem>>
    tpu.enqueue_dma source(%dma_start3A_332 : memref<128x128xf32, #tpu.memory_space<vmem>>) target(%dma_start3A_328 : memref<128x128xf32, #tpu.memory_space<hbm>>) target_semaphore(%arg14 : memref<!tpu.dma_semaphore, #tpu.memory_space<semaphore_mem>>)
    %dma_wait3A_333 = arith.constant 1 : i32
    %dma_wait3A_334 = arith.constant 0 : i32
    %dma_wait3A_335 = arith.constant 0 : i32
    %dma_wait3A_336 = tpu.memref_slice %arg6[%dma_wait3A_333, %dma_wait3A_334, %dma_wait3A_335] : memref<4x128x128xf32, #tpu.memory_space<vmem>> -> memref<1x128x128xf32, #tpu.memory_space<vmem>>
    %dma_wait3A_337 = tpu.memref_squeeze %dma_wait3A_336 : memref<1x128x128xf32, #tpu.memory_space<vmem>> -> memref<128x128xf32, #tpu.memory_space<vmem>>
    %dma_wait3A_338 = arith.constant 0 : i32
    %dma_wait3A_339 = tpu.memref_slice %arg4[%add3A_271, %dma_wait3A_338] : memref<131072x128xf32, #tpu.memory_space<hbm>> -> memref<128x128xf32, #tpu.memory_space<hbm>>
    %dma_wait3A_340 = arith.constant 0 : i32
    %dma_wait3A_341 = tpu.memref_slice %arg4[%add3A_271, %dma_wait3A_340] : memref<131072x128xf32, #tpu.memory_space<hbm>> -> memref<128x128xf32, #tpu.memory_space<hbm>>
    %dma_wait3A_342 = arith.constant 0 : i32
    %dma_wait3A_343 = arith.constant 0 : i32
    %dma_wait3A_344 = tpu.memref_slice %arg6[%dma_wait3A_333, %dma_wait3A_342, %dma_wait3A_343] : memref<4x128x128xf32, #tpu.memory_space<vmem>> -> memref<1x128x128xf32, #tpu.memory_space<vmem>>
    %dma_wait3A_345 = tpu.memref_squeeze %dma_wait3A_344 : memref<1x128x128xf32, #tpu.memory_space<vmem>> -> memref<128x128xf32, #tpu.memory_space<vmem>>
    tpu.wait_dma2 semaphore(%arg13 : memref<!tpu.dma_semaphore, #tpu.memory_space<semaphore_mem>>) src(%dma_wait3A_345 : memref<128x128xf32, #tpu.memory_space<vmem>>) dst(%dma_wait3A_341 : memref<128x128xf32, #tpu.memory_space<hbm>>)
    %dma_start3A_346 = arith.constant 1 : i32
    %dma_start3A_347 = arith.constant 0 : i32
    %dma_start3A_348 = arith.constant 0 : i32
    %dma_start3A_349 = tpu.memref_slice %arg6[%dma_start3A_346, %dma_start3A_347, %dma_start3A_348] : memref<4x128x128xf32, #tpu.memory_space<vmem>> -> memref<1x128x128xf32, #tpu.memory_space<vmem>>
    %dma_start3A_350 = tpu.memref_squeeze %dma_start3A_349 : memref<1x128x128xf32, #tpu.memory_space<vmem>> -> memref<128x128xf32, #tpu.memory_space<vmem>>
    %dma_start3A_351 = arith.constant 1152 : i32
    %dma_start3A_352 = tpu.memref_slice %arg5[%dma_start3A_351] : memref<4096xi32, #tpu.memory_space<vmem>> -> memref<128xi32, #tpu.memory_space<vmem>>
    %dma_start3A_353 = arith.constant 0 : i32
    %dma_start3A_354 = arith.constant 0 : i32
    %dma_start3A_355 = tpu.memref_slice %arg7[%dma_start3A_353, %dma_start3A_354] : memref<512x128xf32, #tpu.memory_space<vmem_shared>> -> memref<512x128xf32, #tpu.memory_space<vmem_shared>>
    tpu.enqueue_indirect_dma source(%dma_start3A_355 : memref<512x128xf32, #tpu.memory_space<vmem_shared>>) target(%dma_start3A_350 : memref<128x128xf32, #tpu.memory_space<vmem>>) offsets(%dma_start3A_352 : memref<128xi32, #tpu.memory_space<vmem>>) semaphore(%arg9 : memref<!tpu.dma_semaphore, #tpu.memory_space<semaphore_mem>>)
    %dma_wait3A_356 = arith.constant 3 : i32
    %dma_wait3A_357 = arith.constant 0 : i32
    %dma_wait3A_358 = arith.constant 0 : i32
    %dma_wait3A_359 = tpu.memref_slice %arg6[%dma_wait3A_356, %dma_wait3A_357, %dma_wait3A_358] : memref<4x128x128xf32, #tpu.memory_space<vmem>> -> memref<1x128x128xf32, #tpu.memory_space<vmem>>
    %dma_wait3A_360 = tpu.memref_squeeze %dma_wait3A_359 : memref<1x128x128xf32, #tpu.memory_space<vmem>> -> memref<128x128xf32, #tpu.memory_space<vmem>>
    %dma_wait3A_361 = arith.constant 896 : i32
    %dma_wait3A_362 = tpu.memref_slice %arg5[%dma_wait3A_361] : memref<4096xi32, #tpu.memory_space<vmem>> -> memref<128xi32, #tpu.memory_space<vmem>>
    %dma_wait3A_363 = arith.constant 0 : i32
    %dma_wait3A_364 = arith.constant 0 : i32
    %dma_wait3A_365 = tpu.memref_slice %arg7[%dma_wait3A_363, %dma_wait3A_364] : memref<512x128xf32, #tpu.memory_space<vmem_shared>> -> memref<512x128xf32, #tpu.memory_space<vmem_shared>>
    tpu.wait_indirect_dma semaphore(%arg11 : memref<!tpu.dma_semaphore, #tpu.memory_space<semaphore_mem>>) src(%dma_wait3A_365 : memref<512x128xf32, #tpu.memory_space<vmem_shared>>) dst(%dma_wait3A_360 : memref<128x128xf32, #tpu.memory_space<vmem>>)
    %add3A_366 = arith.constant 896 : i32
    %add3A_367 = arith.addi %mul3A_2, %add3A_366 : i32
    %dma_start3A_368 = arith.constant 3 : i32
    %dma_start3A_369 = arith.constant 0 : i32
    %dma_start3A_370 = arith.constant 0 : i32
    %dma_start3A_371 = tpu.memref_slice %arg6[%dma_start3A_368, %dma_start3A_369, %dma_start3A_370] : memref<4x128x128xf32, #tpu.memory_space<vmem>> -> memref<1x128x128xf32, #tpu.memory_space<vmem>>
    %dma_start3A_372 = tpu.memref_squeeze %dma_start3A_371 : memref<1x128x128xf32, #tpu.memory_space<vmem>> -> memref<128x128xf32, #tpu.memory_space<vmem>>
    %dma_start3A_373 = arith.constant 0 : i32
    %dma_start3A_374 = tpu.memref_slice %arg4[%add3A_367, %dma_start3A_373] : memref<131072x128xf32, #tpu.memory_space<hbm>> -> memref<128x128xf32, #tpu.memory_space<hbm>>
    %dma_start3A_375 = arith.constant 0 : i32
    %dma_start3A_376 = tpu.memref_slice %arg4[%add3A_367, %dma_start3A_375] : memref<131072x128xf32, #tpu.memory_space<hbm>> -> memref<128x128xf32, #tpu.memory_space<hbm>>
    %dma_start3A_377 = arith.constant 0 : i32
    %dma_start3A_378 = arith.constant 0 : i32
    %dma_start3A_379 = tpu.memref_slice %arg6[%dma_start3A_368, %dma_start3A_377, %dma_start3A_378] : memref<4x128x128xf32, #tpu.memory_space<vmem>> -> memref<1x128x128xf32, #tpu.memory_space<vmem>>
    %dma_start3A_380 = tpu.memref_squeeze %dma_start3A_379 : memref<1x128x128xf32, #tpu.memory_space<vmem>> -> memref<128x128xf32, #tpu.memory_space<vmem>>
    tpu.enqueue_dma source(%dma_start3A_380 : memref<128x128xf32, #tpu.memory_space<vmem>>) target(%dma_start3A_376 : memref<128x128xf32, #tpu.memory_space<hbm>>) target_semaphore(%arg15 : memref<!tpu.dma_semaphore, #tpu.memory_space<semaphore_mem>>)
    %dma_wait3A_381 = arith.constant 2 : i32
    %dma_wait3A_382 = arith.constant 0 : i32
    %dma_wait3A_383 = arith.constant 0 : i32
    %dma_wait3A_384 = tpu.memref_slice %arg6[%dma_wait3A_381, %dma_wait3A_382, %dma_wait3A_383] : memref<4x128x128xf32, #tpu.memory_space<vmem>> -> memref<1x128x128xf32, #tpu.memory_space<vmem>>
    %dma_wait3A_385 = tpu.memref_squeeze %dma_wait3A_384 : memref<1x128x128xf32, #tpu.memory_space<vmem>> -> memref<128x128xf32, #tpu.memory_space<vmem>>
    %dma_wait3A_386 = arith.constant 0 : i32
    %dma_wait3A_387 = tpu.memref_slice %arg4[%add3A_319, %dma_wait3A_386] : memref<131072x128xf32, #tpu.memory_space<hbm>> -> memref<128x128xf32, #tpu.memory_space<hbm>>
    %dma_wait3A_388 = arith.constant 0 : i32
    %dma_wait3A_389 = tpu.memref_slice %arg4[%add3A_319, %dma_wait3A_388] : memref<131072x128xf32, #tpu.memory_space<hbm>> -> memref<128x128xf32, #tpu.memory_space<hbm>>
    %dma_wait3A_390 = arith.constant 0 : i32
    %dma_wait3A_391 = arith.constant 0 : i32
    %dma_wait3A_392 = tpu.memref_slice %arg6[%dma_wait3A_381, %dma_wait3A_390, %dma_wait3A_391] : memref<4x128x128xf32, #tpu.memory_space<vmem>> -> memref<1x128x128xf32, #tpu.memory_space<vmem>>
    %dma_wait3A_393 = tpu.memref_squeeze %dma_wait3A_392 : memref<1x128x128xf32, #tpu.memory_space<vmem>> -> memref<128x128xf32, #tpu.memory_space<vmem>>
    tpu.wait_dma2 semaphore(%arg14 : memref<!tpu.dma_semaphore, #tpu.memory_space<semaphore_mem>>) src(%dma_wait3A_393 : memref<128x128xf32, #tpu.memory_space<vmem>>) dst(%dma_wait3A_389 : memref<128x128xf32, #tpu.memory_space<hbm>>)
    %dma_start3A_394 = arith.constant 2 : i32
    %dma_start3A_395 = arith.constant 0 : i32
    %dma_start3A_396 = arith.constant 0 : i32
    %dma_start3A_397 = tpu.memref_slice %arg6[%dma_start3A_394, %dma_start3A_395, %dma_start3A_396] : memref<4x128x128xf32, #tpu.memory_space<vmem>> -> memref<1x128x128xf32, #tpu.memory_space<vmem>>
    %dma_start3A_398 = tpu.memref_squeeze %dma_start3A_397 : memref<1x128x128xf32, #tpu.memory_space<vmem>> -> memref<128x128xf32, #tpu.memory_space<vmem>>
    %dma_start3A_399 = arith.constant 1280 : i32
    %dma_start3A_400 = tpu.memref_slice %arg5[%dma_start3A_399] : memref<4096xi32, #tpu.memory_space<vmem>> -> memref<128xi32, #tpu.memory_space<vmem>>
    %dma_start3A_401 = arith.constant 0 : i32
    %dma_start3A_402 = arith.constant 0 : i32
    %dma_start3A_403 = tpu.memref_slice %arg7[%dma_start3A_401, %dma_start3A_402] : memref<512x128xf32, #tpu.memory_space<vmem_shared>> -> memref<512x128xf32, #tpu.memory_space<vmem_shared>>
    tpu.enqueue_indirect_dma source(%dma_start3A_403 : memref<512x128xf32, #tpu.memory_space<vmem_shared>>) target(%dma_start3A_398 : memref<128x128xf32, #tpu.memory_space<vmem>>) offsets(%dma_start3A_400 : memref<128xi32, #tpu.memory_space<vmem>>) semaphore(%arg10 : memref<!tpu.dma_semaphore, #tpu.memory_space<semaphore_mem>>)
    %dma_wait3A_404 = arith.constant 0 : i32
    %dma_wait3A_405 = arith.constant 0 : i32
    %dma_wait3A_406 = arith.constant 0 : i32
    %dma_wait3A_407 = tpu.memref_slice %arg6[%dma_wait3A_404, %dma_wait3A_405, %dma_wait3A_406] : memref<4x128x128xf32, #tpu.memory_space<vmem>> -> memref<1x128x128xf32, #tpu.memory_space<vmem>>
    %dma_wait3A_408 = tpu.memref_squeeze %dma_wait3A_407 : memref<1x128x128xf32, #tpu.memory_space<vmem>> -> memref<128x128xf32, #tpu.memory_space<vmem>>
    %dma_wait3A_409 = arith.constant 1024 : i32
    %dma_wait3A_410 = tpu.memref_slice %arg5[%dma_wait3A_409] : memref<4096xi32, #tpu.memory_space<vmem>> -> memref<128xi32, #tpu.memory_space<vmem>>
    %dma_wait3A_411 = arith.constant 0 : i32
    %dma_wait3A_412 = arith.constant 0 : i32
    %dma_wait3A_413 = tpu.memref_slice %arg7[%dma_wait3A_411, %dma_wait3A_412] : memref<512x128xf32, #tpu.memory_space<vmem_shared>> -> memref<512x128xf32, #tpu.memory_space<vmem_shared>>
    tpu.wait_indirect_dma semaphore(%arg8 : memref<!tpu.dma_semaphore, #tpu.memory_space<semaphore_mem>>) src(%dma_wait3A_413 : memref<512x128xf32, #tpu.memory_space<vmem_shared>>) dst(%dma_wait3A_408 : memref<128x128xf32, #tpu.memory_space<vmem>>)
    %add3A_414 = arith.constant 1024 : i32
    %add3A_415 = arith.addi %mul3A_2, %add3A_414 : i32
    %dma_start3A_416 = arith.constant 0 : i32
    %dma_start3A_417 = arith.constant 0 : i32
    %dma_start3A_418 = arith.constant 0 : i32
    %dma_start3A_419 = tpu.memref_slice %arg6[%dma_start3A_416, %dma_start3A_417, %dma_start3A_418] : memref<4x128x128xf32, #tpu.memory_space<vmem>> -> memref<1x128x128xf32, #tpu.memory_space<vmem>>
    %dma_start3A_420 = tpu.memref_squeeze %dma_start3A_419 : memref<1x128x128xf32, #tpu.memory_space<vmem>> -> memref<128x128xf32, #tpu.memory_space<vmem>>
    %dma_start3A_421 = arith.constant 0 : i32
    %dma_start3A_422 = tpu.memref_slice %arg4[%add3A_415, %dma_start3A_421] : memref<131072x128xf32, #tpu.memory_space<hbm>> -> memref<128x128xf32, #tpu.memory_space<hbm>>
    %dma_start3A_423 = arith.constant 0 : i32
    %dma_start3A_424 = tpu.memref_slice %arg4[%add3A_415, %dma_start3A_423] : memref<131072x128xf32, #tpu.memory_space<hbm>> -> memref<128x128xf32, #tpu.memory_space<hbm>>
    %dma_start3A_425 = arith.constant 0 : i32
    %dma_start3A_426 = arith.constant 0 : i32
    %dma_start3A_427 = tpu.memref_slice %arg6[%dma_start3A_416, %dma_start3A_425, %dma_start3A_426] : memref<4x128x128xf32, #tpu.memory_space<vmem>> -> memref<1x128x128xf32, #tpu.memory_space<vmem>>
    %dma_start3A_428 = tpu.memref_squeeze %dma_start3A_427 : memref<1x128x128xf32, #tpu.memory_space<vmem>> -> memref<128x128xf32, #tpu.memory_space<vmem>>
    tpu.enqueue_dma source(%dma_start3A_428 : memref<128x128xf32, #tpu.memory_space<vmem>>) target(%dma_start3A_424 : memref<128x128xf32, #tpu.memory_space<hbm>>) target_semaphore(%arg12 : memref<!tpu.dma_semaphore, #tpu.memory_space<semaphore_mem>>)
    %dma_wait3A_429 = arith.constant 3 : i32
    %dma_wait3A_430 = arith.constant 0 : i32
    %dma_wait3A_431 = arith.constant 0 : i32
    %dma_wait3A_432 = tpu.memref_slice %arg6[%dma_wait3A_429, %dma_wait3A_430, %dma_wait3A_431] : memref<4x128x128xf32, #tpu.memory_space<vmem>> -> memref<1x128x128xf32, #tpu.memory_space<vmem>>
    %dma_wait3A_433 = tpu.memref_squeeze %dma_wait3A_432 : memref<1x128x128xf32, #tpu.memory_space<vmem>> -> memref<128x128xf32, #tpu.memory_space<vmem>>
    %dma_wait3A_434 = arith.constant 0 : i32
    %dma_wait3A_435 = tpu.memref_slice %arg4[%add3A_367, %dma_wait3A_434] : memref<131072x128xf32, #tpu.memory_space<hbm>> -> memref<128x128xf32, #tpu.memory_space<hbm>>
    %dma_wait3A_436 = arith.constant 0 : i32
    %dma_wait3A_437 = tpu.memref_slice %arg4[%add3A_367, %dma_wait3A_436] : memref<131072x128xf32, #tpu.memory_space<hbm>> -> memref<128x128xf32, #tpu.memory_space<hbm>>
    %dma_wait3A_438 = arith.constant 0 : i32
    %dma_wait3A_439 = arith.constant 0 : i32
    %dma_wait3A_440 = tpu.memref_slice %arg6[%dma_wait3A_429, %dma_wait3A_438, %dma_wait3A_439] : memref<4x128x128xf32, #tpu.memory_space<vmem>> -> memref<1x128x128xf32, #tpu.memory_space<vmem>>
    %dma_wait3A_441 = tpu.memref_squeeze %dma_wait3A_440 : memref<1x128x128xf32, #tpu.memory_space<vmem>> -> memref<128x128xf32, #tpu.memory_space<vmem>>
    tpu.wait_dma2 semaphore(%arg15 : memref<!tpu.dma_semaphore, #tpu.memory_space<semaphore_mem>>) src(%dma_wait3A_441 : memref<128x128xf32, #tpu.memory_space<vmem>>) dst(%dma_wait3A_437 : memref<128x128xf32, #tpu.memory_space<hbm>>)
    %dma_start3A_442 = arith.constant 3 : i32
    %dma_start3A_443 = arith.constant 0 : i32
    %dma_start3A_444 = arith.constant 0 : i32
    %dma_start3A_445 = tpu.memref_slice %arg6[%dma_start3A_442, %dma_start3A_443, %dma_start3A_444] : memref<4x128x128xf32, #tpu.memory_space<vmem>> -> memref<1x128x128xf32, #tpu.memory_space<vmem>>
    %dma_start3A_446 = tpu.memref_squeeze %dma_start3A_445 : memref<1x128x128xf32, #tpu.memory_space<vmem>> -> memref<128x128xf32, #tpu.memory_space<vmem>>
    %dma_start3A_447 = arith.constant 1408 : i32
    %dma_start3A_448 = tpu.memref_slice %arg5[%dma_start3A_447] : memref<4096xi32, #tpu.memory_space<vmem>> -> memref<128xi32, #tpu.memory_space<vmem>>
    %dma_start3A_449 = arith.constant 0 : i32
    %dma_start3A_450 = arith.constant 0 : i32
    %dma_start3A_451 = tpu.memref_slice %arg7[%dma_start3A_449, %dma_start3A_450] : memref<512x128xf32, #tpu.memory_space<vmem_shared>> -> memref<512x128xf32, #tpu.memory_space<vmem_shared>>
    tpu.enqueue_indirect_dma source(%dma_start3A_451 : memref<512x128xf32, #tpu.memory_space<vmem_shared>>) target(%dma_start3A_446 : memref<128x128xf32, #tpu.memory_space<vmem>>) offsets(%dma_start3A_448 : memref<128xi32, #tpu.memory_space<vmem>>) semaphore(%arg11 : memref<!tpu.dma_semaphore, #tpu.memory_space<semaphore_mem>>)
    %dma_wait3A_452 = arith.constant 1 : i32
    %dma_wait3A_453 = arith.constant 0 : i32
    %dma_wait3A_454 = arith.constant 0 : i32
    %dma_wait3A_455 = tpu.memref_slice %arg6[%dma_wait3A_452, %dma_wait3A_453, %dma_wait3A_454] : memref<4x128x128xf32, #tpu.memory_space<vmem>> -> memref<1x128x128xf32, #tpu.memory_space<vmem>>
    %dma_wait3A_456 = tpu.memref_squeeze %dma_wait3A_455 : memref<1x128x128xf32, #tpu.memory_space<vmem>> -> memref<128x128xf32, #tpu.memory_space<vmem>>
    %dma_wait3A_457 = arith.constant 1152 : i32
    %dma_wait3A_458 = tpu.memref_slice %arg5[%dma_wait3A_457] : memref<4096xi32, #tpu.memory_space<vmem>> -> memref<128xi32, #tpu.memory_space<vmem>>
    %dma_wait3A_459 = arith.constant 0 : i32
    %dma_wait3A_460 = arith.constant 0 : i32
    %dma_wait3A_461 = tpu.memref_slice %arg7[%dma_wait3A_459, %dma_wait3A_460] : memref<512x128xf32, #tpu.memory_space<vmem_shared>> -> memref<512x128xf32, #tpu.memory_space<vmem_shared>>
    tpu.wait_indirect_dma semaphore(%arg9 : memref<!tpu.dma_semaphore, #tpu.memory_space<semaphore_mem>>) src(%dma_wait3A_461 : memref<512x128xf32, #tpu.memory_space<vmem_shared>>) dst(%dma_wait3A_456 : memref<128x128xf32, #tpu.memory_space<vmem>>)
    %add3A_462 = arith.constant 1152 : i32
    %add3A_463 = arith.addi %mul3A_2, %add3A_462 : i32
    %dma_start3A_464 = arith.constant 1 : i32
    %dma_start3A_465 = arith.constant 0 : i32
    %dma_start3A_466 = arith.constant 0 : i32
    %dma_start3A_467 = tpu.memref_slice %arg6[%dma_start3A_464, %dma_start3A_465, %dma_start3A_466] : memref<4x128x128xf32, #tpu.memory_space<vmem>> -> memref<1x128x128xf32, #tpu.memory_space<vmem>>
    %dma_start3A_468 = tpu.memref_squeeze %dma_start3A_467 : memref<1x128x128xf32, #tpu.memory_space<vmem>> -> memref<128x128xf32, #tpu.memory_space<vmem>>
    %dma_start3A_469 = arith.constant 0 : i32
    %dma_start3A_470 = tpu.memref_slice %arg4[%add3A_463, %dma_start3A_469] : memref<131072x128xf32, #tpu.memory_space<hbm>> -> memref<128x128xf32, #tpu.memory_space<hbm>>
    %dma_start3A_471 = arith.constant 0 : i32
    %dma_start3A_472 = tpu.memref_slice %arg4[%add3A_463, %dma_start3A_471] : memref<131072x128xf32, #tpu.memory_space<hbm>> -> memref<128x128xf32, #tpu.memory_space<hbm>>
    %dma_start3A_473 = arith.constant 0 : i32
    %dma_start3A_474 = arith.constant 0 : i32
    %dma_start3A_475 = tpu.memref_slice %arg6[%dma_start3A_464, %dma_start3A_473, %dma_start3A_474] : memref<4x128x128xf32, #tpu.memory_space<vmem>> -> memref<1x128x128xf32, #tpu.memory_space<vmem>>
    %dma_start3A_476 = tpu.memref_squeeze %dma_start3A_475 : memref<1x128x128xf32, #tpu.memory_space<vmem>> -> memref<128x128xf32, #tpu.memory_space<vmem>>
    tpu.enqueue_dma source(%dma_start3A_476 : memref<128x128xf32, #tpu.memory_space<vmem>>) target(%dma_start3A_472 : memref<128x128xf32, #tpu.memory_space<hbm>>) target_semaphore(%arg13 : memref<!tpu.dma_semaphore, #tpu.memory_space<semaphore_mem>>)
    %dma_wait3A_477 = arith.constant 0 : i32
    %dma_wait3A_478 = arith.constant 0 : i32
    %dma_wait3A_479 = arith.constant 0 : i32
    %dma_wait3A_480 = tpu.memref_slice %arg6[%dma_wait3A_477, %dma_wait3A_478, %dma_wait3A_479] : memref<4x128x128xf32, #tpu.memory_space<vmem>> -> memref<1x128x128xf32, #tpu.memory_space<vmem>>
    %dma_wait3A_481 = tpu.memref_squeeze %dma_wait3A_480 : memref<1x128x128xf32, #tpu.memory_space<vmem>> -> memref<128x128xf32, #tpu.memory_space<vmem>>
    %dma_wait3A_482 = arith.constant 0 : i32
    %dma_wait3A_483 = tpu.memref_slice %arg4[%add3A_415, %dma_wait3A_482] : memref<131072x128xf32, #tpu.memory_space<hbm>> -> memref<128x128xf32, #tpu.memory_space<hbm>>
    %dma_wait3A_484 = arith.constant 0 : i32
    %dma_wait3A_485 = tpu.memref_slice %arg4[%add3A_415, %dma_wait3A_484] : memref<131072x128xf32, #tpu.memory_space<hbm>> -> memref<128x128xf32, #tpu.memory_space<hbm>>
    %dma_wait3A_486 = arith.constant 0 : i32
    %dma_wait3A_487 = arith.constant 0 : i32
    %dma_wait3A_488 = tpu.memref_slice %arg6[%dma_wait3A_477, %dma_wait3A_486, %dma_wait3A_487] : memref<4x128x128xf32, #tpu.memory_space<vmem>> -> memref<1x128x128xf32, #tpu.memory_space<vmem>>
    %dma_wait3A_489 = tpu.memref_squeeze %dma_wait3A_488 : memref<1x128x128xf32, #tpu.memory_space<vmem>> -> memref<128x128xf32, #tpu.memory_space<vmem>>
    tpu.wait_dma2 semaphore(%arg12 : memref<!tpu.dma_semaphore, #tpu.memory_space<semaphore_mem>>) src(%dma_wait3A_489 : memref<128x128xf32, #tpu.memory_space<vmem>>) dst(%dma_wait3A_485 : memref<128x128xf32, #tpu.memory_space<hbm>>)
    %dma_start3A_490 = arith.constant 0 : i32
    %dma_start3A_491 = arith.constant 0 : i32
    %dma_start3A_492 = arith.constant 0 : i32
    %dma_start3A_493 = tpu.memref_slice %arg6[%dma_start3A_490, %dma_start3A_491, %dma_start3A_492] : memref<4x128x128xf32, #tpu.memory_space<vmem>> -> memref<1x128x128xf32, #tpu.memory_space<vmem>>
    %dma_start3A_494 = tpu.memref_squeeze %dma_start3A_493 : memref<1x128x128xf32, #tpu.memory_space<vmem>> -> memref<128x128xf32, #tpu.memory_space<vmem>>
    %dma_start3A_495 = arith.constant 1536 : i32
    %dma_start3A_496 = tpu.memref_slice %arg5[%dma_start3A_495] : memref<4096xi32, #tpu.memory_space<vmem>> -> memref<128xi32, #tpu.memory_space<vmem>>
    %dma_start3A_497 = arith.constant 0 : i32
    %dma_start3A_498 = arith.constant 0 : i32
    %dma_start3A_499 = tpu.memref_slice %arg7[%dma_start3A_497, %dma_start3A_498] : memref<512x128xf32, #tpu.memory_space<vmem_shared>> -> memref<512x128xf32, #tpu.memory_space<vmem_shared>>
    tpu.enqueue_indirect_dma source(%dma_start3A_499 : memref<512x128xf32, #tpu.memory_space<vmem_shared>>) target(%dma_start3A_494 : memref<128x128xf32, #tpu.memory_space<vmem>>) offsets(%dma_start3A_496 : memref<128xi32, #tpu.memory_space<vmem>>) semaphore(%arg8 : memref<!tpu.dma_semaphore, #tpu.memory_space<semaphore_mem>>)
    %dma_wait3A_500 = arith.constant 2 : i32
    %dma_wait3A_501 = arith.constant 0 : i32
    %dma_wait3A_502 = arith.constant 0 : i32
    %dma_wait3A_503 = tpu.memref_slice %arg6[%dma_wait3A_500, %dma_wait3A_501, %dma_wait3A_502] : memref<4x128x128xf32, #tpu.memory_space<vmem>> -> memref<1x128x128xf32, #tpu.memory_space<vmem>>
    %dma_wait3A_504 = tpu.memref_squeeze %dma_wait3A_503 : memref<1x128x128xf32, #tpu.memory_space<vmem>> -> memref<128x128xf32, #tpu.memory_space<vmem>>
    %dma_wait3A_505 = arith.constant 1280 : i32
    %dma_wait3A_506 = tpu.memref_slice %arg5[%dma_wait3A_505] : memref<4096xi32, #tpu.memory_space<vmem>> -> memref<128xi32, #tpu.memory_space<vmem>>
    %dma_wait3A_507 = arith.constant 0 : i32
    %dma_wait3A_508 = arith.constant 0 : i32
    %dma_wait3A_509 = tpu.memref_slice %arg7[%dma_wait3A_507, %dma_wait3A_508] : memref<512x128xf32, #tpu.memory_space<vmem_shared>> -> memref<512x128xf32, #tpu.memory_space<vmem_shared>>
    tpu.wait_indirect_dma semaphore(%arg10 : memref<!tpu.dma_semaphore, #tpu.memory_space<semaphore_mem>>) src(%dma_wait3A_509 : memref<512x128xf32, #tpu.memory_space<vmem_shared>>) dst(%dma_wait3A_504 : memref<128x128xf32, #tpu.memory_space<vmem>>)
    %add3A_510 = arith.constant 1280 : i32
    %add3A_511 = arith.addi %mul3A_2, %add3A_510 : i32
    %dma_start3A_512 = arith.constant 2 : i32
    %dma_start3A_513 = arith.constant 0 : i32
    %dma_start3A_514 = arith.constant 0 : i32
    %dma_start3A_515 = tpu.memref_slice %arg6[%dma_start3A_512, %dma_start3A_513, %dma_start3A_514] : memref<4x128x128xf32, #tpu.memory_space<vmem>> -> memref<1x128x128xf32, #tpu.memory_space<vmem>>
    %dma_start3A_516 = tpu.memref_squeeze %dma_start3A_515 : memref<1x128x128xf32, #tpu.memory_space<vmem>> -> memref<128x128xf32, #tpu.memory_space<vmem>>
    %dma_start3A_517 = arith.constant 0 : i32
    %dma_start3A_518 = tpu.memref_slice %arg4[%add3A_511, %dma_start3A_517] : memref<131072x128xf32, #tpu.memory_space<hbm>> -> memref<128x128xf32, #tpu.memory_space<hbm>>
    %dma_start3A_519 = arith.constant 0 : i32
    %dma_start3A_520 = tpu.memref_slice %arg4[%add3A_511, %dma_start3A_519] : memref<131072x128xf32, #tpu.memory_space<hbm>> -> memref<128x128xf32, #tpu.memory_space<hbm>>
    %dma_start3A_521 = arith.constant 0 : i32
    %dma_start3A_522 = arith.constant 0 : i32
    %dma_start3A_523 = tpu.memref_slice %arg6[%dma_start3A_512, %dma_start3A_521, %dma_start3A_522] : memref<4x128x128xf32, #tpu.memory_space<vmem>> -> memref<1x128x128xf32, #tpu.memory_space<vmem>>
    %dma_start3A_524 = tpu.memref_squeeze %dma_start3A_523 : memref<1x128x128xf32, #tpu.memory_space<vmem>> -> memref<128x128xf32, #tpu.memory_space<vmem>>
    tpu.enqueue_dma source(%dma_start3A_524 : memref<128x128xf32, #tpu.memory_space<vmem>>) target(%dma_start3A_520 : memref<128x128xf32, #tpu.memory_space<hbm>>) target_semaphore(%arg14 : memref<!tpu.dma_semaphore, #tpu.memory_space<semaphore_mem>>)
    %dma_wait3A_525 = arith.constant 1 : i32
    %dma_wait3A_526 = arith.constant 0 : i32
    %dma_wait3A_527 = arith.constant 0 : i32
    %dma_wait3A_528 = tpu.memref_slice %arg6[%dma_wait3A_525, %dma_wait3A_526, %dma_wait3A_527] : memref<4x128x128xf32, #tpu.memory_space<vmem>> -> memref<1x128x128xf32, #tpu.memory_space<vmem>>
    %dma_wait3A_529 = tpu.memref_squeeze %dma_wait3A_528 : memref<1x128x128xf32, #tpu.memory_space<vmem>> -> memref<128x128xf32, #tpu.memory_space<vmem>>
    %dma_wait3A_530 = arith.constant 0 : i32
    %dma_wait3A_531 = tpu.memref_slice %arg4[%add3A_463, %dma_wait3A_530] : memref<131072x128xf32, #tpu.memory_space<hbm>> -> memref<128x128xf32, #tpu.memory_space<hbm>>
    %dma_wait3A_532 = arith.constant 0 : i32
    %dma_wait3A_533 = tpu.memref_slice %arg4[%add3A_463, %dma_wait3A_532] : memref<131072x128xf32, #tpu.memory_space<hbm>> -> memref<128x128xf32, #tpu.memory_space<hbm>>
    %dma_wait3A_534 = arith.constant 0 : i32
    %dma_wait3A_535 = arith.constant 0 : i32
    %dma_wait3A_536 = tpu.memref_slice %arg6[%dma_wait3A_525, %dma_wait3A_534, %dma_wait3A_535] : memref<4x128x128xf32, #tpu.memory_space<vmem>> -> memref<1x128x128xf32, #tpu.memory_space<vmem>>
    %dma_wait3A_537 = tpu.memref_squeeze %dma_wait3A_536 : memref<1x128x128xf32, #tpu.memory_space<vmem>> -> memref<128x128xf32, #tpu.memory_space<vmem>>
    tpu.wait_dma2 semaphore(%arg13 : memref<!tpu.dma_semaphore, #tpu.memory_space<semaphore_mem>>) src(%dma_wait3A_537 : memref<128x128xf32, #tpu.memory_space<vmem>>) dst(%dma_wait3A_533 : memref<128x128xf32, #tpu.memory_space<hbm>>)
    %dma_start3A_538 = arith.constant 1 : i32
    %dma_start3A_539 = arith.constant 0 : i32
    %dma_start3A_540 = arith.constant 0 : i32
    %dma_start3A_541 = tpu.memref_slice %arg6[%dma_start3A_538, %dma_start3A_539, %dma_start3A_540] : memref<4x128x128xf32, #tpu.memory_space<vmem>> -> memref<1x128x128xf32, #tpu.memory_space<vmem>>
    %dma_start3A_542 = tpu.memref_squeeze %dma_start3A_541 : memref<1x128x128xf32, #tpu.memory_space<vmem>> -> memref<128x128xf32, #tpu.memory_space<vmem>>
    %dma_start3A_543 = arith.constant 1664 : i32
    %dma_start3A_544 = tpu.memref_slice %arg5[%dma_start3A_543] : memref<4096xi32, #tpu.memory_space<vmem>> -> memref<128xi32, #tpu.memory_space<vmem>>
    %dma_start3A_545 = arith.constant 0 : i32
    %dma_start3A_546 = arith.constant 0 : i32
    %dma_start3A_547 = tpu.memref_slice %arg7[%dma_start3A_545, %dma_start3A_546] : memref<512x128xf32, #tpu.memory_space<vmem_shared>> -> memref<512x128xf32, #tpu.memory_space<vmem_shared>>
    tpu.enqueue_indirect_dma source(%dma_start3A_547 : memref<512x128xf32, #tpu.memory_space<vmem_shared>>) target(%dma_start3A_542 : memref<128x128xf32, #tpu.memory_space<vmem>>) offsets(%dma_start3A_544 : memref<128xi32, #tpu.memory_space<vmem>>) semaphore(%arg9 : memref<!tpu.dma_semaphore, #tpu.memory_space<semaphore_mem>>)
    %dma_wait3A_548 = arith.constant 3 : i32
    %dma_wait3A_549 = arith.constant 0 : i32
    %dma_wait3A_550 = arith.constant 0 : i32
    %dma_wait3A_551 = tpu.memref_slice %arg6[%dma_wait3A_548, %dma_wait3A_549, %dma_wait3A_550] : memref<4x128x128xf32, #tpu.memory_space<vmem>> -> memref<1x128x128xf32, #tpu.memory_space<vmem>>
    %dma_wait3A_552 = tpu.memref_squeeze %dma_wait3A_551 : memref<1x128x128xf32, #tpu.memory_space<vmem>> -> memref<128x128xf32, #tpu.memory_space<vmem>>
    %dma_wait3A_553 = arith.constant 1408 : i32
    %dma_wait3A_554 = tpu.memref_slice %arg5[%dma_wait3A_553] : memref<4096xi32, #tpu.memory_space<vmem>> -> memref<128xi32, #tpu.memory_space<vmem>>
    %dma_wait3A_555 = arith.constant 0 : i32
    %dma_wait3A_556 = arith.constant 0 : i32
    %dma_wait3A_557 = tpu.memref_slice %arg7[%dma_wait3A_555, %dma_wait3A_556] : memref<512x128xf32, #tpu.memory_space<vmem_shared>> -> memref<512x128xf32, #tpu.memory_space<vmem_shared>>
    tpu.wait_indirect_dma semaphore(%arg11 : memref<!tpu.dma_semaphore, #tpu.memory_space<semaphore_mem>>) src(%dma_wait3A_557 : memref<512x128xf32, #tpu.memory_space<vmem_shared>>) dst(%dma_wait3A_552 : memref<128x128xf32, #tpu.memory_space<vmem>>)
    %add3A_558 = arith.constant 1408 : i32
    %add3A_559 = arith.addi %mul3A_2, %add3A_558 : i32
    %dma_start3A_560 = arith.constant 3 : i32
    %dma_start3A_561 = arith.constant 0 : i32
    %dma_start3A_562 = arith.constant 0 : i32
    %dma_start3A_563 = tpu.memref_slice %arg6[%dma_start3A_560, %dma_start3A_561, %dma_start3A_562] : memref<4x128x128xf32, #tpu.memory_space<vmem>> -> memref<1x128x128xf32, #tpu.memory_space<vmem>>
    %dma_start3A_564 = tpu.memref_squeeze %dma_start3A_563 : memref<1x128x128xf32, #tpu.memory_space<vmem>> -> memref<128x128xf32, #tpu.memory_space<vmem>>
    %dma_start3A_565 = arith.constant 0 : i32
    %dma_start3A_566 = tpu.memref_slice %arg4[%add3A_559, %dma_start3A_565] : memref<131072x128xf32, #tpu.memory_space<hbm>> -> memref<128x128xf32, #tpu.memory_space<hbm>>
    %dma_start3A_567 = arith.constant 0 : i32
    %dma_start3A_568 = tpu.memref_slice %arg4[%add3A_559, %dma_start3A_567] : memref<131072x128xf32, #tpu.memory_space<hbm>> -> memref<128x128xf32, #tpu.memory_space<hbm>>
    %dma_start3A_569 = arith.constant 0 : i32
    %dma_start3A_570 = arith.constant 0 : i32
    %dma_start3A_571 = tpu.memref_slice %arg6[%dma_start3A_560, %dma_start3A_569, %dma_start3A_570] : memref<4x128x128xf32, #tpu.memory_space<vmem>> -> memref<1x128x128xf32, #tpu.memory_space<vmem>>
    %dma_start3A_572 = tpu.memref_squeeze %dma_start3A_571 : memref<1x128x128xf32, #tpu.memory_space<vmem>> -> memref<128x128xf32, #tpu.memory_space<vmem>>
    tpu.enqueue_dma source(%dma_start3A_572 : memref<128x128xf32, #tpu.memory_space<vmem>>) target(%dma_start3A_568 : memref<128x128xf32, #tpu.memory_space<hbm>>) target_semaphore(%arg15 : memref<!tpu.dma_semaphore, #tpu.memory_space<semaphore_mem>>)
    %dma_wait3A_573 = arith.constant 2 : i32
    %dma_wait3A_574 = arith.constant 0 : i32
    %dma_wait3A_575 = arith.constant 0 : i32
    %dma_wait3A_576 = tpu.memref_slice %arg6[%dma_wait3A_573, %dma_wait3A_574, %dma_wait3A_575] : memref<4x128x128xf32, #tpu.memory_space<vmem>> -> memref<1x128x128xf32, #tpu.memory_space<vmem>>
    %dma_wait3A_577 = tpu.memref_squeeze %dma_wait3A_576 : memref<1x128x128xf32, #tpu.memory_space<vmem>> -> memref<128x128xf32, #tpu.memory_space<vmem>>
    %dma_wait3A_578 = arith.constant 0 : i32
    %dma_wait3A_579 = tpu.memref_slice %arg4[%add3A_511, %dma_wait3A_578] : memref<131072x128xf32, #tpu.memory_space<hbm>> -> memref<128x128xf32, #tpu.memory_space<hbm>>
    %dma_wait3A_580 = arith.constant 0 : i32
    %dma_wait3A_581 = tpu.memref_slice %arg4[%add3A_511, %dma_wait3A_580] : memref<131072x128xf32, #tpu.memory_space<hbm>> -> memref<128x128xf32, #tpu.memory_space<hbm>>
    %dma_wait3A_582 = arith.constant 0 : i32
    %dma_wait3A_583 = arith.constant 0 : i32
    %dma_wait3A_584 = tpu.memref_slice %arg6[%dma_wait3A_573, %dma_wait3A_582, %dma_wait3A_583] : memref<4x128x128xf32, #tpu.memory_space<vmem>> -> memref<1x128x128xf32, #tpu.memory_space<vmem>>
    %dma_wait3A_585 = tpu.memref_squeeze %dma_wait3A_584 : memref<1x128x128xf32, #tpu.memory_space<vmem>> -> memref<128x128xf32, #tpu.memory_space<vmem>>
    tpu.wait_dma2 semaphore(%arg14 : memref<!tpu.dma_semaphore, #tpu.memory_space<semaphore_mem>>) src(%dma_wait3A_585 : memref<128x128xf32, #tpu.memory_space<vmem>>) dst(%dma_wait3A_581 : memref<128x128xf32, #tpu.memory_space<hbm>>)
    %dma_start3A_586 = arith.constant 2 : i32
    %dma_start3A_587 = arith.constant 0 : i32
    %dma_start3A_588 = arith.constant 0 : i32
    %dma_start3A_589 = tpu.memref_slice %arg6[%dma_start3A_586, %dma_start3A_587, %dma_start3A_588] : memref<4x128x128xf32, #tpu.memory_space<vmem>> -> memref<1x128x128xf32, #tpu.memory_space<vmem>>
    %dma_start3A_590 = tpu.memref_squeeze %dma_start3A_589 : memref<1x128x128xf32, #tpu.memory_space<vmem>> -> memref<128x128xf32, #tpu.memory_space<vmem>>
    %dma_start3A_591 = arith.constant 1792 : i32
    %dma_start3A_592 = tpu.memref_slice %arg5[%dma_start3A_591] : memref<4096xi32, #tpu.memory_space<vmem>> -> memref<128xi32, #tpu.memory_space<vmem>>
    %dma_start3A_593 = arith.constant 0 : i32
    %dma_start3A_594 = arith.constant 0 : i32
    %dma_start3A_595 = tpu.memref_slice %arg7[%dma_start3A_593, %dma_start3A_594] : memref<512x128xf32, #tpu.memory_space<vmem_shared>> -> memref<512x128xf32, #tpu.memory_space<vmem_shared>>
    tpu.enqueue_indirect_dma source(%dma_start3A_595 : memref<512x128xf32, #tpu.memory_space<vmem_shared>>) target(%dma_start3A_590 : memref<128x128xf32, #tpu.memory_space<vmem>>) offsets(%dma_start3A_592 : memref<128xi32, #tpu.memory_space<vmem>>) semaphore(%arg10 : memref<!tpu.dma_semaphore, #tpu.memory_space<semaphore_mem>>)
    %dma_wait3A_596 = arith.constant 0 : i32
    %dma_wait3A_597 = arith.constant 0 : i32
    %dma_wait3A_598 = arith.constant 0 : i32
    %dma_wait3A_599 = tpu.memref_slice %arg6[%dma_wait3A_596, %dma_wait3A_597, %dma_wait3A_598] : memref<4x128x128xf32, #tpu.memory_space<vmem>> -> memref<1x128x128xf32, #tpu.memory_space<vmem>>
    %dma_wait3A_600 = tpu.memref_squeeze %dma_wait3A_599 : memref<1x128x128xf32, #tpu.memory_space<vmem>> -> memref<128x128xf32, #tpu.memory_space<vmem>>
    %dma_wait3A_601 = arith.constant 1536 : i32
    %dma_wait3A_602 = tpu.memref_slice %arg5[%dma_wait3A_601] : memref<4096xi32, #tpu.memory_space<vmem>> -> memref<128xi32, #tpu.memory_space<vmem>>
    %dma_wait3A_603 = arith.constant 0 : i32
    %dma_wait3A_604 = arith.constant 0 : i32
    %dma_wait3A_605 = tpu.memref_slice %arg7[%dma_wait3A_603, %dma_wait3A_604] : memref<512x128xf32, #tpu.memory_space<vmem_shared>> -> memref<512x128xf32, #tpu.memory_space<vmem_shared>>
    tpu.wait_indirect_dma semaphore(%arg8 : memref<!tpu.dma_semaphore, #tpu.memory_space<semaphore_mem>>) src(%dma_wait3A_605 : memref<512x128xf32, #tpu.memory_space<vmem_shared>>) dst(%dma_wait3A_600 : memref<128x128xf32, #tpu.memory_space<vmem>>)
    %add3A_606 = arith.constant 1536 : i32
    %add3A_607 = arith.addi %mul3A_2, %add3A_606 : i32
    %dma_start3A_608 = arith.constant 0 : i32
    %dma_start3A_609 = arith.constant 0 : i32
    %dma_start3A_610 = arith.constant 0 : i32
    %dma_start3A_611 = tpu.memref_slice %arg6[%dma_start3A_608, %dma_start3A_609, %dma_start3A_610] : memref<4x128x128xf32, #tpu.memory_space<vmem>> -> memref<1x128x128xf32, #tpu.memory_space<vmem>>
    %dma_start3A_612 = tpu.memref_squeeze %dma_start3A_611 : memref<1x128x128xf32, #tpu.memory_space<vmem>> -> memref<128x128xf32, #tpu.memory_space<vmem>>
    %dma_start3A_613 = arith.constant 0 : i32
    %dma_start3A_614 = tpu.memref_slice %arg4[%add3A_607, %dma_start3A_613] : memref<131072x128xf32, #tpu.memory_space<hbm>> -> memref<128x128xf32, #tpu.memory_space<hbm>>
    %dma_start3A_615 = arith.constant 0 : i32
    %dma_start3A_616 = tpu.memref_slice %arg4[%add3A_607, %dma_start3A_615] : memref<131072x128xf32, #tpu.memory_space<hbm>> -> memref<128x128xf32, #tpu.memory_space<hbm>>
    %dma_start3A_617 = arith.constant 0 : i32
    %dma_start3A_618 = arith.constant 0 : i32
    %dma_start3A_619 = tpu.memref_slice %arg6[%dma_start3A_608, %dma_start3A_617, %dma_start3A_618] : memref<4x128x128xf32, #tpu.memory_space<vmem>> -> memref<1x128x128xf32, #tpu.memory_space<vmem>>
    %dma_start3A_620 = tpu.memref_squeeze %dma_start3A_619 : memref<1x128x128xf32, #tpu.memory_space<vmem>> -> memref<128x128xf32, #tpu.memory_space<vmem>>
    tpu.enqueue_dma source(%dma_start3A_620 : memref<128x128xf32, #tpu.memory_space<vmem>>) target(%dma_start3A_616 : memref<128x128xf32, #tpu.memory_space<hbm>>) target_semaphore(%arg12 : memref<!tpu.dma_semaphore, #tpu.memory_space<semaphore_mem>>)
    %dma_wait3A_621 = arith.constant 3 : i32
    %dma_wait3A_622 = arith.constant 0 : i32
    %dma_wait3A_623 = arith.constant 0 : i32
    %dma_wait3A_624 = tpu.memref_slice %arg6[%dma_wait3A_621, %dma_wait3A_622, %dma_wait3A_623] : memref<4x128x128xf32, #tpu.memory_space<vmem>> -> memref<1x128x128xf32, #tpu.memory_space<vmem>>
    %dma_wait3A_625 = tpu.memref_squeeze %dma_wait3A_624 : memref<1x128x128xf32, #tpu.memory_space<vmem>> -> memref<128x128xf32, #tpu.memory_space<vmem>>
    %dma_wait3A_626 = arith.constant 0 : i32
    %dma_wait3A_627 = tpu.memref_slice %arg4[%add3A_559, %dma_wait3A_626] : memref<131072x128xf32, #tpu.memory_space<hbm>> -> memref<128x128xf32, #tpu.memory_space<hbm>>
    %dma_wait3A_628 = arith.constant 0 : i32
    %dma_wait3A_629 = tpu.memref_slice %arg4[%add3A_559, %dma_wait3A_628] : memref<131072x128xf32, #tpu.memory_space<hbm>> -> memref<128x128xf32, #tpu.memory_space<hbm>>
    %dma_wait3A_630 = arith.constant 0 : i32
    %dma_wait3A_631 = arith.constant 0 : i32
    %dma_wait3A_632 = tpu.memref_slice %arg6[%dma_wait3A_621, %dma_wait3A_630, %dma_wait3A_631] : memref<4x128x128xf32, #tpu.memory_space<vmem>> -> memref<1x128x128xf32, #tpu.memory_space<vmem>>
    %dma_wait3A_633 = tpu.memref_squeeze %dma_wait3A_632 : memref<1x128x128xf32, #tpu.memory_space<vmem>> -> memref<128x128xf32, #tpu.memory_space<vmem>>
    tpu.wait_dma2 semaphore(%arg15 : memref<!tpu.dma_semaphore, #tpu.memory_space<semaphore_mem>>) src(%dma_wait3A_633 : memref<128x128xf32, #tpu.memory_space<vmem>>) dst(%dma_wait3A_629 : memref<128x128xf32, #tpu.memory_space<hbm>>)
    %dma_start3A_634 = arith.constant 3 : i32
    %dma_start3A_635 = arith.constant 0 : i32
    %dma_start3A_636 = arith.constant 0 : i32
    %dma_start3A_637 = tpu.memref_slice %arg6[%dma_start3A_634, %dma_start3A_635, %dma_start3A_636] : memref<4x128x128xf32, #tpu.memory_space<vmem>> -> memref<1x128x128xf32, #tpu.memory_space<vmem>>
    %dma_start3A_638 = tpu.memref_squeeze %dma_start3A_637 : memref<1x128x128xf32, #tpu.memory_space<vmem>> -> memref<128x128xf32, #tpu.memory_space<vmem>>
    %dma_start3A_639 = arith.constant 1920 : i32
    %dma_start3A_640 = tpu.memref_slice %arg5[%dma_start3A_639] : memref<4096xi32, #tpu.memory_space<vmem>> -> memref<128xi32, #tpu.memory_space<vmem>>
    %dma_start3A_641 = arith.constant 0 : i32
    %dma_start3A_642 = arith.constant 0 : i32
    %dma_start3A_643 = tpu.memref_slice %arg7[%dma_start3A_641, %dma_start3A_642] : memref<512x128xf32, #tpu.memory_space<vmem_shared>> -> memref<512x128xf32, #tpu.memory_space<vmem_shared>>
    tpu.enqueue_indirect_dma source(%dma_start3A_643 : memref<512x128xf32, #tpu.memory_space<vmem_shared>>) target(%dma_start3A_638 : memref<128x128xf32, #tpu.memory_space<vmem>>) offsets(%dma_start3A_640 : memref<128xi32, #tpu.memory_space<vmem>>) semaphore(%arg11 : memref<!tpu.dma_semaphore, #tpu.memory_space<semaphore_mem>>)
    %dma_wait3A_644 = arith.constant 1 : i32
    %dma_wait3A_645 = arith.constant 0 : i32
    %dma_wait3A_646 = arith.constant 0 : i32
    %dma_wait3A_647 = tpu.memref_slice %arg6[%dma_wait3A_644, %dma_wait3A_645, %dma_wait3A_646] : memref<4x128x128xf32, #tpu.memory_space<vmem>> -> memref<1x128x128xf32, #tpu.memory_space<vmem>>
    %dma_wait3A_648 = tpu.memref_squeeze %dma_wait3A_647 : memref<1x128x128xf32, #tpu.memory_space<vmem>> -> memref<128x128xf32, #tpu.memory_space<vmem>>
    %dma_wait3A_649 = arith.constant 1664 : i32
    %dma_wait3A_650 = tpu.memref_slice %arg5[%dma_wait3A_649] : memref<4096xi32, #tpu.memory_space<vmem>> -> memref<128xi32, #tpu.memory_space<vmem>>
    %dma_wait3A_651 = arith.constant 0 : i32
    %dma_wait3A_652 = arith.constant 0 : i32
    %dma_wait3A_653 = tpu.memref_slice %arg7[%dma_wait3A_651, %dma_wait3A_652] : memref<512x128xf32, #tpu.memory_space<vmem_shared>> -> memref<512x128xf32, #tpu.memory_space<vmem_shared>>
    tpu.wait_indirect_dma semaphore(%arg9 : memref<!tpu.dma_semaphore, #tpu.memory_space<semaphore_mem>>) src(%dma_wait3A_653 : memref<512x128xf32, #tpu.memory_space<vmem_shared>>) dst(%dma_wait3A_648 : memref<128x128xf32, #tpu.memory_space<vmem>>)
    %add3A_654 = arith.constant 1664 : i32
    %add3A_655 = arith.addi %mul3A_2, %add3A_654 : i32
    %dma_start3A_656 = arith.constant 1 : i32
    %dma_start3A_657 = arith.constant 0 : i32
    %dma_start3A_658 = arith.constant 0 : i32
    %dma_start3A_659 = tpu.memref_slice %arg6[%dma_start3A_656, %dma_start3A_657, %dma_start3A_658] : memref<4x128x128xf32, #tpu.memory_space<vmem>> -> memref<1x128x128xf32, #tpu.memory_space<vmem>>
    %dma_start3A_660 = tpu.memref_squeeze %dma_start3A_659 : memref<1x128x128xf32, #tpu.memory_space<vmem>> -> memref<128x128xf32, #tpu.memory_space<vmem>>
    %dma_start3A_661 = arith.constant 0 : i32
    %dma_start3A_662 = tpu.memref_slice %arg4[%add3A_655, %dma_start3A_661] : memref<131072x128xf32, #tpu.memory_space<hbm>> -> memref<128x128xf32, #tpu.memory_space<hbm>>
    %dma_start3A_663 = arith.constant 0 : i32
    %dma_start3A_664 = tpu.memref_slice %arg4[%add3A_655, %dma_start3A_663] : memref<131072x128xf32, #tpu.memory_space<hbm>> -> memref<128x128xf32, #tpu.memory_space<hbm>>
    %dma_start3A_665 = arith.constant 0 : i32
    %dma_start3A_666 = arith.constant 0 : i32
    %dma_start3A_667 = tpu.memref_slice %arg6[%dma_start3A_656, %dma_start3A_665, %dma_start3A_666] : memref<4x128x128xf32, #tpu.memory_space<vmem>> -> memref<1x128x128xf32, #tpu.memory_space<vmem>>
    %dma_start3A_668 = tpu.memref_squeeze %dma_start3A_667 : memref<1x128x128xf32, #tpu.memory_space<vmem>> -> memref<128x128xf32, #tpu.memory_space<vmem>>
    tpu.enqueue_dma source(%dma_start3A_668 : memref<128x128xf32, #tpu.memory_space<vmem>>) target(%dma_start3A_664 : memref<128x128xf32, #tpu.memory_space<hbm>>) target_semaphore(%arg13 : memref<!tpu.dma_semaphore, #tpu.memory_space<semaphore_mem>>)
    %dma_wait3A_669 = arith.constant 0 : i32
    %dma_wait3A_670 = arith.constant 0 : i32
    %dma_wait3A_671 = arith.constant 0 : i32
    %dma_wait3A_672 = tpu.memref_slice %arg6[%dma_wait3A_669, %dma_wait3A_670, %dma_wait3A_671] : memref<4x128x128xf32, #tpu.memory_space<vmem>> -> memref<1x128x128xf32, #tpu.memory_space<vmem>>
    %dma_wait3A_673 = tpu.memref_squeeze %dma_wait3A_672 : memref<1x128x128xf32, #tpu.memory_space<vmem>> -> memref<128x128xf32, #tpu.memory_space<vmem>>
    %dma_wait3A_674 = arith.constant 0 : i32
    %dma_wait3A_675 = tpu.memref_slice %arg4[%add3A_607, %dma_wait3A_674] : memref<131072x128xf32, #tpu.memory_space<hbm>> -> memref<128x128xf32, #tpu.memory_space<hbm>>
    %dma_wait3A_676 = arith.constant 0 : i32
    %dma_wait3A_677 = tpu.memref_slice %arg4[%add3A_607, %dma_wait3A_676] : memref<131072x128xf32, #tpu.memory_space<hbm>> -> memref<128x128xf32, #tpu.memory_space<hbm>>
    %dma_wait3A_678 = arith.constant 0 : i32
    %dma_wait3A_679 = arith.constant 0 : i32
    %dma_wait3A_680 = tpu.memref_slice %arg6[%dma_wait3A_669, %dma_wait3A_678, %dma_wait3A_679] : memref<4x128x128xf32, #tpu.memory_space<vmem>> -> memref<1x128x128xf32, #tpu.memory_space<vmem>>
    %dma_wait3A_681 = tpu.memref_squeeze %dma_wait3A_680 : memref<1x128x128xf32, #tpu.memory_space<vmem>> -> memref<128x128xf32, #tpu.memory_space<vmem>>
    tpu.wait_dma2 semaphore(%arg12 : memref<!tpu.dma_semaphore, #tpu.memory_space<semaphore_mem>>) src(%dma_wait3A_681 : memref<128x128xf32, #tpu.memory_space<vmem>>) dst(%dma_wait3A_677 : memref<128x128xf32, #tpu.memory_space<hbm>>)
    %dma_start3A_682 = arith.constant 0 : i32
    %dma_start3A_683 = arith.constant 0 : i32
    %dma_start3A_684 = arith.constant 0 : i32
    %dma_start3A_685 = tpu.memref_slice %arg6[%dma_start3A_682, %dma_start3A_683, %dma_start3A_684] : memref<4x128x128xf32, #tpu.memory_space<vmem>> -> memref<1x128x128xf32, #tpu.memory_space<vmem>>
    %dma_start3A_686 = tpu.memref_squeeze %dma_start3A_685 : memref<1x128x128xf32, #tpu.memory_space<vmem>> -> memref<128x128xf32, #tpu.memory_space<vmem>>
    %dma_start3A_687 = arith.constant 2048 : i32
    %dma_start3A_688 = tpu.memref_slice %arg5[%dma_start3A_687] : memref<4096xi32, #tpu.memory_space<vmem>> -> memref<128xi32, #tpu.memory_space<vmem>>
    %dma_start3A_689 = arith.constant 0 : i32
    %dma_start3A_690 = arith.constant 0 : i32
    %dma_start3A_691 = tpu.memref_slice %arg7[%dma_start3A_689, %dma_start3A_690] : memref<512x128xf32, #tpu.memory_space<vmem_shared>> -> memref<512x128xf32, #tpu.memory_space<vmem_shared>>
    tpu.enqueue_indirect_dma source(%dma_start3A_691 : memref<512x128xf32, #tpu.memory_space<vmem_shared>>) target(%dma_start3A_686 : memref<128x128xf32, #tpu.memory_space<vmem>>) offsets(%dma_start3A_688 : memref<128xi32, #tpu.memory_space<vmem>>) semaphore(%arg8 : memref<!tpu.dma_semaphore, #tpu.memory_space<semaphore_mem>>)
    %dma_wait3A_692 = arith.constant 2 : i32
    %dma_wait3A_693 = arith.constant 0 : i32
    %dma_wait3A_694 = arith.constant 0 : i32
    %dma_wait3A_695 = tpu.memref_slice %arg6[%dma_wait3A_692, %dma_wait3A_693, %dma_wait3A_694] : memref<4x128x128xf32, #tpu.memory_space<vmem>> -> memref<1x128x128xf32, #tpu.memory_space<vmem>>
    %dma_wait3A_696 = tpu.memref_squeeze %dma_wait3A_695 : memref<1x128x128xf32, #tpu.memory_space<vmem>> -> memref<128x128xf32, #tpu.memory_space<vmem>>
    %dma_wait3A_697 = arith.constant 1792 : i32
    %dma_wait3A_698 = tpu.memref_slice %arg5[%dma_wait3A_697] : memref<4096xi32, #tpu.memory_space<vmem>> -> memref<128xi32, #tpu.memory_space<vmem>>
    %dma_wait3A_699 = arith.constant 0 : i32
    %dma_wait3A_700 = arith.constant 0 : i32
    %dma_wait3A_701 = tpu.memref_slice %arg7[%dma_wait3A_699, %dma_wait3A_700] : memref<512x128xf32, #tpu.memory_space<vmem_shared>> -> memref<512x128xf32, #tpu.memory_space<vmem_shared>>
    tpu.wait_indirect_dma semaphore(%arg10 : memref<!tpu.dma_semaphore, #tpu.memory_space<semaphore_mem>>) src(%dma_wait3A_701 : memref<512x128xf32, #tpu.memory_space<vmem_shared>>) dst(%dma_wait3A_696 : memref<128x128xf32, #tpu.memory_space<vmem>>)
    %add3A_702 = arith.constant 1792 : i32
    %add3A_703 = arith.addi %mul3A_2, %add3A_702 : i32
    %dma_start3A_704 = arith.constant 2 : i32
    %dma_start3A_705 = arith.constant 0 : i32
    %dma_start3A_706 = arith.constant 0 : i32
    %dma_start3A_707 = tpu.memref_slice %arg6[%dma_start3A_704, %dma_start3A_705, %dma_start3A_706] : memref<4x128x128xf32, #tpu.memory_space<vmem>> -> memref<1x128x128xf32, #tpu.memory_space<vmem>>
    %dma_start3A_708 = tpu.memref_squeeze %dma_start3A_707 : memref<1x128x128xf32, #tpu.memory_space<vmem>> -> memref<128x128xf32, #tpu.memory_space<vmem>>
    %dma_start3A_709 = arith.constant 0 : i32
    %dma_start3A_710 = tpu.memref_slice %arg4[%add3A_703, %dma_start3A_709] : memref<131072x128xf32, #tpu.memory_space<hbm>> -> memref<128x128xf32, #tpu.memory_space<hbm>>
    %dma_start3A_711 = arith.constant 0 : i32
    %dma_start3A_712 = tpu.memref_slice %arg4[%add3A_703, %dma_start3A_711] : memref<131072x128xf32, #tpu.memory_space<hbm>> -> memref<128x128xf32, #tpu.memory_space<hbm>>
    %dma_start3A_713 = arith.constant 0 : i32
    %dma_start3A_714 = arith.constant 0 : i32
    %dma_start3A_715 = tpu.memref_slice %arg6[%dma_start3A_704, %dma_start3A_713, %dma_start3A_714] : memref<4x128x128xf32, #tpu.memory_space<vmem>> -> memref<1x128x128xf32, #tpu.memory_space<vmem>>
    %dma_start3A_716 = tpu.memref_squeeze %dma_start3A_715 : memref<1x128x128xf32, #tpu.memory_space<vmem>> -> memref<128x128xf32, #tpu.memory_space<vmem>>
    tpu.enqueue_dma source(%dma_start3A_716 : memref<128x128xf32, #tpu.memory_space<vmem>>) target(%dma_start3A_712 : memref<128x128xf32, #tpu.memory_space<hbm>>) target_semaphore(%arg14 : memref<!tpu.dma_semaphore, #tpu.memory_space<semaphore_mem>>)
    %dma_wait3A_717 = arith.constant 1 : i32
    %dma_wait3A_718 = arith.constant 0 : i32
    %dma_wait3A_719 = arith.constant 0 : i32
    %dma_wait3A_720 = tpu.memref_slice %arg6[%dma_wait3A_717, %dma_wait3A_718, %dma_wait3A_719] : memref<4x128x128xf32, #tpu.memory_space<vmem>> -> memref<1x128x128xf32, #tpu.memory_space<vmem>>
    %dma_wait3A_721 = tpu.memref_squeeze %dma_wait3A_720 : memref<1x128x128xf32, #tpu.memory_space<vmem>> -> memref<128x128xf32, #tpu.memory_space<vmem>>
    %dma_wait3A_722 = arith.constant 0 : i32
    %dma_wait3A_723 = tpu.memref_slice %arg4[%add3A_655, %dma_wait3A_722] : memref<131072x128xf32, #tpu.memory_space<hbm>> -> memref<128x128xf32, #tpu.memory_space<hbm>>
    %dma_wait3A_724 = arith.constant 0 : i32
    %dma_wait3A_725 = tpu.memref_slice %arg4[%add3A_655, %dma_wait3A_724] : memref<131072x128xf32, #tpu.memory_space<hbm>> -> memref<128x128xf32, #tpu.memory_space<hbm>>
    %dma_wait3A_726 = arith.constant 0 : i32
    %dma_wait3A_727 = arith.constant 0 : i32
    %dma_wait3A_728 = tpu.memref_slice %arg6[%dma_wait3A_717, %dma_wait3A_726, %dma_wait3A_727] : memref<4x128x128xf32, #tpu.memory_space<vmem>> -> memref<1x128x128xf32, #tpu.memory_space<vmem>>
    %dma_wait3A_729 = tpu.memref_squeeze %dma_wait3A_728 : memref<1x128x128xf32, #tpu.memory_space<vmem>> -> memref<128x128xf32, #tpu.memory_space<vmem>>
    tpu.wait_dma2 semaphore(%arg13 : memref<!tpu.dma_semaphore, #tpu.memory_space<semaphore_mem>>) src(%dma_wait3A_729 : memref<128x128xf32, #tpu.memory_space<vmem>>) dst(%dma_wait3A_725 : memref<128x128xf32, #tpu.memory_space<hbm>>)
    %dma_start3A_730 = arith.constant 1 : i32
    %dma_start3A_731 = arith.constant 0 : i32
    %dma_start3A_732 = arith.constant 0 : i32
    %dma_start3A_733 = tpu.memref_slice %arg6[%dma_start3A_730, %dma_start3A_731, %dma_start3A_732] : memref<4x128x128xf32, #tpu.memory_space<vmem>> -> memref<1x128x128xf32, #tpu.memory_space<vmem>>
    %dma_start3A_734 = tpu.memref_squeeze %dma_start3A_733 : memref<1x128x128xf32, #tpu.memory_space<vmem>> -> memref<128x128xf32, #tpu.memory_space<vmem>>
    %dma_start3A_735 = arith.constant 2176 : i32
    %dma_start3A_736 = tpu.memref_slice %arg5[%dma_start3A_735] : memref<4096xi32, #tpu.memory_space<vmem>> -> memref<128xi32, #tpu.memory_space<vmem>>
    %dma_start3A_737 = arith.constant 0 : i32
    %dma_start3A_738 = arith.constant 0 : i32
    %dma_start3A_739 = tpu.memref_slice %arg7[%dma_start3A_737, %dma_start3A_738] : memref<512x128xf32, #tpu.memory_space<vmem_shared>> -> memref<512x128xf32, #tpu.memory_space<vmem_shared>>
    tpu.enqueue_indirect_dma source(%dma_start3A_739 : memref<512x128xf32, #tpu.memory_space<vmem_shared>>) target(%dma_start3A_734 : memref<128x128xf32, #tpu.memory_space<vmem>>) offsets(%dma_start3A_736 : memref<128xi32, #tpu.memory_space<vmem>>) semaphore(%arg9 : memref<!tpu.dma_semaphore, #tpu.memory_space<semaphore_mem>>)
    %dma_wait3A_740 = arith.constant 3 : i32
    %dma_wait3A_741 = arith.constant 0 : i32
    %dma_wait3A_742 = arith.constant 0 : i32
    %dma_wait3A_743 = tpu.memref_slice %arg6[%dma_wait3A_740, %dma_wait3A_741, %dma_wait3A_742] : memref<4x128x128xf32, #tpu.memory_space<vmem>> -> memref<1x128x128xf32, #tpu.memory_space<vmem>>
    %dma_wait3A_744 = tpu.memref_squeeze %dma_wait3A_743 : memref<1x128x128xf32, #tpu.memory_space<vmem>> -> memref<128x128xf32, #tpu.memory_space<vmem>>
    %dma_wait3A_745 = arith.constant 1920 : i32
    %dma_wait3A_746 = tpu.memref_slice %arg5[%dma_wait3A_745] : memref<4096xi32, #tpu.memory_space<vmem>> -> memref<128xi32, #tpu.memory_space<vmem>>
    %dma_wait3A_747 = arith.constant 0 : i32
    %dma_wait3A_748 = arith.constant 0 : i32
    %dma_wait3A_749 = tpu.memref_slice %arg7[%dma_wait3A_747, %dma_wait3A_748] : memref<512x128xf32, #tpu.memory_space<vmem_shared>> -> memref<512x128xf32, #tpu.memory_space<vmem_shared>>
    tpu.wait_indirect_dma semaphore(%arg11 : memref<!tpu.dma_semaphore, #tpu.memory_space<semaphore_mem>>) src(%dma_wait3A_749 : memref<512x128xf32, #tpu.memory_space<vmem_shared>>) dst(%dma_wait3A_744 : memref<128x128xf32, #tpu.memory_space<vmem>>)
    %add3A_750 = arith.constant 1920 : i32
    %add3A_751 = arith.addi %mul3A_2, %add3A_750 : i32
    %dma_start3A_752 = arith.constant 3 : i32
    %dma_start3A_753 = arith.constant 0 : i32
    %dma_start3A_754 = arith.constant 0 : i32
    %dma_start3A_755 = tpu.memref_slice %arg6[%dma_start3A_752, %dma_start3A_753, %dma_start3A_754] : memref<4x128x128xf32, #tpu.memory_space<vmem>> -> memref<1x128x128xf32, #tpu.memory_space<vmem>>
    %dma_start3A_756 = tpu.memref_squeeze %dma_start3A_755 : memref<1x128x128xf32, #tpu.memory_space<vmem>> -> memref<128x128xf32, #tpu.memory_space<vmem>>
    %dma_start3A_757 = arith.constant 0 : i32
    %dma_start3A_758 = tpu.memref_slice %arg4[%add3A_751, %dma_start3A_757] : memref<131072x128xf32, #tpu.memory_space<hbm>> -> memref<128x128xf32, #tpu.memory_space<hbm>>
    %dma_start3A_759 = arith.constant 0 : i32
    %dma_start3A_760 = tpu.memref_slice %arg4[%add3A_751, %dma_start3A_759] : memref<131072x128xf32, #tpu.memory_space<hbm>> -> memref<128x128xf32, #tpu.memory_space<hbm>>
    %dma_start3A_761 = arith.constant 0 : i32
    %dma_start3A_762 = arith.constant 0 : i32
    %dma_start3A_763 = tpu.memref_slice %arg6[%dma_start3A_752, %dma_start3A_761, %dma_start3A_762] : memref<4x128x128xf32, #tpu.memory_space<vmem>> -> memref<1x128x128xf32, #tpu.memory_space<vmem>>
    %dma_start3A_764 = tpu.memref_squeeze %dma_start3A_763 : memref<1x128x128xf32, #tpu.memory_space<vmem>> -> memref<128x128xf32, #tpu.memory_space<vmem>>
    tpu.enqueue_dma source(%dma_start3A_764 : memref<128x128xf32, #tpu.memory_space<vmem>>) target(%dma_start3A_760 : memref<128x128xf32, #tpu.memory_space<hbm>>) target_semaphore(%arg15 : memref<!tpu.dma_semaphore, #tpu.memory_space<semaphore_mem>>)
    %dma_wait3A_765 = arith.constant 2 : i32
    %dma_wait3A_766 = arith.constant 0 : i32
    %dma_wait3A_767 = arith.constant 0 : i32
    %dma_wait3A_768 = tpu.memref_slice %arg6[%dma_wait3A_765, %dma_wait3A_766, %dma_wait3A_767] : memref<4x128x128xf32, #tpu.memory_space<vmem>> -> memref<1x128x128xf32, #tpu.memory_space<vmem>>
    %dma_wait3A_769 = tpu.memref_squeeze %dma_wait3A_768 : memref<1x128x128xf32, #tpu.memory_space<vmem>> -> memref<128x128xf32, #tpu.memory_space<vmem>>
    %dma_wait3A_770 = arith.constant 0 : i32
    %dma_wait3A_771 = tpu.memref_slice %arg4[%add3A_703, %dma_wait3A_770] : memref<131072x128xf32, #tpu.memory_space<hbm>> -> memref<128x128xf32, #tpu.memory_space<hbm>>
    %dma_wait3A_772 = arith.constant 0 : i32
    %dma_wait3A_773 = tpu.memref_slice %arg4[%add3A_703, %dma_wait3A_772] : memref<131072x128xf32, #tpu.memory_space<hbm>> -> memref<128x128xf32, #tpu.memory_space<hbm>>
    %dma_wait3A_774 = arith.constant 0 : i32
    %dma_wait3A_775 = arith.constant 0 : i32
    %dma_wait3A_776 = tpu.memref_slice %arg6[%dma_wait3A_765, %dma_wait3A_774, %dma_wait3A_775] : memref<4x128x128xf32, #tpu.memory_space<vmem>> -> memref<1x128x128xf32, #tpu.memory_space<vmem>>
    %dma_wait3A_777 = tpu.memref_squeeze %dma_wait3A_776 : memref<1x128x128xf32, #tpu.memory_space<vmem>> -> memref<128x128xf32, #tpu.memory_space<vmem>>
    tpu.wait_dma2 semaphore(%arg14 : memref<!tpu.dma_semaphore, #tpu.memory_space<semaphore_mem>>) src(%dma_wait3A_777 : memref<128x128xf32, #tpu.memory_space<vmem>>) dst(%dma_wait3A_773 : memref<128x128xf32, #tpu.memory_space<hbm>>)
    %dma_start3A_778 = arith.constant 2 : i32
    %dma_start3A_779 = arith.constant 0 : i32
    %dma_start3A_780 = arith.constant 0 : i32
    %dma_start3A_781 = tpu.memref_slice %arg6[%dma_start3A_778, %dma_start3A_779, %dma_start3A_780] : memref<4x128x128xf32, #tpu.memory_space<vmem>> -> memref<1x128x128xf32, #tpu.memory_space<vmem>>
    %dma_start3A_782 = tpu.memref_squeeze %dma_start3A_781 : memref<1x128x128xf32, #tpu.memory_space<vmem>> -> memref<128x128xf32, #tpu.memory_space<vmem>>
    %dma_start3A_783 = arith.constant 2304 : i32
    %dma_start3A_784 = tpu.memref_slice %arg5[%dma_start3A_783] : memref<4096xi32, #tpu.memory_space<vmem>> -> memref<128xi32, #tpu.memory_space<vmem>>
    %dma_start3A_785 = arith.constant 0 : i32
    %dma_start3A_786 = arith.constant 0 : i32
    %dma_start3A_787 = tpu.memref_slice %arg7[%dma_start3A_785, %dma_start3A_786] : memref<512x128xf32, #tpu.memory_space<vmem_shared>> -> memref<512x128xf32, #tpu.memory_space<vmem_shared>>
    tpu.enqueue_indirect_dma source(%dma_start3A_787 : memref<512x128xf32, #tpu.memory_space<vmem_shared>>) target(%dma_start3A_782 : memref<128x128xf32, #tpu.memory_space<vmem>>) offsets(%dma_start3A_784 : memref<128xi32, #tpu.memory_space<vmem>>) semaphore(%arg10 : memref<!tpu.dma_semaphore, #tpu.memory_space<semaphore_mem>>)
    %dma_wait3A_788 = arith.constant 0 : i32
    %dma_wait3A_789 = arith.constant 0 : i32
    %dma_wait3A_790 = arith.constant 0 : i32
    %dma_wait3A_791 = tpu.memref_slice %arg6[%dma_wait3A_788, %dma_wait3A_789, %dma_wait3A_790] : memref<4x128x128xf32, #tpu.memory_space<vmem>> -> memref<1x128x128xf32, #tpu.memory_space<vmem>>
    %dma_wait3A_792 = tpu.memref_squeeze %dma_wait3A_791 : memref<1x128x128xf32, #tpu.memory_space<vmem>> -> memref<128x128xf32, #tpu.memory_space<vmem>>
    %dma_wait3A_793 = arith.constant 2048 : i32
    %dma_wait3A_794 = tpu.memref_slice %arg5[%dma_wait3A_793] : memref<4096xi32, #tpu.memory_space<vmem>> -> memref<128xi32, #tpu.memory_space<vmem>>
    %dma_wait3A_795 = arith.constant 0 : i32
    %dma_wait3A_796 = arith.constant 0 : i32
    %dma_wait3A_797 = tpu.memref_slice %arg7[%dma_wait3A_795, %dma_wait3A_796] : memref<512x128xf32, #tpu.memory_space<vmem_shared>> -> memref<512x128xf32, #tpu.memory_space<vmem_shared>>
    tpu.wait_indirect_dma semaphore(%arg8 : memref<!tpu.dma_semaphore, #tpu.memory_space<semaphore_mem>>) src(%dma_wait3A_797 : memref<512x128xf32, #tpu.memory_space<vmem_shared>>) dst(%dma_wait3A_792 : memref<128x128xf32, #tpu.memory_space<vmem>>)
    %add3A_798 = arith.constant 2048 : i32
    %add3A_799 = arith.addi %mul3A_2, %add3A_798 : i32
    %dma_start3A_800 = arith.constant 0 : i32
    %dma_start3A_801 = arith.constant 0 : i32
    %dma_start3A_802 = arith.constant 0 : i32
    %dma_start3A_803 = tpu.memref_slice %arg6[%dma_start3A_800, %dma_start3A_801, %dma_start3A_802] : memref<4x128x128xf32, #tpu.memory_space<vmem>> -> memref<1x128x128xf32, #tpu.memory_space<vmem>>
    %dma_start3A_804 = tpu.memref_squeeze %dma_start3A_803 : memref<1x128x128xf32, #tpu.memory_space<vmem>> -> memref<128x128xf32, #tpu.memory_space<vmem>>
    %dma_start3A_805 = arith.constant 0 : i32
    %dma_start3A_806 = tpu.memref_slice %arg4[%add3A_799, %dma_start3A_805] : memref<131072x128xf32, #tpu.memory_space<hbm>> -> memref<128x128xf32, #tpu.memory_space<hbm>>
    %dma_start3A_807 = arith.constant 0 : i32
    %dma_start3A_808 = tpu.memref_slice %arg4[%add3A_799, %dma_start3A_807] : memref<131072x128xf32, #tpu.memory_space<hbm>> -> memref<128x128xf32, #tpu.memory_space<hbm>>
    %dma_start3A_809 = arith.constant 0 : i32
    %dma_start3A_810 = arith.constant 0 : i32
    %dma_start3A_811 = tpu.memref_slice %arg6[%dma_start3A_800, %dma_start3A_809, %dma_start3A_810] : memref<4x128x128xf32, #tpu.memory_space<vmem>> -> memref<1x128x128xf32, #tpu.memory_space<vmem>>
    %dma_start3A_812 = tpu.memref_squeeze %dma_start3A_811 : memref<1x128x128xf32, #tpu.memory_space<vmem>> -> memref<128x128xf32, #tpu.memory_space<vmem>>
    tpu.enqueue_dma source(%dma_start3A_812 : memref<128x128xf32, #tpu.memory_space<vmem>>) target(%dma_start3A_808 : memref<128x128xf32, #tpu.memory_space<hbm>>) target_semaphore(%arg12 : memref<!tpu.dma_semaphore, #tpu.memory_space<semaphore_mem>>)
    %dma_wait3A_813 = arith.constant 3 : i32
    %dma_wait3A_814 = arith.constant 0 : i32
    %dma_wait3A_815 = arith.constant 0 : i32
    %dma_wait3A_816 = tpu.memref_slice %arg6[%dma_wait3A_813, %dma_wait3A_814, %dma_wait3A_815] : memref<4x128x128xf32, #tpu.memory_space<vmem>> -> memref<1x128x128xf32, #tpu.memory_space<vmem>>
    %dma_wait3A_817 = tpu.memref_squeeze %dma_wait3A_816 : memref<1x128x128xf32, #tpu.memory_space<vmem>> -> memref<128x128xf32, #tpu.memory_space<vmem>>
    %dma_wait3A_818 = arith.constant 0 : i32
    %dma_wait3A_819 = tpu.memref_slice %arg4[%add3A_751, %dma_wait3A_818] : memref<131072x128xf32, #tpu.memory_space<hbm>> -> memref<128x128xf32, #tpu.memory_space<hbm>>
    %dma_wait3A_820 = arith.constant 0 : i32
    %dma_wait3A_821 = tpu.memref_slice %arg4[%add3A_751, %dma_wait3A_820] : memref<131072x128xf32, #tpu.memory_space<hbm>> -> memref<128x128xf32, #tpu.memory_space<hbm>>
    %dma_wait3A_822 = arith.constant 0 : i32
    %dma_wait3A_823 = arith.constant 0 : i32
    %dma_wait3A_824 = tpu.memref_slice %arg6[%dma_wait3A_813, %dma_wait3A_822, %dma_wait3A_823] : memref<4x128x128xf32, #tpu.memory_space<vmem>> -> memref<1x128x128xf32, #tpu.memory_space<vmem>>
    %dma_wait3A_825 = tpu.memref_squeeze %dma_wait3A_824 : memref<1x128x128xf32, #tpu.memory_space<vmem>> -> memref<128x128xf32, #tpu.memory_space<vmem>>
    tpu.wait_dma2 semaphore(%arg15 : memref<!tpu.dma_semaphore, #tpu.memory_space<semaphore_mem>>) src(%dma_wait3A_825 : memref<128x128xf32, #tpu.memory_space<vmem>>) dst(%dma_wait3A_821 : memref<128x128xf32, #tpu.memory_space<hbm>>)
    %dma_start3A_826 = arith.constant 3 : i32
    %dma_start3A_827 = arith.constant 0 : i32
    %dma_start3A_828 = arith.constant 0 : i32
    %dma_start3A_829 = tpu.memref_slice %arg6[%dma_start3A_826, %dma_start3A_827, %dma_start3A_828] : memref<4x128x128xf32, #tpu.memory_space<vmem>> -> memref<1x128x128xf32, #tpu.memory_space<vmem>>
    %dma_start3A_830 = tpu.memref_squeeze %dma_start3A_829 : memref<1x128x128xf32, #tpu.memory_space<vmem>> -> memref<128x128xf32, #tpu.memory_space<vmem>>
    %dma_start3A_831 = arith.constant 2432 : i32
    %dma_start3A_832 = tpu.memref_slice %arg5[%dma_start3A_831] : memref<4096xi32, #tpu.memory_space<vmem>> -> memref<128xi32, #tpu.memory_space<vmem>>
    %dma_start3A_833 = arith.constant 0 : i32
    %dma_start3A_834 = arith.constant 0 : i32
    %dma_start3A_835 = tpu.memref_slice %arg7[%dma_start3A_833, %dma_start3A_834] : memref<512x128xf32, #tpu.memory_space<vmem_shared>> -> memref<512x128xf32, #tpu.memory_space<vmem_shared>>
    tpu.enqueue_indirect_dma source(%dma_start3A_835 : memref<512x128xf32, #tpu.memory_space<vmem_shared>>) target(%dma_start3A_830 : memref<128x128xf32, #tpu.memory_space<vmem>>) offsets(%dma_start3A_832 : memref<128xi32, #tpu.memory_space<vmem>>) semaphore(%arg11 : memref<!tpu.dma_semaphore, #tpu.memory_space<semaphore_mem>>)
    %dma_wait3A_836 = arith.constant 1 : i32
    %dma_wait3A_837 = arith.constant 0 : i32
    %dma_wait3A_838 = arith.constant 0 : i32
    %dma_wait3A_839 = tpu.memref_slice %arg6[%dma_wait3A_836, %dma_wait3A_837, %dma_wait3A_838] : memref<4x128x128xf32, #tpu.memory_space<vmem>> -> memref<1x128x128xf32, #tpu.memory_space<vmem>>
    %dma_wait3A_840 = tpu.memref_squeeze %dma_wait3A_839 : memref<1x128x128xf32, #tpu.memory_space<vmem>> -> memref<128x128xf32, #tpu.memory_space<vmem>>
    %dma_wait3A_841 = arith.constant 2176 : i32
    %dma_wait3A_842 = tpu.memref_slice %arg5[%dma_wait3A_841] : memref<4096xi32, #tpu.memory_space<vmem>> -> memref<128xi32, #tpu.memory_space<vmem>>
    %dma_wait3A_843 = arith.constant 0 : i32
    %dma_wait3A_844 = arith.constant 0 : i32
    %dma_wait3A_845 = tpu.memref_slice %arg7[%dma_wait3A_843, %dma_wait3A_844] : memref<512x128xf32, #tpu.memory_space<vmem_shared>> -> memref<512x128xf32, #tpu.memory_space<vmem_shared>>
    tpu.wait_indirect_dma semaphore(%arg9 : memref<!tpu.dma_semaphore, #tpu.memory_space<semaphore_mem>>) src(%dma_wait3A_845 : memref<512x128xf32, #tpu.memory_space<vmem_shared>>) dst(%dma_wait3A_840 : memref<128x128xf32, #tpu.memory_space<vmem>>)
    %add3A_846 = arith.constant 2176 : i32
    %add3A_847 = arith.addi %mul3A_2, %add3A_846 : i32
    %dma_start3A_848 = arith.constant 1 : i32
    %dma_start3A_849 = arith.constant 0 : i32
    %dma_start3A_850 = arith.constant 0 : i32
    %dma_start3A_851 = tpu.memref_slice %arg6[%dma_start3A_848, %dma_start3A_849, %dma_start3A_850] : memref<4x128x128xf32, #tpu.memory_space<vmem>> -> memref<1x128x128xf32, #tpu.memory_space<vmem>>
    %dma_start3A_852 = tpu.memref_squeeze %dma_start3A_851 : memref<1x128x128xf32, #tpu.memory_space<vmem>> -> memref<128x128xf32, #tpu.memory_space<vmem>>
    %dma_start3A_853 = arith.constant 0 : i32
    %dma_start3A_854 = tpu.memref_slice %arg4[%add3A_847, %dma_start3A_853] : memref<131072x128xf32, #tpu.memory_space<hbm>> -> memref<128x128xf32, #tpu.memory_space<hbm>>
    %dma_start3A_855 = arith.constant 0 : i32
    %dma_start3A_856 = tpu.memref_slice %arg4[%add3A_847, %dma_start3A_855] : memref<131072x128xf32, #tpu.memory_space<hbm>> -> memref<128x128xf32, #tpu.memory_space<hbm>>
    %dma_start3A_857 = arith.constant 0 : i32
    %dma_start3A_858 = arith.constant 0 : i32
    %dma_start3A_859 = tpu.memref_slice %arg6[%dma_start3A_848, %dma_start3A_857, %dma_start3A_858] : memref<4x128x128xf32, #tpu.memory_space<vmem>> -> memref<1x128x128xf32, #tpu.memory_space<vmem>>
    %dma_start3A_860 = tpu.memref_squeeze %dma_start3A_859 : memref<1x128x128xf32, #tpu.memory_space<vmem>> -> memref<128x128xf32, #tpu.memory_space<vmem>>
    tpu.enqueue_dma source(%dma_start3A_860 : memref<128x128xf32, #tpu.memory_space<vmem>>) target(%dma_start3A_856 : memref<128x128xf32, #tpu.memory_space<hbm>>) target_semaphore(%arg13 : memref<!tpu.dma_semaphore, #tpu.memory_space<semaphore_mem>>)
    %dma_wait3A_861 = arith.constant 0 : i32
    %dma_wait3A_862 = arith.constant 0 : i32
    %dma_wait3A_863 = arith.constant 0 : i32
    %dma_wait3A_864 = tpu.memref_slice %arg6[%dma_wait3A_861, %dma_wait3A_862, %dma_wait3A_863] : memref<4x128x128xf32, #tpu.memory_space<vmem>> -> memref<1x128x128xf32, #tpu.memory_space<vmem>>
    %dma_wait3A_865 = tpu.memref_squeeze %dma_wait3A_864 : memref<1x128x128xf32, #tpu.memory_space<vmem>> -> memref<128x128xf32, #tpu.memory_space<vmem>>
    %dma_wait3A_866 = arith.constant 0 : i32
    %dma_wait3A_867 = tpu.memref_slice %arg4[%add3A_799, %dma_wait3A_866] : memref<131072x128xf32, #tpu.memory_space<hbm>> -> memref<128x128xf32, #tpu.memory_space<hbm>>
    %dma_wait3A_868 = arith.constant 0 : i32
    %dma_wait3A_869 = tpu.memref_slice %arg4[%add3A_799, %dma_wait3A_868] : memref<131072x128xf32, #tpu.memory_space<hbm>> -> memref<128x128xf32, #tpu.memory_space<hbm>>
    %dma_wait3A_870 = arith.constant 0 : i32
    %dma_wait3A_871 = arith.constant 0 : i32
    %dma_wait3A_872 = tpu.memref_slice %arg6[%dma_wait3A_861, %dma_wait3A_870, %dma_wait3A_871] : memref<4x128x128xf32, #tpu.memory_space<vmem>> -> memref<1x128x128xf32, #tpu.memory_space<vmem>>
    %dma_wait3A_873 = tpu.memref_squeeze %dma_wait3A_872 : memref<1x128x128xf32, #tpu.memory_space<vmem>> -> memref<128x128xf32, #tpu.memory_space<vmem>>
    tpu.wait_dma2 semaphore(%arg12 : memref<!tpu.dma_semaphore, #tpu.memory_space<semaphore_mem>>) src(%dma_wait3A_873 : memref<128x128xf32, #tpu.memory_space<vmem>>) dst(%dma_wait3A_869 : memref<128x128xf32, #tpu.memory_space<hbm>>)
    %dma_start3A_874 = arith.constant 0 : i32
    %dma_start3A_875 = arith.constant 0 : i32
    %dma_start3A_876 = arith.constant 0 : i32
    %dma_start3A_877 = tpu.memref_slice %arg6[%dma_start3A_874, %dma_start3A_875, %dma_start3A_876] : memref<4x128x128xf32, #tpu.memory_space<vmem>> -> memref<1x128x128xf32, #tpu.memory_space<vmem>>
    %dma_start3A_878 = tpu.memref_squeeze %dma_start3A_877 : memref<1x128x128xf32, #tpu.memory_space<vmem>> -> memref<128x128xf32, #tpu.memory_space<vmem>>
    %dma_start3A_879 = arith.constant 2560 : i32
    %dma_start3A_880 = tpu.memref_slice %arg5[%dma_start3A_879] : memref<4096xi32, #tpu.memory_space<vmem>> -> memref<128xi32, #tpu.memory_space<vmem>>
    %dma_start3A_881 = arith.constant 0 : i32
    %dma_start3A_882 = arith.constant 0 : i32
    %dma_start3A_883 = tpu.memref_slice %arg7[%dma_start3A_881, %dma_start3A_882] : memref<512x128xf32, #tpu.memory_space<vmem_shared>> -> memref<512x128xf32, #tpu.memory_space<vmem_shared>>
    tpu.enqueue_indirect_dma source(%dma_start3A_883 : memref<512x128xf32, #tpu.memory_space<vmem_shared>>) target(%dma_start3A_878 : memref<128x128xf32, #tpu.memory_space<vmem>>) offsets(%dma_start3A_880 : memref<128xi32, #tpu.memory_space<vmem>>) semaphore(%arg8 : memref<!tpu.dma_semaphore, #tpu.memory_space<semaphore_mem>>)
    %dma_wait3A_884 = arith.constant 2 : i32
    %dma_wait3A_885 = arith.constant 0 : i32
    %dma_wait3A_886 = arith.constant 0 : i32
    %dma_wait3A_887 = tpu.memref_slice %arg6[%dma_wait3A_884, %dma_wait3A_885, %dma_wait3A_886] : memref<4x128x128xf32, #tpu.memory_space<vmem>> -> memref<1x128x128xf32, #tpu.memory_space<vmem>>
    %dma_wait3A_888 = tpu.memref_squeeze %dma_wait3A_887 : memref<1x128x128xf32, #tpu.memory_space<vmem>> -> memref<128x128xf32, #tpu.memory_space<vmem>>
    %dma_wait3A_889 = arith.constant 2304 : i32
    %dma_wait3A_890 = tpu.memref_slice %arg5[%dma_wait3A_889] : memref<4096xi32, #tpu.memory_space<vmem>> -> memref<128xi32, #tpu.memory_space<vmem>>
    %dma_wait3A_891 = arith.constant 0 : i32
    %dma_wait3A_892 = arith.constant 0 : i32
    %dma_wait3A_893 = tpu.memref_slice %arg7[%dma_wait3A_891, %dma_wait3A_892] : memref<512x128xf32, #tpu.memory_space<vmem_shared>> -> memref<512x128xf32, #tpu.memory_space<vmem_shared>>
    tpu.wait_indirect_dma semaphore(%arg10 : memref<!tpu.dma_semaphore, #tpu.memory_space<semaphore_mem>>) src(%dma_wait3A_893 : memref<512x128xf32, #tpu.memory_space<vmem_shared>>) dst(%dma_wait3A_888 : memref<128x128xf32, #tpu.memory_space<vmem>>)
    %add3A_894 = arith.constant 2304 : i32
    %add3A_895 = arith.addi %mul3A_2, %add3A_894 : i32
    %dma_start3A_896 = arith.constant 2 : i32
    %dma_start3A_897 = arith.constant 0 : i32
    %dma_start3A_898 = arith.constant 0 : i32
    %dma_start3A_899 = tpu.memref_slice %arg6[%dma_start3A_896, %dma_start3A_897, %dma_start3A_898] : memref<4x128x128xf32, #tpu.memory_space<vmem>> -> memref<1x128x128xf32, #tpu.memory_space<vmem>>
    %dma_start3A_900 = tpu.memref_squeeze %dma_start3A_899 : memref<1x128x128xf32, #tpu.memory_space<vmem>> -> memref<128x128xf32, #tpu.memory_space<vmem>>
    %dma_start3A_901 = arith.constant 0 : i32
    %dma_start3A_902 = tpu.memref_slice %arg4[%add3A_895, %dma_start3A_901] : memref<131072x128xf32, #tpu.memory_space<hbm>> -> memref<128x128xf32, #tpu.memory_space<hbm>>
    %dma_start3A_903 = arith.constant 0 : i32
    %dma_start3A_904 = tpu.memref_slice %arg4[%add3A_895, %dma_start3A_903] : memref<131072x128xf32, #tpu.memory_space<hbm>> -> memref<128x128xf32, #tpu.memory_space<hbm>>
    %dma_start3A_905 = arith.constant 0 : i32
    %dma_start3A_906 = arith.constant 0 : i32
    %dma_start3A_907 = tpu.memref_slice %arg6[%dma_start3A_896, %dma_start3A_905, %dma_start3A_906] : memref<4x128x128xf32, #tpu.memory_space<vmem>> -> memref<1x128x128xf32, #tpu.memory_space<vmem>>
    %dma_start3A_908 = tpu.memref_squeeze %dma_start3A_907 : memref<1x128x128xf32, #tpu.memory_space<vmem>> -> memref<128x128xf32, #tpu.memory_space<vmem>>
    tpu.enqueue_dma source(%dma_start3A_908 : memref<128x128xf32, #tpu.memory_space<vmem>>) target(%dma_start3A_904 : memref<128x128xf32, #tpu.memory_space<hbm>>) target_semaphore(%arg14 : memref<!tpu.dma_semaphore, #tpu.memory_space<semaphore_mem>>)
    %dma_wait3A_909 = arith.constant 1 : i32
    %dma_wait3A_910 = arith.constant 0 : i32
    %dma_wait3A_911 = arith.constant 0 : i32
    %dma_wait3A_912 = tpu.memref_slice %arg6[%dma_wait3A_909, %dma_wait3A_910, %dma_wait3A_911] : memref<4x128x128xf32, #tpu.memory_space<vmem>> -> memref<1x128x128xf32, #tpu.memory_space<vmem>>
    %dma_wait3A_913 = tpu.memref_squeeze %dma_wait3A_912 : memref<1x128x128xf32, #tpu.memory_space<vmem>> -> memref<128x128xf32, #tpu.memory_space<vmem>>
    %dma_wait3A_914 = arith.constant 0 : i32
    %dma_wait3A_915 = tpu.memref_slice %arg4[%add3A_847, %dma_wait3A_914] : memref<131072x128xf32, #tpu.memory_space<hbm>> -> memref<128x128xf32, #tpu.memory_space<hbm>>
    %dma_wait3A_916 = arith.constant 0 : i32
    %dma_wait3A_917 = tpu.memref_slice %arg4[%add3A_847, %dma_wait3A_916] : memref<131072x128xf32, #tpu.memory_space<hbm>> -> memref<128x128xf32, #tpu.memory_space<hbm>>
    %dma_wait3A_918 = arith.constant 0 : i32
    %dma_wait3A_919 = arith.constant 0 : i32
    %dma_wait3A_920 = tpu.memref_slice %arg6[%dma_wait3A_909, %dma_wait3A_918, %dma_wait3A_919] : memref<4x128x128xf32, #tpu.memory_space<vmem>> -> memref<1x128x128xf32, #tpu.memory_space<vmem>>
    %dma_wait3A_921 = tpu.memref_squeeze %dma_wait3A_920 : memref<1x128x128xf32, #tpu.memory_space<vmem>> -> memref<128x128xf32, #tpu.memory_space<vmem>>
    tpu.wait_dma2 semaphore(%arg13 : memref<!tpu.dma_semaphore, #tpu.memory_space<semaphore_mem>>) src(%dma_wait3A_921 : memref<128x128xf32, #tpu.memory_space<vmem>>) dst(%dma_wait3A_917 : memref<128x128xf32, #tpu.memory_space<hbm>>)
    %dma_start3A_922 = arith.constant 1 : i32
    %dma_start3A_923 = arith.constant 0 : i32
    %dma_start3A_924 = arith.constant 0 : i32
    %dma_start3A_925 = tpu.memref_slice %arg6[%dma_start3A_922, %dma_start3A_923, %dma_start3A_924] : memref<4x128x128xf32, #tpu.memory_space<vmem>> -> memref<1x128x128xf32, #tpu.memory_space<vmem>>
    %dma_start3A_926 = tpu.memref_squeeze %dma_start3A_925 : memref<1x128x128xf32, #tpu.memory_space<vmem>> -> memref<128x128xf32, #tpu.memory_space<vmem>>
    %dma_start3A_927 = arith.constant 2688 : i32
    %dma_start3A_928 = tpu.memref_slice %arg5[%dma_start3A_927] : memref<4096xi32, #tpu.memory_space<vmem>> -> memref<128xi32, #tpu.memory_space<vmem>>
    %dma_start3A_929 = arith.constant 0 : i32
    %dma_start3A_930 = arith.constant 0 : i32
    %dma_start3A_931 = tpu.memref_slice %arg7[%dma_start3A_929, %dma_start3A_930] : memref<512x128xf32, #tpu.memory_space<vmem_shared>> -> memref<512x128xf32, #tpu.memory_space<vmem_shared>>
    tpu.enqueue_indirect_dma source(%dma_start3A_931 : memref<512x128xf32, #tpu.memory_space<vmem_shared>>) target(%dma_start3A_926 : memref<128x128xf32, #tpu.memory_space<vmem>>) offsets(%dma_start3A_928 : memref<128xi32, #tpu.memory_space<vmem>>) semaphore(%arg9 : memref<!tpu.dma_semaphore, #tpu.memory_space<semaphore_mem>>)
    %dma_wait3A_932 = arith.constant 3 : i32
    %dma_wait3A_933 = arith.constant 0 : i32
    %dma_wait3A_934 = arith.constant 0 : i32
    %dma_wait3A_935 = tpu.memref_slice %arg6[%dma_wait3A_932, %dma_wait3A_933, %dma_wait3A_934] : memref<4x128x128xf32, #tpu.memory_space<vmem>> -> memref<1x128x128xf32, #tpu.memory_space<vmem>>
    %dma_wait3A_936 = tpu.memref_squeeze %dma_wait3A_935 : memref<1x128x128xf32, #tpu.memory_space<vmem>> -> memref<128x128xf32, #tpu.memory_space<vmem>>
    %dma_wait3A_937 = arith.constant 2432 : i32
    %dma_wait3A_938 = tpu.memref_slice %arg5[%dma_wait3A_937] : memref<4096xi32, #tpu.memory_space<vmem>> -> memref<128xi32, #tpu.memory_space<vmem>>
    %dma_wait3A_939 = arith.constant 0 : i32
    %dma_wait3A_940 = arith.constant 0 : i32
    %dma_wait3A_941 = tpu.memref_slice %arg7[%dma_wait3A_939, %dma_wait3A_940] : memref<512x128xf32, #tpu.memory_space<vmem_shared>> -> memref<512x128xf32, #tpu.memory_space<vmem_shared>>
    tpu.wait_indirect_dma semaphore(%arg11 : memref<!tpu.dma_semaphore, #tpu.memory_space<semaphore_mem>>) src(%dma_wait3A_941 : memref<512x128xf32, #tpu.memory_space<vmem_shared>>) dst(%dma_wait3A_936 : memref<128x128xf32, #tpu.memory_space<vmem>>)
    %add3A_942 = arith.constant 2432 : i32
    %add3A_943 = arith.addi %mul3A_2, %add3A_942 : i32
    %dma_start3A_944 = arith.constant 3 : i32
    %dma_start3A_945 = arith.constant 0 : i32
    %dma_start3A_946 = arith.constant 0 : i32
    %dma_start3A_947 = tpu.memref_slice %arg6[%dma_start3A_944, %dma_start3A_945, %dma_start3A_946] : memref<4x128x128xf32, #tpu.memory_space<vmem>> -> memref<1x128x128xf32, #tpu.memory_space<vmem>>
    %dma_start3A_948 = tpu.memref_squeeze %dma_start3A_947 : memref<1x128x128xf32, #tpu.memory_space<vmem>> -> memref<128x128xf32, #tpu.memory_space<vmem>>
    %dma_start3A_949 = arith.constant 0 : i32
    %dma_start3A_950 = tpu.memref_slice %arg4[%add3A_943, %dma_start3A_949] : memref<131072x128xf32, #tpu.memory_space<hbm>> -> memref<128x128xf32, #tpu.memory_space<hbm>>
    %dma_start3A_951 = arith.constant 0 : i32
    %dma_start3A_952 = tpu.memref_slice %arg4[%add3A_943, %dma_start3A_951] : memref<131072x128xf32, #tpu.memory_space<hbm>> -> memref<128x128xf32, #tpu.memory_space<hbm>>
    %dma_start3A_953 = arith.constant 0 : i32
    %dma_start3A_954 = arith.constant 0 : i32
    %dma_start3A_955 = tpu.memref_slice %arg6[%dma_start3A_944, %dma_start3A_953, %dma_start3A_954] : memref<4x128x128xf32, #tpu.memory_space<vmem>> -> memref<1x128x128xf32, #tpu.memory_space<vmem>>
    %dma_start3A_956 = tpu.memref_squeeze %dma_start3A_955 : memref<1x128x128xf32, #tpu.memory_space<vmem>> -> memref<128x128xf32, #tpu.memory_space<vmem>>
    tpu.enqueue_dma source(%dma_start3A_956 : memref<128x128xf32, #tpu.memory_space<vmem>>) target(%dma_start3A_952 : memref<128x128xf32, #tpu.memory_space<hbm>>) target_semaphore(%arg15 : memref<!tpu.dma_semaphore, #tpu.memory_space<semaphore_mem>>)
    %dma_wait3A_957 = arith.constant 2 : i32
    %dma_wait3A_958 = arith.constant 0 : i32
    %dma_wait3A_959 = arith.constant 0 : i32
    %dma_wait3A_960 = tpu.memref_slice %arg6[%dma_wait3A_957, %dma_wait3A_958, %dma_wait3A_959] : memref<4x128x128xf32, #tpu.memory_space<vmem>> -> memref<1x128x128xf32, #tpu.memory_space<vmem>>
    %dma_wait3A_961 = tpu.memref_squeeze %dma_wait3A_960 : memref<1x128x128xf32, #tpu.memory_space<vmem>> -> memref<128x128xf32, #tpu.memory_space<vmem>>
    %dma_wait3A_962 = arith.constant 0 : i32
    %dma_wait3A_963 = tpu.memref_slice %arg4[%add3A_895, %dma_wait3A_962] : memref<131072x128xf32, #tpu.memory_space<hbm>> -> memref<128x128xf32, #tpu.memory_space<hbm>>
    %dma_wait3A_964 = arith.constant 0 : i32
    %dma_wait3A_965 = tpu.memref_slice %arg4[%add3A_895, %dma_wait3A_964] : memref<131072x128xf32, #tpu.memory_space<hbm>> -> memref<128x128xf32, #tpu.memory_space<hbm>>
    %dma_wait3A_966 = arith.constant 0 : i32
    %dma_wait3A_967 = arith.constant 0 : i32
    %dma_wait3A_968 = tpu.memref_slice %arg6[%dma_wait3A_957, %dma_wait3A_966, %dma_wait3A_967] : memref<4x128x128xf32, #tpu.memory_space<vmem>> -> memref<1x128x128xf32, #tpu.memory_space<vmem>>
    %dma_wait3A_969 = tpu.memref_squeeze %dma_wait3A_968 : memref<1x128x128xf32, #tpu.memory_space<vmem>> -> memref<128x128xf32, #tpu.memory_space<vmem>>
    tpu.wait_dma2 semaphore(%arg14 : memref<!tpu.dma_semaphore, #tpu.memory_space<semaphore_mem>>) src(%dma_wait3A_969 : memref<128x128xf32, #tpu.memory_space<vmem>>) dst(%dma_wait3A_965 : memref<128x128xf32, #tpu.memory_space<hbm>>)
    %dma_start3A_970 = arith.constant 2 : i32
    %dma_start3A_971 = arith.constant 0 : i32
    %dma_start3A_972 = arith.constant 0 : i32
    %dma_start3A_973 = tpu.memref_slice %arg6[%dma_start3A_970, %dma_start3A_971, %dma_start3A_972] : memref<4x128x128xf32, #tpu.memory_space<vmem>> -> memref<1x128x128xf32, #tpu.memory_space<vmem>>
    %dma_start3A_974 = tpu.memref_squeeze %dma_start3A_973 : memref<1x128x128xf32, #tpu.memory_space<vmem>> -> memref<128x128xf32, #tpu.memory_space<vmem>>
    %dma_start3A_975 = arith.constant 2816 : i32
    %dma_start3A_976 = tpu.memref_slice %arg5[%dma_start3A_975] : memref<4096xi32, #tpu.memory_space<vmem>> -> memref<128xi32, #tpu.memory_space<vmem>>
    %dma_start3A_977 = arith.constant 0 : i32
    %dma_start3A_978 = arith.constant 0 : i32
    %dma_start3A_979 = tpu.memref_slice %arg7[%dma_start3A_977, %dma_start3A_978] : memref<512x128xf32, #tpu.memory_space<vmem_shared>> -> memref<512x128xf32, #tpu.memory_space<vmem_shared>>
    tpu.enqueue_indirect_dma source(%dma_start3A_979 : memref<512x128xf32, #tpu.memory_space<vmem_shared>>) target(%dma_start3A_974 : memref<128x128xf32, #tpu.memory_space<vmem>>) offsets(%dma_start3A_976 : memref<128xi32, #tpu.memory_space<vmem>>) semaphore(%arg10 : memref<!tpu.dma_semaphore, #tpu.memory_space<semaphore_mem>>)
    %dma_wait3A_980 = arith.constant 0 : i32
    %dma_wait3A_981 = arith.constant 0 : i32
    %dma_wait3A_982 = arith.constant 0 : i32
    %dma_wait3A_983 = tpu.memref_slice %arg6[%dma_wait3A_980, %dma_wait3A_981, %dma_wait3A_982] : memref<4x128x128xf32, #tpu.memory_space<vmem>> -> memref<1x128x128xf32, #tpu.memory_space<vmem>>
    %dma_wait3A_984 = tpu.memref_squeeze %dma_wait3A_983 : memref<1x128x128xf32, #tpu.memory_space<vmem>> -> memref<128x128xf32, #tpu.memory_space<vmem>>
    %dma_wait3A_985 = arith.constant 2560 : i32
    %dma_wait3A_986 = tpu.memref_slice %arg5[%dma_wait3A_985] : memref<4096xi32, #tpu.memory_space<vmem>> -> memref<128xi32, #tpu.memory_space<vmem>>
    %dma_wait3A_987 = arith.constant 0 : i32
    %dma_wait3A_988 = arith.constant 0 : i32
    %dma_wait3A_989 = tpu.memref_slice %arg7[%dma_wait3A_987, %dma_wait3A_988] : memref<512x128xf32, #tpu.memory_space<vmem_shared>> -> memref<512x128xf32, #tpu.memory_space<vmem_shared>>
    tpu.wait_indirect_dma semaphore(%arg8 : memref<!tpu.dma_semaphore, #tpu.memory_space<semaphore_mem>>) src(%dma_wait3A_989 : memref<512x128xf32, #tpu.memory_space<vmem_shared>>) dst(%dma_wait3A_984 : memref<128x128xf32, #tpu.memory_space<vmem>>)
    %add3A_990 = arith.constant 2560 : i32
    %add3A_991 = arith.addi %mul3A_2, %add3A_990 : i32
    %dma_start3A_992 = arith.constant 0 : i32
    %dma_start3A_993 = arith.constant 0 : i32
    %dma_start3A_994 = arith.constant 0 : i32
    %dma_start3A_995 = tpu.memref_slice %arg6[%dma_start3A_992, %dma_start3A_993, %dma_start3A_994] : memref<4x128x128xf32, #tpu.memory_space<vmem>> -> memref<1x128x128xf32, #tpu.memory_space<vmem>>
    %dma_start3A_996 = tpu.memref_squeeze %dma_start3A_995 : memref<1x128x128xf32, #tpu.memory_space<vmem>> -> memref<128x128xf32, #tpu.memory_space<vmem>>
    %dma_start3A_997 = arith.constant 0 : i32
    %dma_start3A_998 = tpu.memref_slice %arg4[%add3A_991, %dma_start3A_997] : memref<131072x128xf32, #tpu.memory_space<hbm>> -> memref<128x128xf32, #tpu.memory_space<hbm>>
    %dma_start3A_999 = arith.constant 0 : i32
    %dma_start3A_1000 = tpu.memref_slice %arg4[%add3A_991, %dma_start3A_999] : memref<131072x128xf32, #tpu.memory_space<hbm>> -> memref<128x128xf32, #tpu.memory_space<hbm>>
    %dma_start3A_1001 = arith.constant 0 : i32
    %dma_start3A_1002 = arith.constant 0 : i32
    %dma_start3A_1003 = tpu.memref_slice %arg6[%dma_start3A_992, %dma_start3A_1001, %dma_start3A_1002] : memref<4x128x128xf32, #tpu.memory_space<vmem>> -> memref<1x128x128xf32, #tpu.memory_space<vmem>>
    %dma_start3A_1004 = tpu.memref_squeeze %dma_start3A_1003 : memref<1x128x128xf32, #tpu.memory_space<vmem>> -> memref<128x128xf32, #tpu.memory_space<vmem>>
    tpu.enqueue_dma source(%dma_start3A_1004 : memref<128x128xf32, #tpu.memory_space<vmem>>) target(%dma_start3A_1000 : memref<128x128xf32, #tpu.memory_space<hbm>>) target_semaphore(%arg12 : memref<!tpu.dma_semaphore, #tpu.memory_space<semaphore_mem>>)
    %dma_wait3A_1005 = arith.constant 3 : i32
    %dma_wait3A_1006 = arith.constant 0 : i32
    %dma_wait3A_1007 = arith.constant 0 : i32
    %dma_wait3A_1008 = tpu.memref_slice %arg6[%dma_wait3A_1005, %dma_wait3A_1006, %dma_wait3A_1007] : memref<4x128x128xf32, #tpu.memory_space<vmem>> -> memref<1x128x128xf32, #tpu.memory_space<vmem>>
    %dma_wait3A_1009 = tpu.memref_squeeze %dma_wait3A_1008 : memref<1x128x128xf32, #tpu.memory_space<vmem>> -> memref<128x128xf32, #tpu.memory_space<vmem>>
    %dma_wait3A_1010 = arith.constant 0 : i32
    %dma_wait3A_1011 = tpu.memref_slice %arg4[%add3A_943, %dma_wait3A_1010] : memref<131072x128xf32, #tpu.memory_space<hbm>> -> memref<128x128xf32, #tpu.memory_space<hbm>>
    %dma_wait3A_1012 = arith.constant 0 : i32
    %dma_wait3A_1013 = tpu.memref_slice %arg4[%add3A_943, %dma_wait3A_1012] : memref<131072x128xf32, #tpu.memory_space<hbm>> -> memref<128x128xf32, #tpu.memory_space<hbm>>
    %dma_wait3A_1014 = arith.constant 0 : i32
    %dma_wait3A_1015 = arith.constant 0 : i32
    %dma_wait3A_1016 = tpu.memref_slice %arg6[%dma_wait3A_1005, %dma_wait3A_1014, %dma_wait3A_1015] : memref<4x128x128xf32, #tpu.memory_space<vmem>> -> memref<1x128x128xf32, #tpu.memory_space<vmem>>
    %dma_wait3A_1017 = tpu.memref_squeeze %dma_wait3A_1016 : memref<1x128x128xf32, #tpu.memory_space<vmem>> -> memref<128x128xf32, #tpu.memory_space<vmem>>
    tpu.wait_dma2 semaphore(%arg15 : memref<!tpu.dma_semaphore, #tpu.memory_space<semaphore_mem>>) src(%dma_wait3A_1017 : memref<128x128xf32, #tpu.memory_space<vmem>>) dst(%dma_wait3A_1013 : memref<128x128xf32, #tpu.memory_space<hbm>>)
    %dma_start3A_1018 = arith.constant 3 : i32
    %dma_start3A_1019 = arith.constant 0 : i32
    %dma_start3A_1020 = arith.constant 0 : i32
    %dma_start3A_1021 = tpu.memref_slice %arg6[%dma_start3A_1018, %dma_start3A_1019, %dma_start3A_1020] : memref<4x128x128xf32, #tpu.memory_space<vmem>> -> memref<1x128x128xf32, #tpu.memory_space<vmem>>
    %dma_start3A_1022 = tpu.memref_squeeze %dma_start3A_1021 : memref<1x128x128xf32, #tpu.memory_space<vmem>> -> memref<128x128xf32, #tpu.memory_space<vmem>>
    %dma_start3A_1023 = arith.constant 2944 : i32
    %dma_start3A_1024 = tpu.memref_slice %arg5[%dma_start3A_1023] : memref<4096xi32, #tpu.memory_space<vmem>> -> memref<128xi32, #tpu.memory_space<vmem>>
    %dma_start3A_1025 = arith.constant 0 : i32
    %dma_start3A_1026 = arith.constant 0 : i32
    %dma_start3A_1027 = tpu.memref_slice %arg7[%dma_start3A_1025, %dma_start3A_1026] : memref<512x128xf32, #tpu.memory_space<vmem_shared>> -> memref<512x128xf32, #tpu.memory_space<vmem_shared>>
    tpu.enqueue_indirect_dma source(%dma_start3A_1027 : memref<512x128xf32, #tpu.memory_space<vmem_shared>>) target(%dma_start3A_1022 : memref<128x128xf32, #tpu.memory_space<vmem>>) offsets(%dma_start3A_1024 : memref<128xi32, #tpu.memory_space<vmem>>) semaphore(%arg11 : memref<!tpu.dma_semaphore, #tpu.memory_space<semaphore_mem>>)
    %dma_wait3A_1028 = arith.constant 1 : i32
    %dma_wait3A_1029 = arith.constant 0 : i32
    %dma_wait3A_1030 = arith.constant 0 : i32
    %dma_wait3A_1031 = tpu.memref_slice %arg6[%dma_wait3A_1028, %dma_wait3A_1029, %dma_wait3A_1030] : memref<4x128x128xf32, #tpu.memory_space<vmem>> -> memref<1x128x128xf32, #tpu.memory_space<vmem>>
    %dma_wait3A_1032 = tpu.memref_squeeze %dma_wait3A_1031 : memref<1x128x128xf32, #tpu.memory_space<vmem>> -> memref<128x128xf32, #tpu.memory_space<vmem>>
    %dma_wait3A_1033 = arith.constant 2688 : i32
    %dma_wait3A_1034 = tpu.memref_slice %arg5[%dma_wait3A_1033] : memref<4096xi32, #tpu.memory_space<vmem>> -> memref<128xi32, #tpu.memory_space<vmem>>
    %dma_wait3A_1035 = arith.constant 0 : i32
    %dma_wait3A_1036 = arith.constant 0 : i32
    %dma_wait3A_1037 = tpu.memref_slice %arg7[%dma_wait3A_1035, %dma_wait3A_1036] : memref<512x128xf32, #tpu.memory_space<vmem_shared>> -> memref<512x128xf32, #tpu.memory_space<vmem_shared>>
    tpu.wait_indirect_dma semaphore(%arg9 : memref<!tpu.dma_semaphore, #tpu.memory_space<semaphore_mem>>) src(%dma_wait3A_1037 : memref<512x128xf32, #tpu.memory_space<vmem_shared>>) dst(%dma_wait3A_1032 : memref<128x128xf32, #tpu.memory_space<vmem>>)
    %add3A_1038 = arith.constant 2688 : i32
    %add3A_1039 = arith.addi %mul3A_2, %add3A_1038 : i32
    %dma_start3A_1040 = arith.constant 1 : i32
    %dma_start3A_1041 = arith.constant 0 : i32
    %dma_start3A_1042 = arith.constant 0 : i32
    %dma_start3A_1043 = tpu.memref_slice %arg6[%dma_start3A_1040, %dma_start3A_1041, %dma_start3A_1042] : memref<4x128x128xf32, #tpu.memory_space<vmem>> -> memref<1x128x128xf32, #tpu.memory_space<vmem>>
    %dma_start3A_1044 = tpu.memref_squeeze %dma_start3A_1043 : memref<1x128x128xf32, #tpu.memory_space<vmem>> -> memref<128x128xf32, #tpu.memory_space<vmem>>
    %dma_start3A_1045 = arith.constant 0 : i32
    %dma_start3A_1046 = tpu.memref_slice %arg4[%add3A_1039, %dma_start3A_1045] : memref<131072x128xf32, #tpu.memory_space<hbm>> -> memref<128x128xf32, #tpu.memory_space<hbm>>
    %dma_start3A_1047 = arith.constant 0 : i32
    %dma_start3A_1048 = tpu.memref_slice %arg4[%add3A_1039, %dma_start3A_1047] : memref<131072x128xf32, #tpu.memory_space<hbm>> -> memref<128x128xf32, #tpu.memory_space<hbm>>
    %dma_start3A_1049 = arith.constant 0 : i32
    %dma_start3A_1050 = arith.constant 0 : i32
    %dma_start3A_1051 = tpu.memref_slice %arg6[%dma_start3A_1040, %dma_start3A_1049, %dma_start3A_1050] : memref<4x128x128xf32, #tpu.memory_space<vmem>> -> memref<1x128x128xf32, #tpu.memory_space<vmem>>
    %dma_start3A_1052 = tpu.memref_squeeze %dma_start3A_1051 : memref<1x128x128xf32, #tpu.memory_space<vmem>> -> memref<128x128xf32, #tpu.memory_space<vmem>>
    tpu.enqueue_dma source(%dma_start3A_1052 : memref<128x128xf32, #tpu.memory_space<vmem>>) target(%dma_start3A_1048 : memref<128x128xf32, #tpu.memory_space<hbm>>) target_semaphore(%arg13 : memref<!tpu.dma_semaphore, #tpu.memory_space<semaphore_mem>>)
    %dma_wait3A_1053 = arith.constant 0 : i32
    %dma_wait3A_1054 = arith.constant 0 : i32
    %dma_wait3A_1055 = arith.constant 0 : i32
    %dma_wait3A_1056 = tpu.memref_slice %arg6[%dma_wait3A_1053, %dma_wait3A_1054, %dma_wait3A_1055] : memref<4x128x128xf32, #tpu.memory_space<vmem>> -> memref<1x128x128xf32, #tpu.memory_space<vmem>>
    %dma_wait3A_1057 = tpu.memref_squeeze %dma_wait3A_1056 : memref<1x128x128xf32, #tpu.memory_space<vmem>> -> memref<128x128xf32, #tpu.memory_space<vmem>>
    %dma_wait3A_1058 = arith.constant 0 : i32
    %dma_wait3A_1059 = tpu.memref_slice %arg4[%add3A_991, %dma_wait3A_1058] : memref<131072x128xf32, #tpu.memory_space<hbm>> -> memref<128x128xf32, #tpu.memory_space<hbm>>
    %dma_wait3A_1060 = arith.constant 0 : i32
    %dma_wait3A_1061 = tpu.memref_slice %arg4[%add3A_991, %dma_wait3A_1060] : memref<131072x128xf32, #tpu.memory_space<hbm>> -> memref<128x128xf32, #tpu.memory_space<hbm>>
    %dma_wait3A_1062 = arith.constant 0 : i32
    %dma_wait3A_1063 = arith.constant 0 : i32
    %dma_wait3A_1064 = tpu.memref_slice %arg6[%dma_wait3A_1053, %dma_wait3A_1062, %dma_wait3A_1063] : memref<4x128x128xf32, #tpu.memory_space<vmem>> -> memref<1x128x128xf32, #tpu.memory_space<vmem>>
    %dma_wait3A_1065 = tpu.memref_squeeze %dma_wait3A_1064 : memref<1x128x128xf32, #tpu.memory_space<vmem>> -> memref<128x128xf32, #tpu.memory_space<vmem>>
    tpu.wait_dma2 semaphore(%arg12 : memref<!tpu.dma_semaphore, #tpu.memory_space<semaphore_mem>>) src(%dma_wait3A_1065 : memref<128x128xf32, #tpu.memory_space<vmem>>) dst(%dma_wait3A_1061 : memref<128x128xf32, #tpu.memory_space<hbm>>)
    %dma_start3A_1066 = arith.constant 0 : i32
    %dma_start3A_1067 = arith.constant 0 : i32
    %dma_start3A_1068 = arith.constant 0 : i32
    %dma_start3A_1069 = tpu.memref_slice %arg6[%dma_start3A_1066, %dma_start3A_1067, %dma_start3A_1068] : memref<4x128x128xf32, #tpu.memory_space<vmem>> -> memref<1x128x128xf32, #tpu.memory_space<vmem>>
    %dma_start3A_1070 = tpu.memref_squeeze %dma_start3A_1069 : memref<1x128x128xf32, #tpu.memory_space<vmem>> -> memref<128x128xf32, #tpu.memory_space<vmem>>
    %dma_start3A_1071 = arith.constant 3072 : i32
    %dma_start3A_1072 = tpu.memref_slice %arg5[%dma_start3A_1071] : memref<4096xi32, #tpu.memory_space<vmem>> -> memref<128xi32, #tpu.memory_space<vmem>>
    %dma_start3A_1073 = arith.constant 0 : i32
    %dma_start3A_1074 = arith.constant 0 : i32
    %dma_start3A_1075 = tpu.memref_slice %arg7[%dma_start3A_1073, %dma_start3A_1074] : memref<512x128xf32, #tpu.memory_space<vmem_shared>> -> memref<512x128xf32, #tpu.memory_space<vmem_shared>>
    tpu.enqueue_indirect_dma source(%dma_start3A_1075 : memref<512x128xf32, #tpu.memory_space<vmem_shared>>) target(%dma_start3A_1070 : memref<128x128xf32, #tpu.memory_space<vmem>>) offsets(%dma_start3A_1072 : memref<128xi32, #tpu.memory_space<vmem>>) semaphore(%arg8 : memref<!tpu.dma_semaphore, #tpu.memory_space<semaphore_mem>>)
    %dma_wait3A_1076 = arith.constant 2 : i32
    %dma_wait3A_1077 = arith.constant 0 : i32
    %dma_wait3A_1078 = arith.constant 0 : i32
    %dma_wait3A_1079 = tpu.memref_slice %arg6[%dma_wait3A_1076, %dma_wait3A_1077, %dma_wait3A_1078] : memref<4x128x128xf32, #tpu.memory_space<vmem>> -> memref<1x128x128xf32, #tpu.memory_space<vmem>>
    %dma_wait3A_1080 = tpu.memref_squeeze %dma_wait3A_1079 : memref<1x128x128xf32, #tpu.memory_space<vmem>> -> memref<128x128xf32, #tpu.memory_space<vmem>>
    %dma_wait3A_1081 = arith.constant 2816 : i32
    %dma_wait3A_1082 = tpu.memref_slice %arg5[%dma_wait3A_1081] : memref<4096xi32, #tpu.memory_space<vmem>> -> memref<128xi32, #tpu.memory_space<vmem>>
    %dma_wait3A_1083 = arith.constant 0 : i32
    %dma_wait3A_1084 = arith.constant 0 : i32
    %dma_wait3A_1085 = tpu.memref_slice %arg7[%dma_wait3A_1083, %dma_wait3A_1084] : memref<512x128xf32, #tpu.memory_space<vmem_shared>> -> memref<512x128xf32, #tpu.memory_space<vmem_shared>>
    tpu.wait_indirect_dma semaphore(%arg10 : memref<!tpu.dma_semaphore, #tpu.memory_space<semaphore_mem>>) src(%dma_wait3A_1085 : memref<512x128xf32, #tpu.memory_space<vmem_shared>>) dst(%dma_wait3A_1080 : memref<128x128xf32, #tpu.memory_space<vmem>>)
    %add3A_1086 = arith.constant 2816 : i32
    %add3A_1087 = arith.addi %mul3A_2, %add3A_1086 : i32
    %dma_start3A_1088 = arith.constant 2 : i32
    %dma_start3A_1089 = arith.constant 0 : i32
    %dma_start3A_1090 = arith.constant 0 : i32
    %dma_start3A_1091 = tpu.memref_slice %arg6[%dma_start3A_1088, %dma_start3A_1089, %dma_start3A_1090] : memref<4x128x128xf32, #tpu.memory_space<vmem>> -> memref<1x128x128xf32, #tpu.memory_space<vmem>>
    %dma_start3A_1092 = tpu.memref_squeeze %dma_start3A_1091 : memref<1x128x128xf32, #tpu.memory_space<vmem>> -> memref<128x128xf32, #tpu.memory_space<vmem>>
    %dma_start3A_1093 = arith.constant 0 : i32
    %dma_start3A_1094 = tpu.memref_slice %arg4[%add3A_1087, %dma_start3A_1093] : memref<131072x128xf32, #tpu.memory_space<hbm>> -> memref<128x128xf32, #tpu.memory_space<hbm>>
    %dma_start3A_1095 = arith.constant 0 : i32
    %dma_start3A_1096 = tpu.memref_slice %arg4[%add3A_1087, %dma_start3A_1095] : memref<131072x128xf32, #tpu.memory_space<hbm>> -> memref<128x128xf32, #tpu.memory_space<hbm>>
    %dma_start3A_1097 = arith.constant 0 : i32
    %dma_start3A_1098 = arith.constant 0 : i32
    %dma_start3A_1099 = tpu.memref_slice %arg6[%dma_start3A_1088, %dma_start3A_1097, %dma_start3A_1098] : memref<4x128x128xf32, #tpu.memory_space<vmem>> -> memref<1x128x128xf32, #tpu.memory_space<vmem>>
    %dma_start3A_1100 = tpu.memref_squeeze %dma_start3A_1099 : memref<1x128x128xf32, #tpu.memory_space<vmem>> -> memref<128x128xf32, #tpu.memory_space<vmem>>
    tpu.enqueue_dma source(%dma_start3A_1100 : memref<128x128xf32, #tpu.memory_space<vmem>>) target(%dma_start3A_1096 : memref<128x128xf32, #tpu.memory_space<hbm>>) target_semaphore(%arg14 : memref<!tpu.dma_semaphore, #tpu.memory_space<semaphore_mem>>)
    %dma_wait3A_1101 = arith.constant 1 : i32
    %dma_wait3A_1102 = arith.constant 0 : i32
    %dma_wait3A_1103 = arith.constant 0 : i32
    %dma_wait3A_1104 = tpu.memref_slice %arg6[%dma_wait3A_1101, %dma_wait3A_1102, %dma_wait3A_1103] : memref<4x128x128xf32, #tpu.memory_space<vmem>> -> memref<1x128x128xf32, #tpu.memory_space<vmem>>
    %dma_wait3A_1105 = tpu.memref_squeeze %dma_wait3A_1104 : memref<1x128x128xf32, #tpu.memory_space<vmem>> -> memref<128x128xf32, #tpu.memory_space<vmem>>
    %dma_wait3A_1106 = arith.constant 0 : i32
    %dma_wait3A_1107 = tpu.memref_slice %arg4[%add3A_1039, %dma_wait3A_1106] : memref<131072x128xf32, #tpu.memory_space<hbm>> -> memref<128x128xf32, #tpu.memory_space<hbm>>
    %dma_wait3A_1108 = arith.constant 0 : i32
    %dma_wait3A_1109 = tpu.memref_slice %arg4[%add3A_1039, %dma_wait3A_1108] : memref<131072x128xf32, #tpu.memory_space<hbm>> -> memref<128x128xf32, #tpu.memory_space<hbm>>
    %dma_wait3A_1110 = arith.constant 0 : i32
    %dma_wait3A_1111 = arith.constant 0 : i32
    %dma_wait3A_1112 = tpu.memref_slice %arg6[%dma_wait3A_1101, %dma_wait3A_1110, %dma_wait3A_1111] : memref<4x128x128xf32, #tpu.memory_space<vmem>> -> memref<1x128x128xf32, #tpu.memory_space<vmem>>
    %dma_wait3A_1113 = tpu.memref_squeeze %dma_wait3A_1112 : memref<1x128x128xf32, #tpu.memory_space<vmem>> -> memref<128x128xf32, #tpu.memory_space<vmem>>
    tpu.wait_dma2 semaphore(%arg13 : memref<!tpu.dma_semaphore, #tpu.memory_space<semaphore_mem>>) src(%dma_wait3A_1113 : memref<128x128xf32, #tpu.memory_space<vmem>>) dst(%dma_wait3A_1109 : memref<128x128xf32, #tpu.memory_space<hbm>>)
    %dma_start3A_1114 = arith.constant 1 : i32
    %dma_start3A_1115 = arith.constant 0 : i32
    %dma_start3A_1116 = arith.constant 0 : i32
    %dma_start3A_1117 = tpu.memref_slice %arg6[%dma_start3A_1114, %dma_start3A_1115, %dma_start3A_1116] : memref<4x128x128xf32, #tpu.memory_space<vmem>> -> memref<1x128x128xf32, #tpu.memory_space<vmem>>
    %dma_start3A_1118 = tpu.memref_squeeze %dma_start3A_1117 : memref<1x128x128xf32, #tpu.memory_space<vmem>> -> memref<128x128xf32, #tpu.memory_space<vmem>>
    %dma_start3A_1119 = arith.constant 3200 : i32
    %dma_start3A_1120 = tpu.memref_slice %arg5[%dma_start3A_1119] : memref<4096xi32, #tpu.memory_space<vmem>> -> memref<128xi32, #tpu.memory_space<vmem>>
    %dma_start3A_1121 = arith.constant 0 : i32
    %dma_start3A_1122 = arith.constant 0 : i32
    %dma_start3A_1123 = tpu.memref_slice %arg7[%dma_start3A_1121, %dma_start3A_1122] : memref<512x128xf32, #tpu.memory_space<vmem_shared>> -> memref<512x128xf32, #tpu.memory_space<vmem_shared>>
    tpu.enqueue_indirect_dma source(%dma_start3A_1123 : memref<512x128xf32, #tpu.memory_space<vmem_shared>>) target(%dma_start3A_1118 : memref<128x128xf32, #tpu.memory_space<vmem>>) offsets(%dma_start3A_1120 : memref<128xi32, #tpu.memory_space<vmem>>) semaphore(%arg9 : memref<!tpu.dma_semaphore, #tpu.memory_space<semaphore_mem>>)
    %dma_wait3A_1124 = arith.constant 3 : i32
    %dma_wait3A_1125 = arith.constant 0 : i32
    %dma_wait3A_1126 = arith.constant 0 : i32
    %dma_wait3A_1127 = tpu.memref_slice %arg6[%dma_wait3A_1124, %dma_wait3A_1125, %dma_wait3A_1126] : memref<4x128x128xf32, #tpu.memory_space<vmem>> -> memref<1x128x128xf32, #tpu.memory_space<vmem>>
    %dma_wait3A_1128 = tpu.memref_squeeze %dma_wait3A_1127 : memref<1x128x128xf32, #tpu.memory_space<vmem>> -> memref<128x128xf32, #tpu.memory_space<vmem>>
    %dma_wait3A_1129 = arith.constant 2944 : i32
    %dma_wait3A_1130 = tpu.memref_slice %arg5[%dma_wait3A_1129] : memref<4096xi32, #tpu.memory_space<vmem>> -> memref<128xi32, #tpu.memory_space<vmem>>
    %dma_wait3A_1131 = arith.constant 0 : i32
    %dma_wait3A_1132 = arith.constant 0 : i32
    %dma_wait3A_1133 = tpu.memref_slice %arg7[%dma_wait3A_1131, %dma_wait3A_1132] : memref<512x128xf32, #tpu.memory_space<vmem_shared>> -> memref<512x128xf32, #tpu.memory_space<vmem_shared>>
    tpu.wait_indirect_dma semaphore(%arg11 : memref<!tpu.dma_semaphore, #tpu.memory_space<semaphore_mem>>) src(%dma_wait3A_1133 : memref<512x128xf32, #tpu.memory_space<vmem_shared>>) dst(%dma_wait3A_1128 : memref<128x128xf32, #tpu.memory_space<vmem>>)
    %add3A_1134 = arith.constant 2944 : i32
    %add3A_1135 = arith.addi %mul3A_2, %add3A_1134 : i32
    %dma_start3A_1136 = arith.constant 3 : i32
    %dma_start3A_1137 = arith.constant 0 : i32
    %dma_start3A_1138 = arith.constant 0 : i32
    %dma_start3A_1139 = tpu.memref_slice %arg6[%dma_start3A_1136, %dma_start3A_1137, %dma_start3A_1138] : memref<4x128x128xf32, #tpu.memory_space<vmem>> -> memref<1x128x128xf32, #tpu.memory_space<vmem>>
    %dma_start3A_1140 = tpu.memref_squeeze %dma_start3A_1139 : memref<1x128x128xf32, #tpu.memory_space<vmem>> -> memref<128x128xf32, #tpu.memory_space<vmem>>
    %dma_start3A_1141 = arith.constant 0 : i32
    %dma_start3A_1142 = tpu.memref_slice %arg4[%add3A_1135, %dma_start3A_1141] : memref<131072x128xf32, #tpu.memory_space<hbm>> -> memref<128x128xf32, #tpu.memory_space<hbm>>
    %dma_start3A_1143 = arith.constant 0 : i32
    %dma_start3A_1144 = tpu.memref_slice %arg4[%add3A_1135, %dma_start3A_1143] : memref<131072x128xf32, #tpu.memory_space<hbm>> -> memref<128x128xf32, #tpu.memory_space<hbm>>
    %dma_start3A_1145 = arith.constant 0 : i32
    %dma_start3A_1146 = arith.constant 0 : i32
    %dma_start3A_1147 = tpu.memref_slice %arg6[%dma_start3A_1136, %dma_start3A_1145, %dma_start3A_1146] : memref<4x128x128xf32, #tpu.memory_space<vmem>> -> memref<1x128x128xf32, #tpu.memory_space<vmem>>
    %dma_start3A_1148 = tpu.memref_squeeze %dma_start3A_1147 : memref<1x128x128xf32, #tpu.memory_space<vmem>> -> memref<128x128xf32, #tpu.memory_space<vmem>>
    tpu.enqueue_dma source(%dma_start3A_1148 : memref<128x128xf32, #tpu.memory_space<vmem>>) target(%dma_start3A_1144 : memref<128x128xf32, #tpu.memory_space<hbm>>) target_semaphore(%arg15 : memref<!tpu.dma_semaphore, #tpu.memory_space<semaphore_mem>>)
    %dma_wait3A_1149 = arith.constant 2 : i32
    %dma_wait3A_1150 = arith.constant 0 : i32
    %dma_wait3A_1151 = arith.constant 0 : i32
    %dma_wait3A_1152 = tpu.memref_slice %arg6[%dma_wait3A_1149, %dma_wait3A_1150, %dma_wait3A_1151] : memref<4x128x128xf32, #tpu.memory_space<vmem>> -> memref<1x128x128xf32, #tpu.memory_space<vmem>>
    %dma_wait3A_1153 = tpu.memref_squeeze %dma_wait3A_1152 : memref<1x128x128xf32, #tpu.memory_space<vmem>> -> memref<128x128xf32, #tpu.memory_space<vmem>>
    %dma_wait3A_1154 = arith.constant 0 : i32
    %dma_wait3A_1155 = tpu.memref_slice %arg4[%add3A_1087, %dma_wait3A_1154] : memref<131072x128xf32, #tpu.memory_space<hbm>> -> memref<128x128xf32, #tpu.memory_space<hbm>>
    %dma_wait3A_1156 = arith.constant 0 : i32
    %dma_wait3A_1157 = tpu.memref_slice %arg4[%add3A_1087, %dma_wait3A_1156] : memref<131072x128xf32, #tpu.memory_space<hbm>> -> memref<128x128xf32, #tpu.memory_space<hbm>>
    %dma_wait3A_1158 = arith.constant 0 : i32
    %dma_wait3A_1159 = arith.constant 0 : i32
    %dma_wait3A_1160 = tpu.memref_slice %arg6[%dma_wait3A_1149, %dma_wait3A_1158, %dma_wait3A_1159] : memref<4x128x128xf32, #tpu.memory_space<vmem>> -> memref<1x128x128xf32, #tpu.memory_space<vmem>>
    %dma_wait3A_1161 = tpu.memref_squeeze %dma_wait3A_1160 : memref<1x128x128xf32, #tpu.memory_space<vmem>> -> memref<128x128xf32, #tpu.memory_space<vmem>>
    tpu.wait_dma2 semaphore(%arg14 : memref<!tpu.dma_semaphore, #tpu.memory_space<semaphore_mem>>) src(%dma_wait3A_1161 : memref<128x128xf32, #tpu.memory_space<vmem>>) dst(%dma_wait3A_1157 : memref<128x128xf32, #tpu.memory_space<hbm>>)
    %dma_start3A_1162 = arith.constant 2 : i32
    %dma_start3A_1163 = arith.constant 0 : i32
    %dma_start3A_1164 = arith.constant 0 : i32
    %dma_start3A_1165 = tpu.memref_slice %arg6[%dma_start3A_1162, %dma_start3A_1163, %dma_start3A_1164] : memref<4x128x128xf32, #tpu.memory_space<vmem>> -> memref<1x128x128xf32, #tpu.memory_space<vmem>>
    %dma_start3A_1166 = tpu.memref_squeeze %dma_start3A_1165 : memref<1x128x128xf32, #tpu.memory_space<vmem>> -> memref<128x128xf32, #tpu.memory_space<vmem>>
    %dma_start3A_1167 = arith.constant 3328 : i32
    %dma_start3A_1168 = tpu.memref_slice %arg5[%dma_start3A_1167] : memref<4096xi32, #tpu.memory_space<vmem>> -> memref<128xi32, #tpu.memory_space<vmem>>
    %dma_start3A_1169 = arith.constant 0 : i32
    %dma_start3A_1170 = arith.constant 0 : i32
    %dma_start3A_1171 = tpu.memref_slice %arg7[%dma_start3A_1169, %dma_start3A_1170] : memref<512x128xf32, #tpu.memory_space<vmem_shared>> -> memref<512x128xf32, #tpu.memory_space<vmem_shared>>
    tpu.enqueue_indirect_dma source(%dma_start3A_1171 : memref<512x128xf32, #tpu.memory_space<vmem_shared>>) target(%dma_start3A_1166 : memref<128x128xf32, #tpu.memory_space<vmem>>) offsets(%dma_start3A_1168 : memref<128xi32, #tpu.memory_space<vmem>>) semaphore(%arg10 : memref<!tpu.dma_semaphore, #tpu.memory_space<semaphore_mem>>)
    %dma_wait3A_1172 = arith.constant 0 : i32
    %dma_wait3A_1173 = arith.constant 0 : i32
    %dma_wait3A_1174 = arith.constant 0 : i32
    %dma_wait3A_1175 = tpu.memref_slice %arg6[%dma_wait3A_1172, %dma_wait3A_1173, %dma_wait3A_1174] : memref<4x128x128xf32, #tpu.memory_space<vmem>> -> memref<1x128x128xf32, #tpu.memory_space<vmem>>
    %dma_wait3A_1176 = tpu.memref_squeeze %dma_wait3A_1175 : memref<1x128x128xf32, #tpu.memory_space<vmem>> -> memref<128x128xf32, #tpu.memory_space<vmem>>
    %dma_wait3A_1177 = arith.constant 3072 : i32
    %dma_wait3A_1178 = tpu.memref_slice %arg5[%dma_wait3A_1177] : memref<4096xi32, #tpu.memory_space<vmem>> -> memref<128xi32, #tpu.memory_space<vmem>>
    %dma_wait3A_1179 = arith.constant 0 : i32
    %dma_wait3A_1180 = arith.constant 0 : i32
    %dma_wait3A_1181 = tpu.memref_slice %arg7[%dma_wait3A_1179, %dma_wait3A_1180] : memref<512x128xf32, #tpu.memory_space<vmem_shared>> -> memref<512x128xf32, #tpu.memory_space<vmem_shared>>
    tpu.wait_indirect_dma semaphore(%arg8 : memref<!tpu.dma_semaphore, #tpu.memory_space<semaphore_mem>>) src(%dma_wait3A_1181 : memref<512x128xf32, #tpu.memory_space<vmem_shared>>) dst(%dma_wait3A_1176 : memref<128x128xf32, #tpu.memory_space<vmem>>)
    %add3A_1182 = arith.constant 3072 : i32
    %add3A_1183 = arith.addi %mul3A_2, %add3A_1182 : i32
    %dma_start3A_1184 = arith.constant 0 : i32
    %dma_start3A_1185 = arith.constant 0 : i32
    %dma_start3A_1186 = arith.constant 0 : i32
    %dma_start3A_1187 = tpu.memref_slice %arg6[%dma_start3A_1184, %dma_start3A_1185, %dma_start3A_1186] : memref<4x128x128xf32, #tpu.memory_space<vmem>> -> memref<1x128x128xf32, #tpu.memory_space<vmem>>
    %dma_start3A_1188 = tpu.memref_squeeze %dma_start3A_1187 : memref<1x128x128xf32, #tpu.memory_space<vmem>> -> memref<128x128xf32, #tpu.memory_space<vmem>>
    %dma_start3A_1189 = arith.constant 0 : i32
    %dma_start3A_1190 = tpu.memref_slice %arg4[%add3A_1183, %dma_start3A_1189] : memref<131072x128xf32, #tpu.memory_space<hbm>> -> memref<128x128xf32, #tpu.memory_space<hbm>>
    %dma_start3A_1191 = arith.constant 0 : i32
    %dma_start3A_1192 = tpu.memref_slice %arg4[%add3A_1183, %dma_start3A_1191] : memref<131072x128xf32, #tpu.memory_space<hbm>> -> memref<128x128xf32, #tpu.memory_space<hbm>>
    %dma_start3A_1193 = arith.constant 0 : i32
    %dma_start3A_1194 = arith.constant 0 : i32
    %dma_start3A_1195 = tpu.memref_slice %arg6[%dma_start3A_1184, %dma_start3A_1193, %dma_start3A_1194] : memref<4x128x128xf32, #tpu.memory_space<vmem>> -> memref<1x128x128xf32, #tpu.memory_space<vmem>>
    %dma_start3A_1196 = tpu.memref_squeeze %dma_start3A_1195 : memref<1x128x128xf32, #tpu.memory_space<vmem>> -> memref<128x128xf32, #tpu.memory_space<vmem>>
    tpu.enqueue_dma source(%dma_start3A_1196 : memref<128x128xf32, #tpu.memory_space<vmem>>) target(%dma_start3A_1192 : memref<128x128xf32, #tpu.memory_space<hbm>>) target_semaphore(%arg12 : memref<!tpu.dma_semaphore, #tpu.memory_space<semaphore_mem>>)
    %dma_wait3A_1197 = arith.constant 3 : i32
    %dma_wait3A_1198 = arith.constant 0 : i32
    %dma_wait3A_1199 = arith.constant 0 : i32
    %dma_wait3A_1200 = tpu.memref_slice %arg6[%dma_wait3A_1197, %dma_wait3A_1198, %dma_wait3A_1199] : memref<4x128x128xf32, #tpu.memory_space<vmem>> -> memref<1x128x128xf32, #tpu.memory_space<vmem>>
    %dma_wait3A_1201 = tpu.memref_squeeze %dma_wait3A_1200 : memref<1x128x128xf32, #tpu.memory_space<vmem>> -> memref<128x128xf32, #tpu.memory_space<vmem>>
    %dma_wait3A_1202 = arith.constant 0 : i32
    %dma_wait3A_1203 = tpu.memref_slice %arg4[%add3A_1135, %dma_wait3A_1202] : memref<131072x128xf32, #tpu.memory_space<hbm>> -> memref<128x128xf32, #tpu.memory_space<hbm>>
    %dma_wait3A_1204 = arith.constant 0 : i32
    %dma_wait3A_1205 = tpu.memref_slice %arg4[%add3A_1135, %dma_wait3A_1204] : memref<131072x128xf32, #tpu.memory_space<hbm>> -> memref<128x128xf32, #tpu.memory_space<hbm>>
    %dma_wait3A_1206 = arith.constant 0 : i32
    %dma_wait3A_1207 = arith.constant 0 : i32
    %dma_wait3A_1208 = tpu.memref_slice %arg6[%dma_wait3A_1197, %dma_wait3A_1206, %dma_wait3A_1207] : memref<4x128x128xf32, #tpu.memory_space<vmem>> -> memref<1x128x128xf32, #tpu.memory_space<vmem>>
    %dma_wait3A_1209 = tpu.memref_squeeze %dma_wait3A_1208 : memref<1x128x128xf32, #tpu.memory_space<vmem>> -> memref<128x128xf32, #tpu.memory_space<vmem>>
    tpu.wait_dma2 semaphore(%arg15 : memref<!tpu.dma_semaphore, #tpu.memory_space<semaphore_mem>>) src(%dma_wait3A_1209 : memref<128x128xf32, #tpu.memory_space<vmem>>) dst(%dma_wait3A_1205 : memref<128x128xf32, #tpu.memory_space<hbm>>)
    %dma_start3A_1210 = arith.constant 3 : i32
    %dma_start3A_1211 = arith.constant 0 : i32
    %dma_start3A_1212 = arith.constant 0 : i32
    %dma_start3A_1213 = tpu.memref_slice %arg6[%dma_start3A_1210, %dma_start3A_1211, %dma_start3A_1212] : memref<4x128x128xf32, #tpu.memory_space<vmem>> -> memref<1x128x128xf32, #tpu.memory_space<vmem>>
    %dma_start3A_1214 = tpu.memref_squeeze %dma_start3A_1213 : memref<1x128x128xf32, #tpu.memory_space<vmem>> -> memref<128x128xf32, #tpu.memory_space<vmem>>
    %dma_start3A_1215 = arith.constant 3456 : i32
    %dma_start3A_1216 = tpu.memref_slice %arg5[%dma_start3A_1215] : memref<4096xi32, #tpu.memory_space<vmem>> -> memref<128xi32, #tpu.memory_space<vmem>>
    %dma_start3A_1217 = arith.constant 0 : i32
    %dma_start3A_1218 = arith.constant 0 : i32
    %dma_start3A_1219 = tpu.memref_slice %arg7[%dma_start3A_1217, %dma_start3A_1218] : memref<512x128xf32, #tpu.memory_space<vmem_shared>> -> memref<512x128xf32, #tpu.memory_space<vmem_shared>>
    tpu.enqueue_indirect_dma source(%dma_start3A_1219 : memref<512x128xf32, #tpu.memory_space<vmem_shared>>) target(%dma_start3A_1214 : memref<128x128xf32, #tpu.memory_space<vmem>>) offsets(%dma_start3A_1216 : memref<128xi32, #tpu.memory_space<vmem>>) semaphore(%arg11 : memref<!tpu.dma_semaphore, #tpu.memory_space<semaphore_mem>>)
    %dma_wait3A_1220 = arith.constant 1 : i32
    %dma_wait3A_1221 = arith.constant 0 : i32
    %dma_wait3A_1222 = arith.constant 0 : i32
    %dma_wait3A_1223 = tpu.memref_slice %arg6[%dma_wait3A_1220, %dma_wait3A_1221, %dma_wait3A_1222] : memref<4x128x128xf32, #tpu.memory_space<vmem>> -> memref<1x128x128xf32, #tpu.memory_space<vmem>>
    %dma_wait3A_1224 = tpu.memref_squeeze %dma_wait3A_1223 : memref<1x128x128xf32, #tpu.memory_space<vmem>> -> memref<128x128xf32, #tpu.memory_space<vmem>>
    %dma_wait3A_1225 = arith.constant 3200 : i32
    %dma_wait3A_1226 = tpu.memref_slice %arg5[%dma_wait3A_1225] : memref<4096xi32, #tpu.memory_space<vmem>> -> memref<128xi32, #tpu.memory_space<vmem>>
    %dma_wait3A_1227 = arith.constant 0 : i32
    %dma_wait3A_1228 = arith.constant 0 : i32
    %dma_wait3A_1229 = tpu.memref_slice %arg7[%dma_wait3A_1227, %dma_wait3A_1228] : memref<512x128xf32, #tpu.memory_space<vmem_shared>> -> memref<512x128xf32, #tpu.memory_space<vmem_shared>>
    tpu.wait_indirect_dma semaphore(%arg9 : memref<!tpu.dma_semaphore, #tpu.memory_space<semaphore_mem>>) src(%dma_wait3A_1229 : memref<512x128xf32, #tpu.memory_space<vmem_shared>>) dst(%dma_wait3A_1224 : memref<128x128xf32, #tpu.memory_space<vmem>>)
    %add3A_1230 = arith.constant 3200 : i32
    %add3A_1231 = arith.addi %mul3A_2, %add3A_1230 : i32
    %dma_start3A_1232 = arith.constant 1 : i32
    %dma_start3A_1233 = arith.constant 0 : i32
    %dma_start3A_1234 = arith.constant 0 : i32
    %dma_start3A_1235 = tpu.memref_slice %arg6[%dma_start3A_1232, %dma_start3A_1233, %dma_start3A_1234] : memref<4x128x128xf32, #tpu.memory_space<vmem>> -> memref<1x128x128xf32, #tpu.memory_space<vmem>>
    %dma_start3A_1236 = tpu.memref_squeeze %dma_start3A_1235 : memref<1x128x128xf32, #tpu.memory_space<vmem>> -> memref<128x128xf32, #tpu.memory_space<vmem>>
    %dma_start3A_1237 = arith.constant 0 : i32
    %dma_start3A_1238 = tpu.memref_slice %arg4[%add3A_1231, %dma_start3A_1237] : memref<131072x128xf32, #tpu.memory_space<hbm>> -> memref<128x128xf32, #tpu.memory_space<hbm>>
    %dma_start3A_1239 = arith.constant 0 : i32
    %dma_start3A_1240 = tpu.memref_slice %arg4[%add3A_1231, %dma_start3A_1239] : memref<131072x128xf32, #tpu.memory_space<hbm>> -> memref<128x128xf32, #tpu.memory_space<hbm>>
    %dma_start3A_1241 = arith.constant 0 : i32
    %dma_start3A_1242 = arith.constant 0 : i32
    %dma_start3A_1243 = tpu.memref_slice %arg6[%dma_start3A_1232, %dma_start3A_1241, %dma_start3A_1242] : memref<4x128x128xf32, #tpu.memory_space<vmem>> -> memref<1x128x128xf32, #tpu.memory_space<vmem>>
    %dma_start3A_1244 = tpu.memref_squeeze %dma_start3A_1243 : memref<1x128x128xf32, #tpu.memory_space<vmem>> -> memref<128x128xf32, #tpu.memory_space<vmem>>
    tpu.enqueue_dma source(%dma_start3A_1244 : memref<128x128xf32, #tpu.memory_space<vmem>>) target(%dma_start3A_1240 : memref<128x128xf32, #tpu.memory_space<hbm>>) target_semaphore(%arg13 : memref<!tpu.dma_semaphore, #tpu.memory_space<semaphore_mem>>)
    %dma_wait3A_1245 = arith.constant 0 : i32
    %dma_wait3A_1246 = arith.constant 0 : i32
    %dma_wait3A_1247 = arith.constant 0 : i32
    %dma_wait3A_1248 = tpu.memref_slice %arg6[%dma_wait3A_1245, %dma_wait3A_1246, %dma_wait3A_1247] : memref<4x128x128xf32, #tpu.memory_space<vmem>> -> memref<1x128x128xf32, #tpu.memory_space<vmem>>
    %dma_wait3A_1249 = tpu.memref_squeeze %dma_wait3A_1248 : memref<1x128x128xf32, #tpu.memory_space<vmem>> -> memref<128x128xf32, #tpu.memory_space<vmem>>
    %dma_wait3A_1250 = arith.constant 0 : i32
    %dma_wait3A_1251 = tpu.memref_slice %arg4[%add3A_1183, %dma_wait3A_1250] : memref<131072x128xf32, #tpu.memory_space<hbm>> -> memref<128x128xf32, #tpu.memory_space<hbm>>
    %dma_wait3A_1252 = arith.constant 0 : i32
    %dma_wait3A_1253 = tpu.memref_slice %arg4[%add3A_1183, %dma_wait3A_1252] : memref<131072x128xf32, #tpu.memory_space<hbm>> -> memref<128x128xf32, #tpu.memory_space<hbm>>
    %dma_wait3A_1254 = arith.constant 0 : i32
    %dma_wait3A_1255 = arith.constant 0 : i32
    %dma_wait3A_1256 = tpu.memref_slice %arg6[%dma_wait3A_1245, %dma_wait3A_1254, %dma_wait3A_1255] : memref<4x128x128xf32, #tpu.memory_space<vmem>> -> memref<1x128x128xf32, #tpu.memory_space<vmem>>
    %dma_wait3A_1257 = tpu.memref_squeeze %dma_wait3A_1256 : memref<1x128x128xf32, #tpu.memory_space<vmem>> -> memref<128x128xf32, #tpu.memory_space<vmem>>
    tpu.wait_dma2 semaphore(%arg12 : memref<!tpu.dma_semaphore, #tpu.memory_space<semaphore_mem>>) src(%dma_wait3A_1257 : memref<128x128xf32, #tpu.memory_space<vmem>>) dst(%dma_wait3A_1253 : memref<128x128xf32, #tpu.memory_space<hbm>>)
    %dma_start3A_1258 = arith.constant 0 : i32
    %dma_start3A_1259 = arith.constant 0 : i32
    %dma_start3A_1260 = arith.constant 0 : i32
    %dma_start3A_1261 = tpu.memref_slice %arg6[%dma_start3A_1258, %dma_start3A_1259, %dma_start3A_1260] : memref<4x128x128xf32, #tpu.memory_space<vmem>> -> memref<1x128x128xf32, #tpu.memory_space<vmem>>
    %dma_start3A_1262 = tpu.memref_squeeze %dma_start3A_1261 : memref<1x128x128xf32, #tpu.memory_space<vmem>> -> memref<128x128xf32, #tpu.memory_space<vmem>>
    %dma_start3A_1263 = arith.constant 3584 : i32
    %dma_start3A_1264 = tpu.memref_slice %arg5[%dma_start3A_1263] : memref<4096xi32, #tpu.memory_space<vmem>> -> memref<128xi32, #tpu.memory_space<vmem>>
    %dma_start3A_1265 = arith.constant 0 : i32
    %dma_start3A_1266 = arith.constant 0 : i32
    %dma_start3A_1267 = tpu.memref_slice %arg7[%dma_start3A_1265, %dma_start3A_1266] : memref<512x128xf32, #tpu.memory_space<vmem_shared>> -> memref<512x128xf32, #tpu.memory_space<vmem_shared>>
    tpu.enqueue_indirect_dma source(%dma_start3A_1267 : memref<512x128xf32, #tpu.memory_space<vmem_shared>>) target(%dma_start3A_1262 : memref<128x128xf32, #tpu.memory_space<vmem>>) offsets(%dma_start3A_1264 : memref<128xi32, #tpu.memory_space<vmem>>) semaphore(%arg8 : memref<!tpu.dma_semaphore, #tpu.memory_space<semaphore_mem>>)
    %dma_wait3A_1268 = arith.constant 2 : i32
    %dma_wait3A_1269 = arith.constant 0 : i32
    %dma_wait3A_1270 = arith.constant 0 : i32
    %dma_wait3A_1271 = tpu.memref_slice %arg6[%dma_wait3A_1268, %dma_wait3A_1269, %dma_wait3A_1270] : memref<4x128x128xf32, #tpu.memory_space<vmem>> -> memref<1x128x128xf32, #tpu.memory_space<vmem>>
    %dma_wait3A_1272 = tpu.memref_squeeze %dma_wait3A_1271 : memref<1x128x128xf32, #tpu.memory_space<vmem>> -> memref<128x128xf32, #tpu.memory_space<vmem>>
    %dma_wait3A_1273 = arith.constant 3328 : i32
    %dma_wait3A_1274 = tpu.memref_slice %arg5[%dma_wait3A_1273] : memref<4096xi32, #tpu.memory_space<vmem>> -> memref<128xi32, #tpu.memory_space<vmem>>
    %dma_wait3A_1275 = arith.constant 0 : i32
    %dma_wait3A_1276 = arith.constant 0 : i32
    %dma_wait3A_1277 = tpu.memref_slice %arg7[%dma_wait3A_1275, %dma_wait3A_1276] : memref<512x128xf32, #tpu.memory_space<vmem_shared>> -> memref<512x128xf32, #tpu.memory_space<vmem_shared>>
    tpu.wait_indirect_dma semaphore(%arg10 : memref<!tpu.dma_semaphore, #tpu.memory_space<semaphore_mem>>) src(%dma_wait3A_1277 : memref<512x128xf32, #tpu.memory_space<vmem_shared>>) dst(%dma_wait3A_1272 : memref<128x128xf32, #tpu.memory_space<vmem>>)
    %add3A_1278 = arith.constant 3328 : i32
    %add3A_1279 = arith.addi %mul3A_2, %add3A_1278 : i32
    %dma_start3A_1280 = arith.constant 2 : i32
    %dma_start3A_1281 = arith.constant 0 : i32
    %dma_start3A_1282 = arith.constant 0 : i32
    %dma_start3A_1283 = tpu.memref_slice %arg6[%dma_start3A_1280, %dma_start3A_1281, %dma_start3A_1282] : memref<4x128x128xf32, #tpu.memory_space<vmem>> -> memref<1x128x128xf32, #tpu.memory_space<vmem>>
    %dma_start3A_1284 = tpu.memref_squeeze %dma_start3A_1283 : memref<1x128x128xf32, #tpu.memory_space<vmem>> -> memref<128x128xf32, #tpu.memory_space<vmem>>
    %dma_start3A_1285 = arith.constant 0 : i32
    %dma_start3A_1286 = tpu.memref_slice %arg4[%add3A_1279, %dma_start3A_1285] : memref<131072x128xf32, #tpu.memory_space<hbm>> -> memref<128x128xf32, #tpu.memory_space<hbm>>
    %dma_start3A_1287 = arith.constant 0 : i32
    %dma_start3A_1288 = tpu.memref_slice %arg4[%add3A_1279, %dma_start3A_1287] : memref<131072x128xf32, #tpu.memory_space<hbm>> -> memref<128x128xf32, #tpu.memory_space<hbm>>
    %dma_start3A_1289 = arith.constant 0 : i32
    %dma_start3A_1290 = arith.constant 0 : i32
    %dma_start3A_1291 = tpu.memref_slice %arg6[%dma_start3A_1280, %dma_start3A_1289, %dma_start3A_1290] : memref<4x128x128xf32, #tpu.memory_space<vmem>> -> memref<1x128x128xf32, #tpu.memory_space<vmem>>
    %dma_start3A_1292 = tpu.memref_squeeze %dma_start3A_1291 : memref<1x128x128xf32, #tpu.memory_space<vmem>> -> memref<128x128xf32, #tpu.memory_space<vmem>>
    tpu.enqueue_dma source(%dma_start3A_1292 : memref<128x128xf32, #tpu.memory_space<vmem>>) target(%dma_start3A_1288 : memref<128x128xf32, #tpu.memory_space<hbm>>) target_semaphore(%arg14 : memref<!tpu.dma_semaphore, #tpu.memory_space<semaphore_mem>>)
    %dma_wait3A_1293 = arith.constant 1 : i32
    %dma_wait3A_1294 = arith.constant 0 : i32
    %dma_wait3A_1295 = arith.constant 0 : i32
    %dma_wait3A_1296 = tpu.memref_slice %arg6[%dma_wait3A_1293, %dma_wait3A_1294, %dma_wait3A_1295] : memref<4x128x128xf32, #tpu.memory_space<vmem>> -> memref<1x128x128xf32, #tpu.memory_space<vmem>>
    %dma_wait3A_1297 = tpu.memref_squeeze %dma_wait3A_1296 : memref<1x128x128xf32, #tpu.memory_space<vmem>> -> memref<128x128xf32, #tpu.memory_space<vmem>>
    %dma_wait3A_1298 = arith.constant 0 : i32
    %dma_wait3A_1299 = tpu.memref_slice %arg4[%add3A_1231, %dma_wait3A_1298] : memref<131072x128xf32, #tpu.memory_space<hbm>> -> memref<128x128xf32, #tpu.memory_space<hbm>>
    %dma_wait3A_1300 = arith.constant 0 : i32
    %dma_wait3A_1301 = tpu.memref_slice %arg4[%add3A_1231, %dma_wait3A_1300] : memref<131072x128xf32, #tpu.memory_space<hbm>> -> memref<128x128xf32, #tpu.memory_space<hbm>>
    %dma_wait3A_1302 = arith.constant 0 : i32
    %dma_wait3A_1303 = arith.constant 0 : i32
    %dma_wait3A_1304 = tpu.memref_slice %arg6[%dma_wait3A_1293, %dma_wait3A_1302, %dma_wait3A_1303] : memref<4x128x128xf32, #tpu.memory_space<vmem>> -> memref<1x128x128xf32, #tpu.memory_space<vmem>>
    %dma_wait3A_1305 = tpu.memref_squeeze %dma_wait3A_1304 : memref<1x128x128xf32, #tpu.memory_space<vmem>> -> memref<128x128xf32, #tpu.memory_space<vmem>>
    tpu.wait_dma2 semaphore(%arg13 : memref<!tpu.dma_semaphore, #tpu.memory_space<semaphore_mem>>) src(%dma_wait3A_1305 : memref<128x128xf32, #tpu.memory_space<vmem>>) dst(%dma_wait3A_1301 : memref<128x128xf32, #tpu.memory_space<hbm>>)
    %dma_start3A_1306 = arith.constant 1 : i32
    %dma_start3A_1307 = arith.constant 0 : i32
    %dma_start3A_1308 = arith.constant 0 : i32
    %dma_start3A_1309 = tpu.memref_slice %arg6[%dma_start3A_1306, %dma_start3A_1307, %dma_start3A_1308] : memref<4x128x128xf32, #tpu.memory_space<vmem>> -> memref<1x128x128xf32, #tpu.memory_space<vmem>>
    %dma_start3A_1310 = tpu.memref_squeeze %dma_start3A_1309 : memref<1x128x128xf32, #tpu.memory_space<vmem>> -> memref<128x128xf32, #tpu.memory_space<vmem>>
    %dma_start3A_1311 = arith.constant 3712 : i32
    %dma_start3A_1312 = tpu.memref_slice %arg5[%dma_start3A_1311] : memref<4096xi32, #tpu.memory_space<vmem>> -> memref<128xi32, #tpu.memory_space<vmem>>
    %dma_start3A_1313 = arith.constant 0 : i32
    %dma_start3A_1314 = arith.constant 0 : i32
    %dma_start3A_1315 = tpu.memref_slice %arg7[%dma_start3A_1313, %dma_start3A_1314] : memref<512x128xf32, #tpu.memory_space<vmem_shared>> -> memref<512x128xf32, #tpu.memory_space<vmem_shared>>
    tpu.enqueue_indirect_dma source(%dma_start3A_1315 : memref<512x128xf32, #tpu.memory_space<vmem_shared>>) target(%dma_start3A_1310 : memref<128x128xf32, #tpu.memory_space<vmem>>) offsets(%dma_start3A_1312 : memref<128xi32, #tpu.memory_space<vmem>>) semaphore(%arg9 : memref<!tpu.dma_semaphore, #tpu.memory_space<semaphore_mem>>)
    %dma_wait3A_1316 = arith.constant 3 : i32
    %dma_wait3A_1317 = arith.constant 0 : i32
    %dma_wait3A_1318 = arith.constant 0 : i32
    %dma_wait3A_1319 = tpu.memref_slice %arg6[%dma_wait3A_1316, %dma_wait3A_1317, %dma_wait3A_1318] : memref<4x128x128xf32, #tpu.memory_space<vmem>> -> memref<1x128x128xf32, #tpu.memory_space<vmem>>
    %dma_wait3A_1320 = tpu.memref_squeeze %dma_wait3A_1319 : memref<1x128x128xf32, #tpu.memory_space<vmem>> -> memref<128x128xf32, #tpu.memory_space<vmem>>
    %dma_wait3A_1321 = arith.constant 3456 : i32
    %dma_wait3A_1322 = tpu.memref_slice %arg5[%dma_wait3A_1321] : memref<4096xi32, #tpu.memory_space<vmem>> -> memref<128xi32, #tpu.memory_space<vmem>>
    %dma_wait3A_1323 = arith.constant 0 : i32
    %dma_wait3A_1324 = arith.constant 0 : i32
    %dma_wait3A_1325 = tpu.memref_slice %arg7[%dma_wait3A_1323, %dma_wait3A_1324] : memref<512x128xf32, #tpu.memory_space<vmem_shared>> -> memref<512x128xf32, #tpu.memory_space<vmem_shared>>
    tpu.wait_indirect_dma semaphore(%arg11 : memref<!tpu.dma_semaphore, #tpu.memory_space<semaphore_mem>>) src(%dma_wait3A_1325 : memref<512x128xf32, #tpu.memory_space<vmem_shared>>) dst(%dma_wait3A_1320 : memref<128x128xf32, #tpu.memory_space<vmem>>)
    %add3A_1326 = arith.constant 3456 : i32
    %add3A_1327 = arith.addi %mul3A_2, %add3A_1326 : i32
    %dma_start3A_1328 = arith.constant 3 : i32
    %dma_start3A_1329 = arith.constant 0 : i32
    %dma_start3A_1330 = arith.constant 0 : i32
    %dma_start3A_1331 = tpu.memref_slice %arg6[%dma_start3A_1328, %dma_start3A_1329, %dma_start3A_1330] : memref<4x128x128xf32, #tpu.memory_space<vmem>> -> memref<1x128x128xf32, #tpu.memory_space<vmem>>
    %dma_start3A_1332 = tpu.memref_squeeze %dma_start3A_1331 : memref<1x128x128xf32, #tpu.memory_space<vmem>> -> memref<128x128xf32, #tpu.memory_space<vmem>>
    %dma_start3A_1333 = arith.constant 0 : i32
    %dma_start3A_1334 = tpu.memref_slice %arg4[%add3A_1327, %dma_start3A_1333] : memref<131072x128xf32, #tpu.memory_space<hbm>> -> memref<128x128xf32, #tpu.memory_space<hbm>>
    %dma_start3A_1335 = arith.constant 0 : i32
    %dma_start3A_1336 = tpu.memref_slice %arg4[%add3A_1327, %dma_start3A_1335] : memref<131072x128xf32, #tpu.memory_space<hbm>> -> memref<128x128xf32, #tpu.memory_space<hbm>>
    %dma_start3A_1337 = arith.constant 0 : i32
    %dma_start3A_1338 = arith.constant 0 : i32
    %dma_start3A_1339 = tpu.memref_slice %arg6[%dma_start3A_1328, %dma_start3A_1337, %dma_start3A_1338] : memref<4x128x128xf32, #tpu.memory_space<vmem>> -> memref<1x128x128xf32, #tpu.memory_space<vmem>>
    %dma_start3A_1340 = tpu.memref_squeeze %dma_start3A_1339 : memref<1x128x128xf32, #tpu.memory_space<vmem>> -> memref<128x128xf32, #tpu.memory_space<vmem>>
    tpu.enqueue_dma source(%dma_start3A_1340 : memref<128x128xf32, #tpu.memory_space<vmem>>) target(%dma_start3A_1336 : memref<128x128xf32, #tpu.memory_space<hbm>>) target_semaphore(%arg15 : memref<!tpu.dma_semaphore, #tpu.memory_space<semaphore_mem>>)
    %dma_wait3A_1341 = arith.constant 2 : i32
    %dma_wait3A_1342 = arith.constant 0 : i32
    %dma_wait3A_1343 = arith.constant 0 : i32
    %dma_wait3A_1344 = tpu.memref_slice %arg6[%dma_wait3A_1341, %dma_wait3A_1342, %dma_wait3A_1343] : memref<4x128x128xf32, #tpu.memory_space<vmem>> -> memref<1x128x128xf32, #tpu.memory_space<vmem>>
    %dma_wait3A_1345 = tpu.memref_squeeze %dma_wait3A_1344 : memref<1x128x128xf32, #tpu.memory_space<vmem>> -> memref<128x128xf32, #tpu.memory_space<vmem>>
    %dma_wait3A_1346 = arith.constant 0 : i32
    %dma_wait3A_1347 = tpu.memref_slice %arg4[%add3A_1279, %dma_wait3A_1346] : memref<131072x128xf32, #tpu.memory_space<hbm>> -> memref<128x128xf32, #tpu.memory_space<hbm>>
    %dma_wait3A_1348 = arith.constant 0 : i32
    %dma_wait3A_1349 = tpu.memref_slice %arg4[%add3A_1279, %dma_wait3A_1348] : memref<131072x128xf32, #tpu.memory_space<hbm>> -> memref<128x128xf32, #tpu.memory_space<hbm>>
    %dma_wait3A_1350 = arith.constant 0 : i32
    %dma_wait3A_1351 = arith.constant 0 : i32
    %dma_wait3A_1352 = tpu.memref_slice %arg6[%dma_wait3A_1341, %dma_wait3A_1350, %dma_wait3A_1351] : memref<4x128x128xf32, #tpu.memory_space<vmem>> -> memref<1x128x128xf32, #tpu.memory_space<vmem>>
    %dma_wait3A_1353 = tpu.memref_squeeze %dma_wait3A_1352 : memref<1x128x128xf32, #tpu.memory_space<vmem>> -> memref<128x128xf32, #tpu.memory_space<vmem>>
    tpu.wait_dma2 semaphore(%arg14 : memref<!tpu.dma_semaphore, #tpu.memory_space<semaphore_mem>>) src(%dma_wait3A_1353 : memref<128x128xf32, #tpu.memory_space<vmem>>) dst(%dma_wait3A_1349 : memref<128x128xf32, #tpu.memory_space<hbm>>)
    %dma_start3A_1354 = arith.constant 2 : i32
    %dma_start3A_1355 = arith.constant 0 : i32
    %dma_start3A_1356 = arith.constant 0 : i32
    %dma_start3A_1357 = tpu.memref_slice %arg6[%dma_start3A_1354, %dma_start3A_1355, %dma_start3A_1356] : memref<4x128x128xf32, #tpu.memory_space<vmem>> -> memref<1x128x128xf32, #tpu.memory_space<vmem>>
    %dma_start3A_1358 = tpu.memref_squeeze %dma_start3A_1357 : memref<1x128x128xf32, #tpu.memory_space<vmem>> -> memref<128x128xf32, #tpu.memory_space<vmem>>
    %dma_start3A_1359 = arith.constant 3840 : i32
    %dma_start3A_1360 = tpu.memref_slice %arg5[%dma_start3A_1359] : memref<4096xi32, #tpu.memory_space<vmem>> -> memref<128xi32, #tpu.memory_space<vmem>>
    %dma_start3A_1361 = arith.constant 0 : i32
    %dma_start3A_1362 = arith.constant 0 : i32
    %dma_start3A_1363 = tpu.memref_slice %arg7[%dma_start3A_1361, %dma_start3A_1362] : memref<512x128xf32, #tpu.memory_space<vmem_shared>> -> memref<512x128xf32, #tpu.memory_space<vmem_shared>>
    tpu.enqueue_indirect_dma source(%dma_start3A_1363 : memref<512x128xf32, #tpu.memory_space<vmem_shared>>) target(%dma_start3A_1358 : memref<128x128xf32, #tpu.memory_space<vmem>>) offsets(%dma_start3A_1360 : memref<128xi32, #tpu.memory_space<vmem>>) semaphore(%arg10 : memref<!tpu.dma_semaphore, #tpu.memory_space<semaphore_mem>>)
    %dma_wait3A_1364 = arith.constant 0 : i32
    %dma_wait3A_1365 = arith.constant 0 : i32
    %dma_wait3A_1366 = arith.constant 0 : i32
    %dma_wait3A_1367 = tpu.memref_slice %arg6[%dma_wait3A_1364, %dma_wait3A_1365, %dma_wait3A_1366] : memref<4x128x128xf32, #tpu.memory_space<vmem>> -> memref<1x128x128xf32, #tpu.memory_space<vmem>>
    %dma_wait3A_1368 = tpu.memref_squeeze %dma_wait3A_1367 : memref<1x128x128xf32, #tpu.memory_space<vmem>> -> memref<128x128xf32, #tpu.memory_space<vmem>>
    %dma_wait3A_1369 = arith.constant 3584 : i32
    %dma_wait3A_1370 = tpu.memref_slice %arg5[%dma_wait3A_1369] : memref<4096xi32, #tpu.memory_space<vmem>> -> memref<128xi32, #tpu.memory_space<vmem>>
    %dma_wait3A_1371 = arith.constant 0 : i32
    %dma_wait3A_1372 = arith.constant 0 : i32
    %dma_wait3A_1373 = tpu.memref_slice %arg7[%dma_wait3A_1371, %dma_wait3A_1372] : memref<512x128xf32, #tpu.memory_space<vmem_shared>> -> memref<512x128xf32, #tpu.memory_space<vmem_shared>>
    tpu.wait_indirect_dma semaphore(%arg8 : memref<!tpu.dma_semaphore, #tpu.memory_space<semaphore_mem>>) src(%dma_wait3A_1373 : memref<512x128xf32, #tpu.memory_space<vmem_shared>>) dst(%dma_wait3A_1368 : memref<128x128xf32, #tpu.memory_space<vmem>>)
    %add3A_1374 = arith.constant 3584 : i32
    %add3A_1375 = arith.addi %mul3A_2, %add3A_1374 : i32
    %dma_start3A_1376 = arith.constant 0 : i32
    %dma_start3A_1377 = arith.constant 0 : i32
    %dma_start3A_1378 = arith.constant 0 : i32
    %dma_start3A_1379 = tpu.memref_slice %arg6[%dma_start3A_1376, %dma_start3A_1377, %dma_start3A_1378] : memref<4x128x128xf32, #tpu.memory_space<vmem>> -> memref<1x128x128xf32, #tpu.memory_space<vmem>>
    %dma_start3A_1380 = tpu.memref_squeeze %dma_start3A_1379 : memref<1x128x128xf32, #tpu.memory_space<vmem>> -> memref<128x128xf32, #tpu.memory_space<vmem>>
    %dma_start3A_1381 = arith.constant 0 : i32
    %dma_start3A_1382 = tpu.memref_slice %arg4[%add3A_1375, %dma_start3A_1381] : memref<131072x128xf32, #tpu.memory_space<hbm>> -> memref<128x128xf32, #tpu.memory_space<hbm>>
    %dma_start3A_1383 = arith.constant 0 : i32
    %dma_start3A_1384 = tpu.memref_slice %arg4[%add3A_1375, %dma_start3A_1383] : memref<131072x128xf32, #tpu.memory_space<hbm>> -> memref<128x128xf32, #tpu.memory_space<hbm>>
    %dma_start3A_1385 = arith.constant 0 : i32
    %dma_start3A_1386 = arith.constant 0 : i32
    %dma_start3A_1387 = tpu.memref_slice %arg6[%dma_start3A_1376, %dma_start3A_1385, %dma_start3A_1386] : memref<4x128x128xf32, #tpu.memory_space<vmem>> -> memref<1x128x128xf32, #tpu.memory_space<vmem>>
    %dma_start3A_1388 = tpu.memref_squeeze %dma_start3A_1387 : memref<1x128x128xf32, #tpu.memory_space<vmem>> -> memref<128x128xf32, #tpu.memory_space<vmem>>
    tpu.enqueue_dma source(%dma_start3A_1388 : memref<128x128xf32, #tpu.memory_space<vmem>>) target(%dma_start3A_1384 : memref<128x128xf32, #tpu.memory_space<hbm>>) target_semaphore(%arg12 : memref<!tpu.dma_semaphore, #tpu.memory_space<semaphore_mem>>)
    %dma_wait3A_1389 = arith.constant 3 : i32
    %dma_wait3A_1390 = arith.constant 0 : i32
    %dma_wait3A_1391 = arith.constant 0 : i32
    %dma_wait3A_1392 = tpu.memref_slice %arg6[%dma_wait3A_1389, %dma_wait3A_1390, %dma_wait3A_1391] : memref<4x128x128xf32, #tpu.memory_space<vmem>> -> memref<1x128x128xf32, #tpu.memory_space<vmem>>
    %dma_wait3A_1393 = tpu.memref_squeeze %dma_wait3A_1392 : memref<1x128x128xf32, #tpu.memory_space<vmem>> -> memref<128x128xf32, #tpu.memory_space<vmem>>
    %dma_wait3A_1394 = arith.constant 0 : i32
    %dma_wait3A_1395 = tpu.memref_slice %arg4[%add3A_1327, %dma_wait3A_1394] : memref<131072x128xf32, #tpu.memory_space<hbm>> -> memref<128x128xf32, #tpu.memory_space<hbm>>
    %dma_wait3A_1396 = arith.constant 0 : i32
    %dma_wait3A_1397 = tpu.memref_slice %arg4[%add3A_1327, %dma_wait3A_1396] : memref<131072x128xf32, #tpu.memory_space<hbm>> -> memref<128x128xf32, #tpu.memory_space<hbm>>
    %dma_wait3A_1398 = arith.constant 0 : i32
    %dma_wait3A_1399 = arith.constant 0 : i32
    %dma_wait3A_1400 = tpu.memref_slice %arg6[%dma_wait3A_1389, %dma_wait3A_1398, %dma_wait3A_1399] : memref<4x128x128xf32, #tpu.memory_space<vmem>> -> memref<1x128x128xf32, #tpu.memory_space<vmem>>
    %dma_wait3A_1401 = tpu.memref_squeeze %dma_wait3A_1400 : memref<1x128x128xf32, #tpu.memory_space<vmem>> -> memref<128x128xf32, #tpu.memory_space<vmem>>
    tpu.wait_dma2 semaphore(%arg15 : memref<!tpu.dma_semaphore, #tpu.memory_space<semaphore_mem>>) src(%dma_wait3A_1401 : memref<128x128xf32, #tpu.memory_space<vmem>>) dst(%dma_wait3A_1397 : memref<128x128xf32, #tpu.memory_space<hbm>>)
    %dma_start3A_1402 = arith.constant 3 : i32
    %dma_start3A_1403 = arith.constant 0 : i32
    %dma_start3A_1404 = arith.constant 0 : i32
    %dma_start3A_1405 = tpu.memref_slice %arg6[%dma_start3A_1402, %dma_start3A_1403, %dma_start3A_1404] : memref<4x128x128xf32, #tpu.memory_space<vmem>> -> memref<1x128x128xf32, #tpu.memory_space<vmem>>
    %dma_start3A_1406 = tpu.memref_squeeze %dma_start3A_1405 : memref<1x128x128xf32, #tpu.memory_space<vmem>> -> memref<128x128xf32, #tpu.memory_space<vmem>>
    %dma_start3A_1407 = arith.constant 3968 : i32
    %dma_start3A_1408 = tpu.memref_slice %arg5[%dma_start3A_1407] : memref<4096xi32, #tpu.memory_space<vmem>> -> memref<128xi32, #tpu.memory_space<vmem>>
    %dma_start3A_1409 = arith.constant 0 : i32
    %dma_start3A_1410 = arith.constant 0 : i32
    %dma_start3A_1411 = tpu.memref_slice %arg7[%dma_start3A_1409, %dma_start3A_1410] : memref<512x128xf32, #tpu.memory_space<vmem_shared>> -> memref<512x128xf32, #tpu.memory_space<vmem_shared>>
    tpu.enqueue_indirect_dma source(%dma_start3A_1411 : memref<512x128xf32, #tpu.memory_space<vmem_shared>>) target(%dma_start3A_1406 : memref<128x128xf32, #tpu.memory_space<vmem>>) offsets(%dma_start3A_1408 : memref<128xi32, #tpu.memory_space<vmem>>) semaphore(%arg11 : memref<!tpu.dma_semaphore, #tpu.memory_space<semaphore_mem>>)
    %dma_wait3A_1412 = arith.constant 1 : i32
    %dma_wait3A_1413 = arith.constant 0 : i32
    %dma_wait3A_1414 = arith.constant 0 : i32
    %dma_wait3A_1415 = tpu.memref_slice %arg6[%dma_wait3A_1412, %dma_wait3A_1413, %dma_wait3A_1414] : memref<4x128x128xf32, #tpu.memory_space<vmem>> -> memref<1x128x128xf32, #tpu.memory_space<vmem>>
    %dma_wait3A_1416 = tpu.memref_squeeze %dma_wait3A_1415 : memref<1x128x128xf32, #tpu.memory_space<vmem>> -> memref<128x128xf32, #tpu.memory_space<vmem>>
    %dma_wait3A_1417 = arith.constant 3712 : i32
    %dma_wait3A_1418 = tpu.memref_slice %arg5[%dma_wait3A_1417] : memref<4096xi32, #tpu.memory_space<vmem>> -> memref<128xi32, #tpu.memory_space<vmem>>
    %dma_wait3A_1419 = arith.constant 0 : i32
    %dma_wait3A_1420 = arith.constant 0 : i32
    %dma_wait3A_1421 = tpu.memref_slice %arg7[%dma_wait3A_1419, %dma_wait3A_1420] : memref<512x128xf32, #tpu.memory_space<vmem_shared>> -> memref<512x128xf32, #tpu.memory_space<vmem_shared>>
    tpu.wait_indirect_dma semaphore(%arg9 : memref<!tpu.dma_semaphore, #tpu.memory_space<semaphore_mem>>) src(%dma_wait3A_1421 : memref<512x128xf32, #tpu.memory_space<vmem_shared>>) dst(%dma_wait3A_1416 : memref<128x128xf32, #tpu.memory_space<vmem>>)
    %add3A_1422 = arith.constant 3712 : i32
    %add3A_1423 = arith.addi %mul3A_2, %add3A_1422 : i32
    %dma_start3A_1424 = arith.constant 1 : i32
    %dma_start3A_1425 = arith.constant 0 : i32
    %dma_start3A_1426 = arith.constant 0 : i32
    %dma_start3A_1427 = tpu.memref_slice %arg6[%dma_start3A_1424, %dma_start3A_1425, %dma_start3A_1426] : memref<4x128x128xf32, #tpu.memory_space<vmem>> -> memref<1x128x128xf32, #tpu.memory_space<vmem>>
    %dma_start3A_1428 = tpu.memref_squeeze %dma_start3A_1427 : memref<1x128x128xf32, #tpu.memory_space<vmem>> -> memref<128x128xf32, #tpu.memory_space<vmem>>
    %dma_start3A_1429 = arith.constant 0 : i32
    %dma_start3A_1430 = tpu.memref_slice %arg4[%add3A_1423, %dma_start3A_1429] : memref<131072x128xf32, #tpu.memory_space<hbm>> -> memref<128x128xf32, #tpu.memory_space<hbm>>
    %dma_start3A_1431 = arith.constant 0 : i32
    %dma_start3A_1432 = tpu.memref_slice %arg4[%add3A_1423, %dma_start3A_1431] : memref<131072x128xf32, #tpu.memory_space<hbm>> -> memref<128x128xf32, #tpu.memory_space<hbm>>
    %dma_start3A_1433 = arith.constant 0 : i32
    %dma_start3A_1434 = arith.constant 0 : i32
    %dma_start3A_1435 = tpu.memref_slice %arg6[%dma_start3A_1424, %dma_start3A_1433, %dma_start3A_1434] : memref<4x128x128xf32, #tpu.memory_space<vmem>> -> memref<1x128x128xf32, #tpu.memory_space<vmem>>
    %dma_start3A_1436 = tpu.memref_squeeze %dma_start3A_1435 : memref<1x128x128xf32, #tpu.memory_space<vmem>> -> memref<128x128xf32, #tpu.memory_space<vmem>>
    tpu.enqueue_dma source(%dma_start3A_1436 : memref<128x128xf32, #tpu.memory_space<vmem>>) target(%dma_start3A_1432 : memref<128x128xf32, #tpu.memory_space<hbm>>) target_semaphore(%arg13 : memref<!tpu.dma_semaphore, #tpu.memory_space<semaphore_mem>>)
    %dma_wait3A_1437 = arith.constant 2 : i32
    %dma_wait3A_1438 = arith.constant 0 : i32
    %dma_wait3A_1439 = arith.constant 0 : i32
    %dma_wait3A_1440 = tpu.memref_slice %arg6[%dma_wait3A_1437, %dma_wait3A_1438, %dma_wait3A_1439] : memref<4x128x128xf32, #tpu.memory_space<vmem>> -> memref<1x128x128xf32, #tpu.memory_space<vmem>>
    %dma_wait3A_1441 = tpu.memref_squeeze %dma_wait3A_1440 : memref<1x128x128xf32, #tpu.memory_space<vmem>> -> memref<128x128xf32, #tpu.memory_space<vmem>>
    %dma_wait3A_1442 = arith.constant 3840 : i32
    %dma_wait3A_1443 = tpu.memref_slice %arg5[%dma_wait3A_1442] : memref<4096xi32, #tpu.memory_space<vmem>> -> memref<128xi32, #tpu.memory_space<vmem>>
    %dma_wait3A_1444 = arith.constant 0 : i32
    %dma_wait3A_1445 = arith.constant 0 : i32
    %dma_wait3A_1446 = tpu.memref_slice %arg7[%dma_wait3A_1444, %dma_wait3A_1445] : memref<512x128xf32, #tpu.memory_space<vmem_shared>> -> memref<512x128xf32, #tpu.memory_space<vmem_shared>>
    tpu.wait_indirect_dma semaphore(%arg10 : memref<!tpu.dma_semaphore, #tpu.memory_space<semaphore_mem>>) src(%dma_wait3A_1446 : memref<512x128xf32, #tpu.memory_space<vmem_shared>>) dst(%dma_wait3A_1441 : memref<128x128xf32, #tpu.memory_space<vmem>>)
    %add3A_1447 = arith.constant 3840 : i32
    %add3A_1448 = arith.addi %mul3A_2, %add3A_1447 : i32
    %dma_start3A_1449 = arith.constant 2 : i32
    %dma_start3A_1450 = arith.constant 0 : i32
    %dma_start3A_1451 = arith.constant 0 : i32
    %dma_start3A_1452 = tpu.memref_slice %arg6[%dma_start3A_1449, %dma_start3A_1450, %dma_start3A_1451] : memref<4x128x128xf32, #tpu.memory_space<vmem>> -> memref<1x128x128xf32, #tpu.memory_space<vmem>>
    %dma_start3A_1453 = tpu.memref_squeeze %dma_start3A_1452 : memref<1x128x128xf32, #tpu.memory_space<vmem>> -> memref<128x128xf32, #tpu.memory_space<vmem>>
    %dma_start3A_1454 = arith.constant 0 : i32
    %dma_start3A_1455 = tpu.memref_slice %arg4[%add3A_1448, %dma_start3A_1454] : memref<131072x128xf32, #tpu.memory_space<hbm>> -> memref<128x128xf32, #tpu.memory_space<hbm>>
    %dma_start3A_1456 = arith.constant 0 : i32
    %dma_start3A_1457 = tpu.memref_slice %arg4[%add3A_1448, %dma_start3A_1456] : memref<131072x128xf32, #tpu.memory_space<hbm>> -> memref<128x128xf32, #tpu.memory_space<hbm>>
    %dma_start3A_1458 = arith.constant 0 : i32
    %dma_start3A_1459 = arith.constant 0 : i32
    %dma_start3A_1460 = tpu.memref_slice %arg6[%dma_start3A_1449, %dma_start3A_1458, %dma_start3A_1459] : memref<4x128x128xf32, #tpu.memory_space<vmem>> -> memref<1x128x128xf32, #tpu.memory_space<vmem>>
    %dma_start3A_1461 = tpu.memref_squeeze %dma_start3A_1460 : memref<1x128x128xf32, #tpu.memory_space<vmem>> -> memref<128x128xf32, #tpu.memory_space<vmem>>
    tpu.enqueue_dma source(%dma_start3A_1461 : memref<128x128xf32, #tpu.memory_space<vmem>>) target(%dma_start3A_1457 : memref<128x128xf32, #tpu.memory_space<hbm>>) target_semaphore(%arg14 : memref<!tpu.dma_semaphore, #tpu.memory_space<semaphore_mem>>)
    %dma_wait3A_1462 = arith.constant 3 : i32
    %dma_wait3A_1463 = arith.constant 0 : i32
    %dma_wait3A_1464 = arith.constant 0 : i32
    %dma_wait3A_1465 = tpu.memref_slice %arg6[%dma_wait3A_1462, %dma_wait3A_1463, %dma_wait3A_1464] : memref<4x128x128xf32, #tpu.memory_space<vmem>> -> memref<1x128x128xf32, #tpu.memory_space<vmem>>
    %dma_wait3A_1466 = tpu.memref_squeeze %dma_wait3A_1465 : memref<1x128x128xf32, #tpu.memory_space<vmem>> -> memref<128x128xf32, #tpu.memory_space<vmem>>
    %dma_wait3A_1467 = arith.constant 3968 : i32
    %dma_wait3A_1468 = tpu.memref_slice %arg5[%dma_wait3A_1467] : memref<4096xi32, #tpu.memory_space<vmem>> -> memref<128xi32, #tpu.memory_space<vmem>>
    %dma_wait3A_1469 = arith.constant 0 : i32
    %dma_wait3A_1470 = arith.constant 0 : i32
    %dma_wait3A_1471 = tpu.memref_slice %arg7[%dma_wait3A_1469, %dma_wait3A_1470] : memref<512x128xf32, #tpu.memory_space<vmem_shared>> -> memref<512x128xf32, #tpu.memory_space<vmem_shared>>
    tpu.wait_indirect_dma semaphore(%arg11 : memref<!tpu.dma_semaphore, #tpu.memory_space<semaphore_mem>>) src(%dma_wait3A_1471 : memref<512x128xf32, #tpu.memory_space<vmem_shared>>) dst(%dma_wait3A_1466 : memref<128x128xf32, #tpu.memory_space<vmem>>)
    %add3A_1472 = arith.constant 3968 : i32
    %add3A_1473 = arith.addi %mul3A_2, %add3A_1472 : i32
    %dma_start3A_1474 = arith.constant 3 : i32
    %dma_start3A_1475 = arith.constant 0 : i32
    %dma_start3A_1476 = arith.constant 0 : i32
    %dma_start3A_1477 = tpu.memref_slice %arg6[%dma_start3A_1474, %dma_start3A_1475, %dma_start3A_1476] : memref<4x128x128xf32, #tpu.memory_space<vmem>> -> memref<1x128x128xf32, #tpu.memory_space<vmem>>
    %dma_start3A_1478 = tpu.memref_squeeze %dma_start3A_1477 : memref<1x128x128xf32, #tpu.memory_space<vmem>> -> memref<128x128xf32, #tpu.memory_space<vmem>>
    %dma_start3A_1479 = arith.constant 0 : i32
    %dma_start3A_1480 = tpu.memref_slice %arg4[%add3A_1473, %dma_start3A_1479] : memref<131072x128xf32, #tpu.memory_space<hbm>> -> memref<128x128xf32, #tpu.memory_space<hbm>>
    %dma_start3A_1481 = arith.constant 0 : i32
    %dma_start3A_1482 = tpu.memref_slice %arg4[%add3A_1473, %dma_start3A_1481] : memref<131072x128xf32, #tpu.memory_space<hbm>> -> memref<128x128xf32, #tpu.memory_space<hbm>>
    %dma_start3A_1483 = arith.constant 0 : i32
    %dma_start3A_1484 = arith.constant 0 : i32
    %dma_start3A_1485 = tpu.memref_slice %arg6[%dma_start3A_1474, %dma_start3A_1483, %dma_start3A_1484] : memref<4x128x128xf32, #tpu.memory_space<vmem>> -> memref<1x128x128xf32, #tpu.memory_space<vmem>>
    %dma_start3A_1486 = tpu.memref_squeeze %dma_start3A_1485 : memref<1x128x128xf32, #tpu.memory_space<vmem>> -> memref<128x128xf32, #tpu.memory_space<vmem>>
    tpu.enqueue_dma source(%dma_start3A_1486 : memref<128x128xf32, #tpu.memory_space<vmem>>) target(%dma_start3A_1482 : memref<128x128xf32, #tpu.memory_space<hbm>>) target_semaphore(%arg15 : memref<!tpu.dma_semaphore, #tpu.memory_space<semaphore_mem>>)
    %dma_wait3A_1487 = arith.constant 0 : i32
    %dma_wait3A_1488 = arith.constant 0 : i32
    %dma_wait3A_1489 = arith.constant 0 : i32
    %dma_wait3A_1490 = tpu.memref_slice %arg6[%dma_wait3A_1487, %dma_wait3A_1488, %dma_wait3A_1489] : memref<4x128x128xf32, #tpu.memory_space<vmem>> -> memref<1x128x128xf32, #tpu.memory_space<vmem>>
    %dma_wait3A_1491 = tpu.memref_squeeze %dma_wait3A_1490 : memref<1x128x128xf32, #tpu.memory_space<vmem>> -> memref<128x128xf32, #tpu.memory_space<vmem>>
    %dma_wait3A_1492 = arith.constant 0 : i32
    %dma_wait3A_1493 = tpu.memref_slice %arg4[%add3A_1375, %dma_wait3A_1492] : memref<131072x128xf32, #tpu.memory_space<hbm>> -> memref<128x128xf32, #tpu.memory_space<hbm>>
    %dma_wait3A_1494 = arith.constant 0 : i32
    %dma_wait3A_1495 = tpu.memref_slice %arg4[%add3A_1375, %dma_wait3A_1494] : memref<131072x128xf32, #tpu.memory_space<hbm>> -> memref<128x128xf32, #tpu.memory_space<hbm>>
    %dma_wait3A_1496 = arith.constant 0 : i32
    %dma_wait3A_1497 = arith.constant 0 : i32
    %dma_wait3A_1498 = tpu.memref_slice %arg6[%dma_wait3A_1487, %dma_wait3A_1496, %dma_wait3A_1497] : memref<4x128x128xf32, #tpu.memory_space<vmem>> -> memref<1x128x128xf32, #tpu.memory_space<vmem>>
    %dma_wait3A_1499 = tpu.memref_squeeze %dma_wait3A_1498 : memref<1x128x128xf32, #tpu.memory_space<vmem>> -> memref<128x128xf32, #tpu.memory_space<vmem>>
    tpu.wait_dma2 semaphore(%arg12 : memref<!tpu.dma_semaphore, #tpu.memory_space<semaphore_mem>>) src(%dma_wait3A_1499 : memref<128x128xf32, #tpu.memory_space<vmem>>) dst(%dma_wait3A_1495 : memref<128x128xf32, #tpu.memory_space<hbm>>)
    %dma_wait3A_1500 = arith.constant 1 : i32
    %dma_wait3A_1501 = arith.constant 0 : i32
    %dma_wait3A_1502 = arith.constant 0 : i32
    %dma_wait3A_1503 = tpu.memref_slice %arg6[%dma_wait3A_1500, %dma_wait3A_1501, %dma_wait3A_1502] : memref<4x128x128xf32, #tpu.memory_space<vmem>> -> memref<1x128x128xf32, #tpu.memory_space<vmem>>
    %dma_wait3A_1504 = tpu.memref_squeeze %dma_wait3A_1503 : memref<1x128x128xf32, #tpu.memory_space<vmem>> -> memref<128x128xf32, #tpu.memory_space<vmem>>
    %dma_wait3A_1505 = arith.constant 0 : i32
    %dma_wait3A_1506 = tpu.memref_slice %arg4[%add3A_1423, %dma_wait3A_1505] : memref<131072x128xf32, #tpu.memory_space<hbm>> -> memref<128x128xf32, #tpu.memory_space<hbm>>
    %dma_wait3A_1507 = arith.constant 0 : i32
    %dma_wait3A_1508 = tpu.memref_slice %arg4[%add3A_1423, %dma_wait3A_1507] : memref<131072x128xf32, #tpu.memory_space<hbm>> -> memref<128x128xf32, #tpu.memory_space<hbm>>
    %dma_wait3A_1509 = arith.constant 0 : i32
    %dma_wait3A_1510 = arith.constant 0 : i32
    %dma_wait3A_1511 = tpu.memref_slice %arg6[%dma_wait3A_1500, %dma_wait3A_1509, %dma_wait3A_1510] : memref<4x128x128xf32, #tpu.memory_space<vmem>> -> memref<1x128x128xf32, #tpu.memory_space<vmem>>
    %dma_wait3A_1512 = tpu.memref_squeeze %dma_wait3A_1511 : memref<1x128x128xf32, #tpu.memory_space<vmem>> -> memref<128x128xf32, #tpu.memory_space<vmem>>
    tpu.wait_dma2 semaphore(%arg13 : memref<!tpu.dma_semaphore, #tpu.memory_space<semaphore_mem>>) src(%dma_wait3A_1512 : memref<128x128xf32, #tpu.memory_space<vmem>>) dst(%dma_wait3A_1508 : memref<128x128xf32, #tpu.memory_space<hbm>>)
    %dma_wait3A_1513 = arith.constant 2 : i32
    %dma_wait3A_1514 = arith.constant 0 : i32
    %dma_wait3A_1515 = arith.constant 0 : i32
    %dma_wait3A_1516 = tpu.memref_slice %arg6[%dma_wait3A_1513, %dma_wait3A_1514, %dma_wait3A_1515] : memref<4x128x128xf32, #tpu.memory_space<vmem>> -> memref<1x128x128xf32, #tpu.memory_space<vmem>>
    %dma_wait3A_1517 = tpu.memref_squeeze %dma_wait3A_1516 : memref<1x128x128xf32, #tpu.memory_space<vmem>> -> memref<128x128xf32, #tpu.memory_space<vmem>>
    %dma_wait3A_1518 = arith.constant 0 : i32
    %dma_wait3A_1519 = tpu.memref_slice %arg4[%add3A_1448, %dma_wait3A_1518] : memref<131072x128xf32, #tpu.memory_space<hbm>> -> memref<128x128xf32, #tpu.memory_space<hbm>>
    %dma_wait3A_1520 = arith.constant 0 : i32
    %dma_wait3A_1521 = tpu.memref_slice %arg4[%add3A_1448, %dma_wait3A_1520] : memref<131072x128xf32, #tpu.memory_space<hbm>> -> memref<128x128xf32, #tpu.memory_space<hbm>>
    %dma_wait3A_1522 = arith.constant 0 : i32
    %dma_wait3A_1523 = arith.constant 0 : i32
    %dma_wait3A_1524 = tpu.memref_slice %arg6[%dma_wait3A_1513, %dma_wait3A_1522, %dma_wait3A_1523] : memref<4x128x128xf32, #tpu.memory_space<vmem>> -> memref<1x128x128xf32, #tpu.memory_space<vmem>>
    %dma_wait3A_1525 = tpu.memref_squeeze %dma_wait3A_1524 : memref<1x128x128xf32, #tpu.memory_space<vmem>> -> memref<128x128xf32, #tpu.memory_space<vmem>>
    tpu.wait_dma2 semaphore(%arg14 : memref<!tpu.dma_semaphore, #tpu.memory_space<semaphore_mem>>) src(%dma_wait3A_1525 : memref<128x128xf32, #tpu.memory_space<vmem>>) dst(%dma_wait3A_1521 : memref<128x128xf32, #tpu.memory_space<hbm>>)
    %dma_wait3A_1526 = arith.constant 3 : i32
    %dma_wait3A_1527 = arith.constant 0 : i32
    %dma_wait3A_1528 = arith.constant 0 : i32
    %dma_wait3A_1529 = tpu.memref_slice %arg6[%dma_wait3A_1526, %dma_wait3A_1527, %dma_wait3A_1528] : memref<4x128x128xf32, #tpu.memory_space<vmem>> -> memref<1x128x128xf32, #tpu.memory_space<vmem>>
    %dma_wait3A_1530 = tpu.memref_squeeze %dma_wait3A_1529 : memref<1x128x128xf32, #tpu.memory_space<vmem>> -> memref<128x128xf32, #tpu.memory_space<vmem>>
    %dma_wait3A_1531 = arith.constant 0 : i32
    %dma_wait3A_1532 = tpu.memref_slice %arg4[%add3A_1473, %dma_wait3A_1531] : memref<131072x128xf32, #tpu.memory_space<hbm>> -> memref<128x128xf32, #tpu.memory_space<hbm>>
    %dma_wait3A_1533 = arith.constant 0 : i32
    %dma_wait3A_1534 = tpu.memref_slice %arg4[%add3A_1473, %dma_wait3A_1533] : memref<131072x128xf32, #tpu.memory_space<hbm>> -> memref<128x128xf32, #tpu.memory_space<hbm>>
    %dma_wait3A_1535 = arith.constant 0 : i32
    %dma_wait3A_1536 = arith.constant 0 : i32
    %dma_wait3A_1537 = tpu.memref_slice %arg6[%dma_wait3A_1526, %dma_wait3A_1535, %dma_wait3A_1536] : memref<4x128x128xf32, #tpu.memory_space<vmem>> -> memref<1x128x128xf32, #tpu.memory_space<vmem>>
    %dma_wait3A_1538 = tpu.memref_squeeze %dma_wait3A_1537 : memref<1x128x128xf32, #tpu.memory_space<vmem>> -> memref<128x128xf32, #tpu.memory_space<vmem>>
    tpu.wait_dma2 semaphore(%arg15 : memref<!tpu.dma_semaphore, #tpu.memory_space<semaphore_mem>>) src(%dma_wait3A_1538 : memref<128x128xf32, #tpu.memory_space<vmem>>) dst(%dma_wait3A_1534 : memref<128x128xf32, #tpu.memory_space<hbm>>)
    return
  }
}

module attributes {stable_mosaic.version = 14 : i64} {
  func.func @_prep_body(%arg0: memref<512x32xf32, #tpu.memory_space<vmem>>, %arg1: memref<32x128xf32, #tpu.memory_space<vmem>>, %arg2: memref<1x128xf32, #tpu.memory_space<vmem>>, %arg3: memref<512x128xf32, #tpu.memory_space<vmem>>, %arg4: memref<512x32xf32, #tpu.memory_space<vmem>>, %arg5: memref<512x1xf32, #tpu.memory_space<vmem>>) attributes {dimension_semantics = [], scalar_prefetch = 0 : i64, scratch_operands = 0 : i64, tpu.core_type = #tpu.core_type<tc>} {
    %get3A = arith.constant 0 : index
    %get3A_0 = arith.constant 0 : index
    %get3A_1 = vector.load %arg0[%get3A, %get3A_0] : memref<512x32xf32, #tpu.memory_space<vmem>>, vector<512x32xf32>
    %get3A_2 = arith.constant 0 : index
    %get3A_3 = arith.constant 0 : index
    %get3A_4 = vector.load %arg1[%get3A_2, %get3A_3] : memref<32x128xf32, #tpu.memory_space<vmem>>, vector<32x128xf32>
    %dot_general3A = arith.constant dense<0.000000e+00> : vector<512x128xf32>
    %dot_general3A_5 = tpu.matmul %get3A_1, %get3A_4, %dot_general3A {dimension_numbers = #tpu.dot_dimension_numbers<[1], [0], [0], [1], [0, 0, 1, 1], [], []>, transpose_lhs_hint = false} : vector<512x32xf32>, vector<32x128xf32>, vector<512x128xf32> -> vector<512x128xf32>
    %get3A_6 = arith.constant 0 : index
    %get3A_7 = arith.constant 0 : index
    %get3A_8 = vector.load %arg2[%get3A_6, %get3A_7] : memref<1x128xf32, #tpu.memory_space<vmem>>, vector<1x128xf32>
    %add3A = vector.broadcast %get3A_8 : vector<1x128xf32> to vector<512x128xf32>
    %add3A_9 = arith.addf %dot_general3A_5, %add3A : vector<512x128xf32>
    %swap3A = arith.constant 0 : index
    %swap3A_10 = arith.constant 0 : index
    %swap3A_11 = vector.load %arg3[%swap3A, %swap3A_10] : memref<512x128xf32, #tpu.memory_space<vmem>>, vector<512x128xf32>
    tpu.vector_store %arg3[%swap3A, %swap3A_10], %add3A_9 {strides = array<i32>} : memref<512x128xf32, #tpu.memory_space<vmem>>, vector<512x128xf32>,
    %mul3A = arith.constant -2.000000e+00 : f32
    %mul3A_12 = vector.broadcast %mul3A : f32 to vector<512x32xf32>
    %mul3A_13 = arith.mulf %mul3A_12, %get3A_1 : vector<512x32xf32>
    %swap3A_14 = arith.constant 0 : index
    %swap3A_15 = arith.constant 0 : index
    %swap3A_16 = vector.load %arg4[%swap3A_14, %swap3A_15] : memref<512x32xf32, #tpu.memory_space<vmem>>, vector<512x32xf32>
    tpu.vector_store %arg4[%swap3A_14, %swap3A_15], %mul3A_13 {strides = array<i32>} : memref<512x32xf32, #tpu.memory_space<vmem>>, vector<512x32xf32>,
    %mul3A_17 = arith.mulf %get3A_1, %get3A_1 : vector<512x32xf32>
    %reduce_sum3A = arith.constant dense<0.000000e+00> : vector<512xf32>
    %reduce_sum3A_18 = vector.multi_reduction <add>, %mul3A_17, %reduce_sum3A [1] : vector<512x32xf32> to vector<512xf32>
    %broadcast_in_dim3A = vector.shape_cast %reduce_sum3A_18 : vector<512xf32> to vector<512x1xf32>
    %swap3A_19 = arith.constant 0 : index
    %swap3A_20 = arith.constant 0 : index
    %swap3A_21 = vector.load %arg5[%swap3A_19, %swap3A_20] : memref<512x1xf32, #tpu.memory_space<vmem>>, vector<512x1xf32>
    tpu.vector_store %arg5[%swap3A_19, %swap3A_20], %broadcast_in_dim3A {strides = array<i32>} : memref<512x1xf32, #tpu.memory_space<vmem>>, vector<512x1xf32>,
    return
  }
}

module attributes {stable_mosaic.version = 14 : i64} {
  func.func @_vq_body(%arg0: i32, %arg1: memref<384x1024xf32, #tpu.memory_space<vmem>>, %arg2: memref<96x32xf32, #tpu.memory_space<vmem>>, %arg3: memref<32x1xf32, #tpu.memory_space<vmem>>, %arg4: memref<512x32xf32, #tpu.memory_space<vmem>>, %arg5: memref<512x1xf32, #tpu.memory_space<vmem>>, %arg6: memref<4096xi32, #tpu.memory_space<vmem>>, %arg7: memref<1x1xf32, #tpu.memory_space<vmem>>) attributes {dimension_semantics = [#tpu.dimension_semantics<arbitrary>], iteration_bounds = array<i64: 32>, scalar_prefetch = 0 : i64, scratch_operands = 0 : i64, tpu.core_type = #tpu.core_type<tc>, window_params = [{transform_indices = @transform_0, window_bounds = array<i64: 384, 1024>}, {pipeline_mode = #tpu.pipeline_mode<synchronous>, transform_indices = @transform_1, window_bounds = array<i64: 96, 32>}, {pipeline_mode = #tpu.pipeline_mode<synchronous>, transform_indices = @transform_2, window_bounds = array<i64: 32, 1>}, {pipeline_mode = #tpu.pipeline_mode<synchronous>, transform_indices = @transform_3, window_bounds = array<i64: 512, 32>}, {pipeline_mode = #tpu.pipeline_mode<synchronous>, transform_indices = @transform_4, window_bounds = array<i64: 512, 1>}, {transform_indices = @transform_5, window_bounds = array<i64: 4096>}, {pipeline_mode = #tpu.pipeline_mode<synchronous>, transform_indices = @transform_6, window_bounds = array<i64: 1, 1>}]} {
    %eq3A = arith.constant 0 : i32
    %eq3A_0 = arith.cmpi eq, %arg0, %eq3A : i32
    %convert_element_type3A = arith.extui %eq3A_0 : i1 to i32
    %cond3A = arith.constant 0 : i32
    %cond3A_1 = arith.cmpi ne, %convert_element_type3A, %cond3A : i32
    scf.if %cond3A_1 {
      %broadcast_in_dim3A_52 = arith.constant 0.000000e+00 : f32
      %broadcast_in_dim3A_53 = vector.broadcast %broadcast_in_dim3A_52 : f32 to vector<1x1xf32>
      %swap3A_54 = arith.constant 0 : index
      %swap3A_55 = arith.constant 0 : index
      %swap3A_56 = vector.load %arg7[%swap3A_54, %swap3A_55] : memref<1x1xf32, #tpu.memory_space<vmem>>, vector<1x1xf32>
      tpu.vector_store %arg7[%swap3A_54, %swap3A_55], %broadcast_in_dim3A_53 {strides = array<i32>} : memref<1x1xf32, #tpu.memory_space<vmem>>, vector<1x1xf32>,
    } else {
    }
    %get3A = arith.constant 0 : index
    %get3A_2 = arith.constant 0 : index
    %get3A_3 = vector.load %arg1[%get3A, %get3A_2] : memref<384x1024xf32, #tpu.memory_space<vmem>>, vector<384x1024xf32>
    %get3A_4 = arith.constant 0 : index
    %get3A_5 = arith.constant 0 : index
    %get3A_6 = vector.load %arg2[%get3A_4, %get3A_5] : memref<96x32xf32, #tpu.memory_space<vmem>>, vector<96x32xf32>
    %slice3A = vector.extract_strided_slice %get3A_3 {offsets = [0, 0], sizes = [96, 1024], strides = [1, 1]} : vector<384x1024xf32> to vector<96x1024xf32>
    %dot_general3A = arith.constant dense<0.000000e+00> : vector<32x1024xf32>
    %dot_general3A_7 = tpu.matmul %get3A_6, %slice3A, %dot_general3A {dimension_numbers = #tpu.dot_dimension_numbers<[0], [0], [1], [1], [0, 1, 1, 1], [], []>, transpose_lhs_hint = false} : vector<96x32xf32>, vector<96x1024xf32>, vector<32x1024xf32> -> vector<32x1024xf32>
    %slice3A_8 = vector.extract_strided_slice %get3A_3 {offsets = [96, 0], sizes = [96, 1024], strides = [1, 1]} : vector<384x1024xf32> to vector<96x1024xf32>
    %dot_general3A_9 = arith.constant dense<0.000000e+00> : vector<32x1024xf32>
    %dot_general3A_10 = tpu.matmul %get3A_6, %slice3A_8, %dot_general3A_9 {dimension_numbers = #tpu.dot_dimension_numbers<[0], [0], [1], [1], [0, 1, 1, 1], [], []>, transpose_lhs_hint = false} : vector<96x32xf32>, vector<96x1024xf32>, vector<32x1024xf32> -> vector<32x1024xf32>
    %slice3A_11 = vector.extract_strided_slice %get3A_3 {offsets = [192, 0], sizes = [96, 1024], strides = [1, 1]} : vector<384x1024xf32> to vector<96x1024xf32>
    %dot_general3A_12 = arith.constant dense<0.000000e+00> : vector<32x1024xf32>
    %dot_general3A_13 = tpu.matmul %get3A_6, %slice3A_11, %dot_general3A_12 {dimension_numbers = #tpu.dot_dimension_numbers<[0], [0], [1], [1], [0, 1, 1, 1], [], []>, transpose_lhs_hint = false} : vector<96x32xf32>, vector<96x1024xf32>, vector<32x1024xf32> -> vector<32x1024xf32>
    %slice3A_14 = vector.extract_strided_slice %get3A_3 {offsets = [288, 0], sizes = [96, 1024], strides = [1, 1]} : vector<384x1024xf32> to vector<96x1024xf32>
    %dot_general3A_15 = arith.constant dense<0.000000e+00> : vector<32x1024xf32>
    %dot_general3A_16 = tpu.matmul %get3A_6, %slice3A_14, %dot_general3A_15 {dimension_numbers = #tpu.dot_dimension_numbers<[0], [0], [1], [1], [0, 1, 1, 1], [], []>, transpose_lhs_hint = false} : vector<96x32xf32>, vector<96x1024xf32>, vector<32x1024xf32> -> vector<32x1024xf32>
    %concatenate3A = tpu.concatenate %dot_general3A_7, %dot_general3A_10, %dot_general3A_13, %dot_general3A_16 in 1 : vector<32x1024xf32>, vector<32x1024xf32>, vector<32x1024xf32>, vector<32x1024xf32> -> vector<32x4096xf32>
    %get3A_17 = arith.constant 0 : index
    %get3A_18 = arith.constant 0 : index
    %get3A_19 = vector.load %arg3[%get3A_17, %get3A_18] : memref<32x1xf32, #tpu.memory_space<vmem>>, vector<32x1xf32>
    %add3A = vector.broadcast %get3A_19 : vector<32x1xf32> to vector<32x4096xf32>
    %add3A_20 = arith.addf %concatenate3A, %add3A : vector<32x4096xf32>
    %get3A_21 = arith.constant 0 : index
    %get3A_22 = arith.constant 0 : index
    %get3A_23 = vector.load %arg4[%get3A_21, %get3A_22] : memref<512x32xf32, #tpu.memory_space<vmem>>, vector<512x32xf32>
    %dot_general3A_24 = arith.constant dense<0.000000e+00> : vector<512x4096xf32>
    %dot_general3A_25 = tpu.matmul %get3A_23, %add3A_20, %dot_general3A_24 {dimension_numbers = #tpu.dot_dimension_numbers<[1], [0], [0], [1], [0, 0, 1, 1], [], []>, transpose_lhs_hint = false} : vector<512x32xf32>, vector<32x4096xf32>, vector<512x4096xf32> -> vector<512x4096xf32>
    %get3A_26 = arith.constant 0 : index
    %get3A_27 = arith.constant 0 : index
    %get3A_28 = vector.load %arg5[%get3A_26, %get3A_27] : memref<512x1xf32, #tpu.memory_space<vmem>>, vector<512x1xf32>
    %add3A_29 = vector.broadcast %get3A_28 : vector<512x1xf32> to vector<512x4096xf32>
    %add3A_30 = arith.addf %dot_general3A_25, %add3A_29 : vector<512x4096xf32>
    %reduce_min3A = arith.constant dense<0x7F800000> : vector<4096xf32>
    %reduce_min3A_31 = vector.multi_reduction <minimumf>, %add3A_30, %reduce_min3A [0] : vector<512x4096xf32> to vector<4096xf32>
    %broadcast_in_dim3A = vector.shape_cast %reduce_min3A_31 : vector<4096xf32> to vector<1x4096xf32>
    %argmin3A = tpu.reduce_index %add3A_30 {axis = 0 : i32, kind = #tpu.reduction_kind<arg_min>} : vector<512x4096xf32> -> vector<4096xi32>
    %mul3A = arith.mulf %add3A_20, %add3A_20 : vector<32x4096xf32>
    %reduce_sum3A = arith.constant dense<0.000000e+00> : vector<4096xf32>
    %reduce_sum3A_32 = vector.multi_reduction <add>, %mul3A, %reduce_sum3A [0] : vector<32x4096xf32> to vector<4096xf32>
    %broadcast_in_dim3A_33 = vector.shape_cast %reduce_sum3A_32 : vector<4096xf32> to vector<1x4096xf32>
    %get3A_34 = arith.constant 0 : index
    %get3A_35 = arith.constant 0 : index
    %get3A_36 = vector.load %arg7[%get3A_34, %get3A_35] : memref<1x1xf32, #tpu.memory_space<vmem>>, vector<1x1xf32>
    %add3A_37 = arith.addf %broadcast_in_dim3A, %broadcast_in_dim3A_33 : vector<1x4096xf32>
    %reduce_sum3A_38 = vector.shape_cast %add3A_37 : vector<1x4096xf32> to vector<1x1x4096xf32>
    %reduce_sum3A_39 = arith.constant dense<0.000000e+00> : vector<1xf32>
    %reduce_sum3A_40 = vector.multi_reduction <add>, %reduce_sum3A_38, %reduce_sum3A_39 [1, 2] : vector<1x1x4096xf32> to vector<1xf32>
    %reduce_sum3A_41 = vector.shape_cast %reduce_sum3A_40 : vector<1xf32> to vector<1x1x1xf32>
    %reduce_sum3A_42 = vector.extract %reduce_sum3A_41[0, 0, 0] : f32 from vector<1x1x1xf32>
    %broadcast_in_dim3A_43 = vector.broadcast %reduce_sum3A_42 : f32 to vector<1x1xf32>
    %mul3A_44 = arith.constant 2.38418579E-7 : f32
    %mul3A_45 = vector.broadcast %mul3A_44 : f32 to vector<1x1xf32>
    %mul3A_46 = arith.mulf %broadcast_in_dim3A_43, %mul3A_45 : vector<1x1xf32>
    %add3A_47 = arith.addf %get3A_36, %mul3A_46 : vector<1x1xf32>
    %swap3A = arith.constant 0 : index
    %swap3A_48 = arith.constant 0 : index
    %swap3A_49 = vector.load %arg7[%swap3A, %swap3A_48] : memref<1x1xf32, #tpu.memory_space<vmem>>, vector<1x1xf32>
    tpu.vector_store %arg7[%swap3A, %swap3A_48], %add3A_47 {strides = array<i32>} : memref<1x1xf32, #tpu.memory_space<vmem>>, vector<1x1xf32>,
    %swap3A_50 = arith.constant 0 : index
    %swap3A_51 = vector.load %arg6[%swap3A_50] : memref<4096xi32, #tpu.memory_space<vmem>>, vector<4096xi32>
    tpu.vector_store %arg6[%swap3A_50], %argmin3A {strides = array<i32>} : memref<4096xi32, #tpu.memory_space<vmem>>, vector<4096xi32>,
    return
  }
  func.func @transform_0(%arg0: i32) -> (i32, i32) {
    %c0_i32 = arith.constant 0 : i32
    %c0_i32_0 = arith.constant 0 : i32
    return %arg0, %c0_i32 : i32, i32
  }
  func.func @transform_1(%arg0: i32) -> (i32, i32) {
    %c0_i32 = arith.constant 0 : i32
    %c0_i32_0 = arith.constant 0 : i32
    %c0_i32_1 = arith.constant 0 : i32
    return %c0_i32, %c0_i32_0 : i32, i32
  }
  func.func @transform_2(%arg0: i32) -> (i32, i32) {
    %c0_i32 = arith.constant 0 : i32
    %c0_i32_0 = arith.constant 0 : i32
    %c0_i32_1 = arith.constant 0 : i32
    return %c0_i32, %c0_i32_0 : i32, i32
  }
  func.func @transform_3(%arg0: i32) -> (i32, i32) {
    %c0_i32 = arith.constant 0 : i32
    %c0_i32_0 = arith.constant 0 : i32
    %c0_i32_1 = arith.constant 0 : i32
    return %c0_i32, %c0_i32_0 : i32, i32
  }
  func.func @transform_4(%arg0: i32) -> (i32, i32) {
    %c0_i32 = arith.constant 0 : i32
    %c0_i32_0 = arith.constant 0 : i32
    %c0_i32_1 = arith.constant 0 : i32
    return %c0_i32, %c0_i32_0 : i32, i32
  }
  func.func @transform_5(%arg0: i32) -> i32 {
    %c0_i32 = arith.constant 0 : i32
    return %arg0 : i32
  }
  func.func @transform_6(%arg0: i32) -> (i32, i32) {
    %c0_i32 = arith.constant 0 : i32
    %c0_i32_0 = arith.constant 0 : i32
    %c0_i32_1 = arith.constant 0 : i32
    return %c0_i32, %c0_i32_0 : i32, i32
  }
}

</mosaic_0001>

<sc_bundles>
// kernel: kernel.5.cloned.1.call-start
scs
__scs_entry_jumppad:
0x0: {  	(pc) =	sbr.rel $0x88, $3  }
0x1: {  	(tag) =	ssettag $0x0;
	lr =	simm.s32 $0x1  }
0x2: {  	[smem:$0x3F9B] =	sst lr;
	_ =	strace $0xD0000000  }
0x3: {  	_ = 	snop  }
0x4: {  	_ = 	snop  }
0x5: {  	_ = 	snop  }
0x6: {  	_ = 	snop  }
0x7: {  	_ = 	snop  }
__scs_overlays_trampoline_lowered:
0x8: {  	[smem:$0x3FAA] =	sst s0  }
0x9: {  	[smem:$0x3FAB] =	sst s1  }
0xa: {  	[smem:$0x3FAC] =	sst s2  }
0xb: {  	[smem:$0x3FAD] =	sst s3  }
0xc: {  	[smem:$0x3FAE] =	sst s4  }
0xd: {  	[smem:$0x3FAF] =	sst s5  }
0xe: {  	[smem:$0x3FB0] =	sst s6  }
0xf: {  	[smem:$0x3FB1] =	sst s7  }
0x10: {  	[smem:$0x3FB2] =	sst s8  }
0x11: {  	[smem:$0x3FB3] =	sst s9;
	s0 =	simm.s32 @!p0 $0x0  }
0x12: {  	s1 =	sld [smem:$0x3F99];
	s0 =	simm.s32 @p0 $0x1  }
0x13: {  	[smem:$0x3FB4] =	sst s0;
	s0 =	simm.s32 @!p1 $0x0  }
0x14: {  	s2 =	sld [smem:$0x3F98];
	s0 =	simm.s32 @p1 $0x1  }
0x15: {  	[smem:$0x3FB5] =	sst s0;
	s0 =	simm.s32 @!p2 $0x0  }
0x16: {  	s3 =	sld [smem:$0x3FDB];
	s0 =	simm.s32 @p2 $0x1  }
0x17: {  	s4 =	simm.s32 $0x1BF5;
	[smem:$0x3FB7] =	sst s0  }
0x18: {  	s0 =	sld [smem:$0x3F9A];
	_ =	swait.ge [sflag:s4], $0x0  }
0x19: {  	s7 =	sld [smem:$0x3F9B]  }
0x1a: {  	s8 =	sadd.s32 $0xFFFFE003, lr  }
0x1b: {  	s9 =	sadd.s32 $0xFFFFFEF7, lr;
	s5 =	simm.s32 $0xFFFFFFFF;
	p2 =	slt.u32 s8, $0xFFFFF086  }
0x1c: {  	p1 =	slt.u32 s9, $0xF7A;
	s5 =	simm.s32 @!p2 $0x0  }
0x1d: {  	s5 =	simm.s32 @p1 $0x1;
	p0 =	seq.s32 s7, s2  }
0x1e: {  	s7 =	smul.u32 @!p0 $0xF7A, s2;
	p2 =	seq.s32 @!p0 s5, $0x0  }
0x1f: {  	s9 =	smul.u32 $0xF7A, s1;
	s8 =	simm.s32 @!p0 $0x1BF5;
	p2 =	por !p2, p0  }
0x20: {  	[sflag:s8] =	ssyncset.s32 @!p0 $0xFFFFF086;
	s6 =	sadd.s32 @!p0 s3, s7;
	s7 =	simm.s32 @!p0 $0x108  }
0x21: {  	s3 =	sadd.s32 s3, s9;
	s6 =	sadd.s32 @!p0 $0x88, s6;
	s7 =	simm.s32 @p2 $0x1082  }
0x22: {  	[simem:s7], [sflag:s8] =	dma.local @!p0 [hbm:s6], $0xF7A  }
0x23: {  	s9 =	sor.u32 $0xD0000000, s2;
	s6 =	simm.s32 $0x108;
	_ =	swait.ge @!p0 [sflag:s8], $0x0  }
0x24: {  	s3 =	sadd.s32 $0x88, s3;
	s6 =	simm.s32 @!p1 $0x1082;
	[sflag:s4] =	ssyncset.s32 $0xFFFFF086  }
0x25: {  	[simem:s6], [sflag:s4] =	dma.local [hbm:s3], $0xF7A  }
0x26: {  	[smem:$0x3F9B] =	sst s1;
	(tag) =	ssettag s2;
	_ =	strace s9  }
0x27: {  	s1 =	sld [smem:$0x3FAB]  }
0x28: {  	s2 =	sld [smem:$0x3FAC]  }
0x29: {  	s4 =	sld [smem:$0x3FAE]  }
0x2a: {  	p0 =	seq.s32 s5, $0x0;
	s5 =	sld [smem:$0x3FAF]  }
0x2b: {  	s6 =	sld [smem:$0x3FB0]  }
0x2c: {  	s7 =	sld [smem:$0x3FB1]  }
0x2d: {  	s3 =	simm.s32 $0x108;
	s8 =	sld [smem:$0x3FB2]  }
0x2e: {  	s3 =	simm.s32 @!p0 $0x1082;
	s9 =	sld [smem:$0x3FB3]  }
0x2f: {  	lr =	sadd.s32 s0, s3;
	s0 =	sld [smem:$0x3FAA]  }
0x30: {  	s3 =	sld [smem:$0x3FAD]  }
0x31: {  	[smem:$0x3FB6] =	sst s10  }
0x32: {  	s10 =	sld [smem:$0x3FB4];
	_ =	sdelay $0x3  }
0x33: {  	p0 =	seq.s32 s10, $0x1;
	s10 =	sld [smem:$0x3FB6];
	_ =	sdelay $0x3  }
0x34: {  	[smem:$0x3FB6] =	sst s10  }
0x35: {  	s10 =	sld [smem:$0x3FB5];
	_ =	sdelay $0x3  }
0x36: {  	p1 =	seq.s32 s10, $0x1;
	s10 =	sld [smem:$0x3FB6];
	_ =	sdelay $0x3  }
0x37: {  	[smem:$0x3FB6] =	sst s10  }
0x38: {  	s10 =	sld [smem:$0x3FB7]  }
0x39: {  	_ = 	snop;
	(pc) =	sbr.ind lr, $3  }
0x3a: {  	_ = 	snop  }
0x3b: {  	_ = 	snop  }
0x3c: {  	p2 =	seq.s32 s10, $0x1;
	s10 =	sld [smem:$0x3FB6]  }
0x3d: {  	_ =	shalt  }
0x3e: {  	_ =	shalt  }
0x3f: {  	_ =	shalt  }
0x40: {  	_ =	shalt  }
0x41: {  	_ =	shalt  }
0x42: {  	_ =	shalt  }
0x43: {  	_ =	shalt  }
0x44: {  	_ =	shalt  }
0x45: {  	_ =	shalt  }
0x46: {  	_ =	shalt  }
0x47: {  	_ =	shalt  }
0x48: {  	_ =	shalt  }
0x49: {  	_ =	shalt  }
0x4a: {  	_ =	shalt  }
0x4b: {  	_ =	shalt  }
0x4c: {  	_ =	shalt  }
0x4d: {  	_ =	shalt  }
0x4e: {  	_ =	shalt  }
0x4f: {  	_ =	shalt  }
0x50: {  	_ =	shalt  }
0x51: {  	_ =	shalt  }
0x52: {  	_ =	shalt  }
0x53: {  	_ =	shalt  }
0x54: {  	_ =	shalt  }
0x55: {  	_ =	shalt  }
0x56: {  	_ =	shalt  }
0x57: {  	_ =	shalt  }
0x58: {  	_ =	shalt  }
0x59: {  	_ =	shalt  }
0x5a: {  	_ =	shalt  }
0x5b: {  	_ =	shalt  }
0x5c: {  	_ =	shalt  }
0x5d: {  	_ =	shalt  }
0x5e: {  	_ =	shalt  }
0x5f: {  	_ =	shalt  }
0x60: {  	_ =	shalt  }
0x61: {  	_ =	shalt  }
0x62: {  	_ =	shalt  }
0x63: {  	_ =	shalt  }
0x64: {  	_ =	shalt  }
0x65: {  	_ =	shalt  }
0x66: {  	_ =	shalt  }
0x67: {  	_ =	shalt  }
0x68: {  	_ =	shalt  }
0x69: {  	_ =	shalt  }
0x6a: {  	_ =	shalt  }
0x6b: {  	_ =	shalt  }
0x6c: {  	_ =	shalt  }
0x6d: {  	_ =	shalt  }
0x6e: {  	_ =	shalt  }
0x6f: {  	_ =	shalt  }
0x70: {  	_ =	shalt  }
0x71: {  	_ =	shalt  }
0x72: {  	_ =	shalt  }
0x73: {  	_ =	shalt  }
0x74: {  	_ =	shalt  }
0x75: {  	_ =	shalt  }
0x76: {  	_ =	shalt  }
0x77: {  	_ =	shalt  }
0x78: {  	_ =	shalt  }
0x79: {  	_ =	shalt  }
0x7a: {  	_ =	shalt  }
0x7b: {  	_ =	shalt  }
0x7c: {  	_ =	shalt  }
0x7d: {  	_ =	shalt  }
0x7e: {  	_ =	shalt  }
0x7f: {  	_ =	shalt  }
0x80: {  	_ =	shalt  }
0x81: {  	_ =	shalt  }
0x82: {  	_ =	shalt  }
0x83: {  	_ =	shalt  }
0x84: {  	_ =	shalt  }
0x85: {  	_ =	shalt  }
0x86: {  	_ =	shalt  }
0x87: {  	_ =	shalt  }
.Lfunc_end0:
.L_simem_size_0:
called_computation.1_lowered:
.L_overlay_start_0:
0x88: {  	s2 =	sld [smem:$0x3FD9]  }
0x89: {  	s3 =	sld [smem:$0x3FFE];
	_ =	sdelay $0x1  }
0x8a: {  	s1 =	srdreg.scid  }
0x8b: {  	s0 =	sand.u32 $0x1, s1  }
0x8c: {  	s14 =	sshll.u32 s0, $0xA;
	s2 =	sadd.s32 s3, s2  }
0x8d: {  	s2 =	sadd.s32 s2, s14  }
0x8e: {  	[smem:$0x3FC2] =	sst s2  }
0x8f: {  	_ = 	snop  }
0x90: {  	s2 =	sld [smem:$0x3FD0];
	_ =	sdelay $0x2  }
0x91: {  	s15 =	simm.s32 $0xA;
	s4 =	simm.s32 $0x10  }
0x92: {  	[smem:s4], [sflag:s15] =	dma.local [hbm:s2], $0x1  }
0x93: {  	_ =	swait.eq [sflag:s15], $0x1  }
0x94: {  	[sflag:s15] =	ssyncset.done $0x0  }
0x95: {  	[sflag:s15] =	ssyncadd.s32 $0xFFFFFFFF  }
0x96: {  	s16 =	sld [smem:$0x10];
	(tm) =	ssettm $0x1  }
0x97: {  	s17 =	sld [smem:$0x3FFB];
	_ =	sdelay $0x3  }
0x98: {  	_ =	strace s17  }
0x99: {  	s3 =	sld [smem:$0x3FFC];
	_ =	sdelay $0x3  }
0x9a: {  	_ =	strace s3  }
0x9b: {  	s3 =	sld [smem:$0x3FFD];
	_ =	sdelay $0x3  }
0x9c: {  	_ =	strace s3  }
0x9d: {  	_ =	strace $0x8FFFFFFF  }
0x9e: {  	s18 =	sld [smem:$0x3FDB];
	_ =	sdelay $0x1  }
0x9f: {  	s19 =	simm.s32 $_scs_section_size  }
0xa0: {  	s5 =	simm.s32 $_size__tile_overlayer_lowered;
	s6 =	simm.s32 $_tile_overlayer_lowered  }
0xa1: {  	s22 =	simm.s32 $0x1BFF;
	s21 =	sshll.u32 s6, $0x1;
	s3 =	sadd.s32 s19, s18  }
0xa2: {  	s7 =	simm.s32 $0x0;
	s20 =	sshll.u32 s5, $0x1;
	s5 =	sadd.s32 s21, s3  }
0xa3: {  	[timem:s7], [sflag:s22] =	dma.local [hbm:s5], s20  }
0xa4: {  	_ =	swait.ge [sflag:s22], s20  }
0xa5: {  	s4 =	ssub.s32 $0x0, s20;
	[sflag:s22] =	ssyncset.done $0x0  }
0xa6: {  	[sflag:s22] =	ssyncadd.s32 s4;
	_ =	sdelay $0x1  }
0xa7: {  	s23 =	simm.s32 $0x1B8B  }
0xa8: {  	_ =	swait.ge [sflag:s23], $0x1  }
0xa9: {  	[sflag:s23] =	ssyncset.done $0x0  }
0xaa: {  	s25 =	simm.s32 $0x1B8E;
	s24 =	sld [smem:$0x3FFE];
	[sflag:s23] =	ssyncadd.s32 $0xFFFFFFFF  }
0xab: {  	s26 =	simm.s32 $execute0_lowered;
	[smem:$0x3FD2] =	sst s25  }
0xac: {  	s5 =	sshll.u32 s26, $0x1;
	_ =	strace $0x80000046;
	[dreg:$0x1] =	wrdreg $0xFFFFFFFF  }
0xad: {  	s28 =	simm.s32 $_size_execute0_lowered;
	s3 =	sadd.s32 s3, s5;
	[dreg:$0x0] =	wrdreg $0x0  }
0xae: {  	s5 =	sshll.u32 s28, $0x1;
	[dreg:$0x2] =	wrdreg s3  }
0xaf: {  	[dreg:$0x3] =	wrdreg s5  }
0xb0: {  	[dreg:$0x4] =	wrdreg $0xC0  }
0xb1: {  	_ =	task [dreg:s7], $0x5FFFF  }
0xb2: {  	[dreg:$0x1] =	wrdreg $0xFFFFFFFF  }
0xb3: {  	[dreg:$0x0] =	wrdreg $0x60  }
0xb4: {  	[dreg:$0x2] =	wrdreg s24  }
0xb5: {  	[dreg:$0x3] =	wrdreg s16  }
0xb6: {  	[dreg:$0x4] =	wrdreg $0x110000  }
0xb7: {  	[dreg:$0x5] =	wrdreg $0x9  }
0xb8: {  	_ =	task.clear_ibuf [dreg:s7], $0x6FFFF;
	_ =	strace $0x90000046  }
0xb9: {  	s29 =	simm.s32 $0x9;
	_ =	strace $0x80000048  }
0xba: {  	_ =	swait.ge [sflag:s29], $0x1  }
0xbb: {  	[sflag:s29] =	ssyncadd.s32 $0xFFFFFFFF  }
0xbc: {  	_ =	strace $0x90000048  }
0xbd: {  	_ =	sfence  }
0xbe: {  	s30 =	sld [smem:$0x0];
	_ =	sdelay $0x2  }
0xbf: {  	s31 =	sshll.u32 s1, $0xD;
	s1 =	sshrl.u32 s1, $0x2  }
0xc0: {  	s3 =	sand.u32 $0x4000, s31;
	s1 =	sadd.s32 s1, s30  }
0xc1: {  	s0 =	sor.u32 s3, s0;
	s1 =	sshll.u32 s1, $0x11  }
0xc2: {  	s0 =	sor.u32 s1, s0  }
0xc3: {  	s0 =	sadd.s32 $0x8F2B, s0  }
0xc4: {  	[sflag:s0] =	ssyncadd.remote.s32 $0x1  }
0xc5: {  	_ =	sfence.sel $0xFFFF  }
0xc6: {  	[dreg:$0x0] =	wrdreg $0xFFFFFFFF;
	(pc) =	sbr.abs _section_cstart, $3  }
0xc7: {  	[dreg:$0x1] =	wrdreg $0xFFFFFFFF  }
0xc8: {  	_ =	task.clear_ibuf [dreg:s7], $0x2FFFF;
	_ =	strace $0x9FFFFFFF  }
0xc9: {  	(tm) =	ssettm $0x7FFFFFFF  }
tec
execute0_lowered:
.L_overlay_start_1:
0x0: {  	(tag) =	ssettag $0x1  }
0x1: {  	s0 =	rddreg [dreg:$0x0]  }
0x2: {  	s6 =	rddreg [dreg:$0x1]  }
0x3: {  	s2 =	rddreg [dreg:$0x2]  }
0x4: {  	s29 =	rddreg [dreg:$0x3];
	s4 =	srdreg.scid  }
0x5: {  	s1 =	simm.s32 $0x0;
	s3 =	stileid.u32;
	s4 =	sand.u32 $0x1, s4  }
0x6: {  	[smem:$0x7FF] =	sst s1;
	s5 =	sshll.u32 s3, $0xD;
	s7 =	sshll.u32 s4, $0xC  }
0x7: {  	s19 =	sadd.s32 $0x1000, s0;
	_ =	strace $0x80000047;
	s5 =	sor.u32 s7, s5  }
0x8: {  	[dreg:$0x4] =	wrdreg s19;
	s8 =	sshll.u32 s5, $0x4;
	s9 =	sshrl.u32 s5, $0x3  }
0x9: {  	s5 =	sadd.s32 s8, s0;
	s20 =	sadd.s32 s6, s9;
	s0 =	rddreg [dreg:$0x4]  }
0xa: {  	[dreg:$0x5] =	wrdreg s20;
	s21 =	sadd.s32 $0x3000, s5  }
0xb: {  	s22 =	sadd.s32 $0x3800, s5;
	[dreg:$0x6] =	wrdreg s21  }
0xc: {  	s23 =	sadd.s32 $0x4000, s5;
	[dreg:$0x7] =	wrdreg s22  }
0xd: {  	s24 =	sadd.s32 $0x4800, s5;
	[dreg:$0x8] =	wrdreg s23  }
0xe: {  	s25 =	sadd.s32 $0x5000, s5;
	[dreg:$0x9] =	wrdreg s24  }
0xf: {  	s26 =	sadd.s32 $0x5800, s5;
	[dreg:$0xa] =	wrdreg s25  }
0x10: {  	s30 =	sadd.s32 $0x6000, s5;
	[dreg:$0xb] =	wrdreg s26  }
0x11: {  	s31 =	sadd.s32 $0x6800, s5;
	[dreg:$0xc] =	wrdreg s30  }
0x12: {  	s6 =	sadd.s32 $0x7000, s5;
	[dreg:$0xd] =	wrdreg s31  }
0x13: {  	s7 =	sadd.s32 $0x7800, s5;
	[dreg:$0xe] =	wrdreg s6  }
0x14: {  	s8 =	sadd.s32 $0x8000, s5;
	[dreg:$0xf] =	wrdreg s7  }
0x15: {  	s9 =	sadd.s32 $0x8800, s5;
	[dreg:$0x10] =	wrdreg s8  }
0x16: {  	s10 =	sadd.s32 $0x9000, s5;
	[dreg:$0x11] =	wrdreg s9  }
0x17: {  	s11 =	sadd.s32 $0x9800, s5;
	[dreg:$0x12] =	wrdreg s10  }
0x18: {  	s12 =	sadd.s32 $0xA000, s5;
	[dreg:$0x13] =	wrdreg s11  }
0x19: {  	s13 =	sadd.s32 $0xA800, s5;
	[dreg:$0x14] =	wrdreg s12  }
0x1a: {  	s14 =	sadd.s32 $0xB000, s5;
	[dreg:$0x15] =	wrdreg s13  }
0x1b: {  	s15 =	sadd.s32 $0xB800, s5;
	[dreg:$0x16] =	wrdreg s14  }
0x1c: {  	s16 =	sadd.s32 $0xC000, s5;
	[dreg:$0x17] =	wrdreg s15  }
0x1d: {  	s17 =	sadd.s32 $0xC800, s5;
	[dreg:$0x18] =	wrdreg s16  }
0x1e: {  	s18 =	sadd.s32 $0xD000, s5;
	[dreg:$0x19] =	wrdreg s17  }
0x1f: {  	s19 =	sadd.s32 $0xD800, s5;
	[dreg:$0x1a] =	wrdreg s18  }
0x20: {  	s20 =	sadd.s32 $0xE000, s5;
	[dreg:$0x1b] =	wrdreg s19  }
0x21: {  	[dreg:$0x1c] =	wrdreg s20;
	s21 =	sadd.s32 $0xE800, s5  }
0x22: {  	s22 =	sadd.s32 $0xF000, s5;
	[dreg:$0x1d] =	wrdreg s21  }
0x23: {  	s23 =	sadd.s32 $0xF800, s5;
	[dreg:$0x1e] =	wrdreg s22  }
0x24: {  	s24 =	sadd.s32 $0x10000, s5;
	[dreg:$0x1f] =	wrdreg s23  }
0x25: {  	s25 =	sadd.s32 $0x10800, s5;
	[smem:$0x7E4] =	sst s24  }
0x26: {  	s26 =	sadd.s32 $0x11000, s5;
	[smem:$0x7E5] =	sst s25  }
0x27: {  	s30 =	sadd.s32 $0x11800, s5;
	[smem:$0x7E6] =	sst s26  }
0x28: {  	s31 =	sadd.s32 $0x12000, s5;
	[smem:$0x7E7] =	sst s30  }
0x29: {  	s5 =	sadd.s32 $0x12800, s5;
	[smem:$0x7E8] =	sst s31  }
0x2a: {  	s6 =	simm.s32 $0x100;
	[smem:$0x7E9] =	sst s5  }
0x2b: {  	s7 =	simm.s32 $0x180;
	[smem:$0x7EA] =	sst s6  }
0x2c: {  	s8 =	simm.s32 $0x200;
	[smem:$0x7EB] =	sst s7  }
0x2d: {  	s9 =	simm.s32 $0x280;
	[smem:$0x7EC] =	sst s8  }
0x2e: {  	p1 =	por $0x0, $0x0;
	s11 =	simm.s32 $0x300;
	[smem:$0x7ED] =	sst s9  }
0x2f: {  	p0 =	sne.s32 s3, $0x0;
	s12 =	simm.s32 $0x380;
	[smem:$0x7EE] =	sst s11  }
0x30: {  	s3 =	simm.s32 $0x9000;
	s13 =	simm.s32 $0x400;
	[smem:$0x7EF] =	sst s12  }
0x31: {  	s4 =	ssub.s32 $0x2, s4;
	s14 =	simm.s32 $0x480;
	[smem:$0x7F0] =	sst s13  }
0x32: {  	s28 =	sshrl.u32 @!p0 s2, $0x3;
	s15 =	simm.s32 $0x500;
	[smem:$0x7F1] =	sst s14  }
0x33: {  	s10 =	sshrl.u32 s4, $0x1;
	s17 =	simm.s32 $0x580;
	[smem:$0x7F2] =	sst s15  }
0x34: {  	s18 =	simm.s32 $0x600;
	s19 =	simm.s32 $0x680;
	[smem:$0x7F3] =	sst s17  }
0x35: {  	s20 =	simm.s32 $0x700;
	s4 =	ssub.s32 s4, s10;
	[smem:$0x7F4] =	sst s18  }
0x36: {  	s26 =	simm.s32 $0x9;
	s9 =	simm.s32 $0x1000;
	[smem:$0x7F5] =	sst s19  }
0x37: {  	s6 =	simm.s32 $0x5000;
	s15 =	simm.s32 $0x1;
	[smem:$0x7F6] =	sst s20  }
0x38: {  	s21 =	simm.s32 $0x780;
	s5 =	simm.s32 $0xD000;
	s22 =	simm.s32 $0x800  }
0x39: {  	s12 =	simm.s32 $0x2;
	s23 =	simm.s32 $0x880;
	s7 =	simm.s32 $0x5  }
0x3a: {  	s24 =	simm.s32 $0x900;
	s13 =	simm.s32 $0x3;
	s25 =	simm.s32 $0x980  }
0x3b: {  	s8 =	simm.s32 $0x6;
	s30 =	simm.s32 $0xA00;
	s14 =	simm.s32 $0x4  }
0x3c: {  	s31 =	simm.s32 $0xA80;
	s16 =	smax.u32 s4, $0x1;
	[smem:$0x7F7] =	sst s21  }
0x3d: {  	s11 =	simm.s32 $0x7;
	[smem:$0x7F8] =	sst s22;
	s16 =	sadd.s32 $0xFFFFFFFF, s16  }
0x3e: {  	s10 =	simm.s32 $0x8;
	[smem:$0x7F9] =	sst s23;
	p2 =	sne.s32 s16, $0x0  }
.Ltmp0:
0x3f: {  	s20 =	simm.s32 $0xD80;
	[smem:$0x7FA] =	sst s24;
	(pc) =	sbr.rel @!p2 .LBB2_1-.Ltmp0, $4  }
0x40: {  	s19 =	simm.s32 $0xE00;
	s18 =	simm.s32 $0xE80;
	[smem:$0x7FB] =	sst s25  }
0x41: {  	s17 =	simm.s32 $0xF00;
	s4 =	simm.s32 $0x80;
	[smem:$0x7FC] =	sst s30  }
0x42: {  	[smem:$0x7FD] =	sst s31;
	s25 =	simm.s32 $0xB00;
	s24 =	simm.s32 $0xB80  }
0x43: {  	s23 =	simm.s32 $0xC00;
	s22 =	simm.s32 $0xC80;
	s21 =	simm.s32 $0xD00  }
0x44: {  	s29 =	simm.s32 @!p0 $0x1C09;
	s30 =	simm.s32 @!p0 $0x9  }
0x45: {  	[spmem:s28], [sflag:s29] =	dma.local @!p0 [hbm:s0], $0x2000  }
0x46: {  	_ =	swait.ge @!p0 [sflag:s30], $0x2000  }
0x47: {  	[sflag:s30] =	ssyncset.done @!p0 $0x0  }
0x48: {  	s0 =	rddreg [dreg:$0x5];
	[sflag:s30] =	ssyncadd.s32 @!p0 $0xFFFFE000  }
0x49: {  	[tilespmem:s1], [sflag:$0x9] =	stream.linear.gather [hbm4b:s0+s1], $0x1000, $0x38;
	[tilespmem:$0x12000] =	vst v63  }
0x4a: {  	_ =	swait.ge [sflag:s26], $0x1000  }
0x4b: {  	[sflag:s26] =	ssyncset.done $0x0  }
0x4c: {  	[sflag:s26] =	ssyncadd.s32 $0xFFFFF000  }
0x4d: {  	[bflag:$0x0] =	sbarrier.arrive $0xFFFF  }
0x4e: {  	[tilespmem:s9], [sflag:$0x1] =	stream.indirect.gather [spmem:s2], $0x80, s1, s4, $0xb8;
	[tilespmem:$0x12000] =	vst v63  }
0x4f: {  	s0 =	sld [smem:$0x7EA]  }
0x50: {  	[tilespmem:s6], [sflag:$0x2] =	stream.indirect.gather [spmem:s2], $0x80, s4, s4, $0xb8;
	[tilespmem:$0x12000] =	vst v63  }
0x51: {  	_ = 	snop  }
0x52: {  	[tilespmem:s3], [sflag:$0x3] =	stream.indirect.gather [spmem:s2], $0x80, s0, s4, $0xb8;
	[tilespmem:$0x12000] =	vst v63  }
0x53: {  	_ =	swait.ge [sflag:s15], $0x4000  }
0x54: {  	s0 =	rddreg [dreg:$0x6];
	[sflag:s15] =	ssyncset.done $0x0  }
0x55: {  	s31 =	sld [smem:$0x7EB];
	[sflag:s15] =	ssyncadd.s32 $0xFFFFC000  }
0x56: {  	[hbm4b:s0+s1] =	stream.linear.scatter [tilespmem:s9], [sflag:$0x5], $0x4000, $0x38;
	[tilespmem:$0x12000] =	vst v63  }
0x57: {  	_ = 	snop  }
0x58: {  	[tilespmem:s5], [sflag:$0x4] =	stream.indirect.gather [spmem:s2], $0x80, s31, s4, $0xb8;
	[tilespmem:$0x12000] =	vst v63  }
0x59: {  	_ =	swait.ge [sflag:s12], $0x4000  }
0x5a: {  	[sflag:s12] =	ssyncset.done $0x0  }
0x5b: {  	s0 =	rddreg [dreg:$0x7];
	[sflag:s12] =	ssyncadd.s32 $0xFFFFC000  }
0x5c: {  	[hbm4b:s0+s1] =	stream.linear.scatter [tilespmem:s6], [sflag:$0x6], $0x4000, $0x38;
	[tilespmem:$0x12000] =	vst v63  }
0x5d: {  	_ =	swait.ge [sflag:s7], $0x4000  }
0x5e: {  	s0 =	sld [smem:$0x7EC]  }
0x5f: {  	[sflag:s7] =	ssyncset.done $0x0  }
0x60: {  	[sflag:s7] =	ssyncadd.s32 $0xFFFFC000  }
0x61: {  	[tilespmem:s9], [sflag:$0x1] =	stream.indirect.gather [spmem:s2], $0x80, s0, s4, $0xb8;
	[tilespmem:$0x12000] =	vst v63  }
0x62: {  	_ =	swait.ge [sflag:s13], $0x4000  }
0x63: {  	[sflag:s13] =	ssyncset.done $0x0  }
0x64: {  	s0 =	rddreg [dreg:$0x8];
	[sflag:s13] =	ssyncadd.s32 $0xFFFFC000  }
0x65: {  	[hbm4b:s0+s1] =	stream.linear.scatter [tilespmem:s3], [sflag:$0x7], $0x4000, $0x38;
	[tilespmem:$0x12000] =	vst v63  }
0x66: {  	_ =	swait.ge [sflag:s8], $0x4000  }
0x67: {  	s0 =	sld [smem:$0x7ED]  }
0x68: {  	[sflag:s8] =	ssyncset.done $0x0  }
0x69: {  	[sflag:s8] =	ssyncadd.s32 $0xFFFFC000  }
0x6a: {  	[tilespmem:s6], [sflag:$0x2] =	stream.indirect.gather [spmem:s2], $0x80, s0, s4, $0xb8;
	[tilespmem:$0x12000] =	vst v63  }
0x6b: {  	_ =	swait.ge [sflag:s14], $0x4000  }
0x6c: {  	[sflag:s14] =	ssyncset.done $0x0  }
0x6d: {  	s0 =	rddreg [dreg:$0x9];
	[sflag:s14] =	ssyncadd.s32 $0xFFFFC000  }
0x6e: {  	[hbm4b:s0+s1] =	stream.linear.scatter [tilespmem:s5], [sflag:$0x8], $0x4000, $0x38;
	[tilespmem:$0x12000] =	vst v63  }
0x6f: {  	_ =	swait.ge [sflag:s11], $0x4000  }
0x70: {  	s0 =	sld [smem:$0x7EE]  }
0x71: {  	[sflag:s11] =	ssyncset.done $0x0  }
0x72: {  	[sflag:s11] =	ssyncadd.s32 $0xFFFFC000  }
0x73: {  	[tilespmem:s3], [sflag:$0x3] =	stream.indirect.gather [spmem:s2], $0x80, s0, s4, $0xb8;
	[tilespmem:$0x12000] =	vst v63  }
0x74: {  	_ =	swait.ge [sflag:s15], $0x4000  }
0x75: {  	[sflag:s15] =	ssyncset.done $0x0  }
0x76: {  	s0 =	rddreg [dreg:$0xa];
	[sflag:s15] =	ssyncadd.s32 $0xFFFFC000  }
0x77: {  	[hbm4b:s0+s1] =	stream.linear.scatter [tilespmem:s9], [sflag:$0x5], $0x4000, $0x38;
	[tilespmem:$0x12000] =	vst v63  }
0x78: {  	_ =	swait.ge [sflag:s10], $0x4000  }
0x79: {  	s0 =	sld [smem:$0x7EF]  }
0x7a: {  	[sflag:s10] =	ssyncset.done $0x0  }
0x7b: {  	[sflag:s10] =	ssyncadd.s32 $0xFFFFC000  }
0x7c: {  	[tilespmem:s5], [sflag:$0x4] =	stream.indirect.gather [spmem:s2], $0x80, s0, s4, $0xb8;
	[tilespmem:$0x12000] =	vst v63  }
0x7d: {  	_ =	swait.ge [sflag:s12], $0x4000  }
0x7e: {  	[sflag:s12] =	ssyncset.done $0x0  }
0x7f: {  	s0 =	rddreg [dreg:$0xb];
	[sflag:s12] =	ssyncadd.s32 $0xFFFFC000  }
0x80: {  	[hbm4b:s0+s1] =	stream.linear.scatter [tilespmem:s6], [sflag:$0x6], $0x4000, $0x38;
	[tilespmem:$0x12000] =	vst v63  }
0x81: {  	_ =	swait.ge [sflag:s7], $0x4000  }
0x82: {  	s0 =	sld [smem:$0x7F0]  }
0x83: {  	[sflag:s7] =	ssyncset.done $0x0  }
0x84: {  	[sflag:s7] =	ssyncadd.s32 $0xFFFFC000  }
0x85: {  	[tilespmem:s9], [sflag:$0x1] =	stream.indirect.gather [spmem:s2], $0x80, s0, s4, $0xb8;
	[tilespmem:$0x12000] =	vst v63  }
0x86: {  	_ =	swait.ge [sflag:s13], $0x4000  }
0x87: {  	[sflag:s13] =	ssyncset.done $0x0  }
0x88: {  	s0 =	rddreg [dreg:$0xc];
	[sflag:s13] =	ssyncadd.s32 $0xFFFFC000  }
0x89: {  	[hbm4b:s0+s1] =	stream.linear.scatter [tilespmem:s3], [sflag:$0x7], $0x4000, $0x38;
	[tilespmem:$0x12000] =	vst v63  }
0x8a: {  	_ =	swait.ge [sflag:s8], $0x4000  }
0x8b: {  	s0 =	sld [smem:$0x7F1]  }
0x8c: {  	[sflag:s8] =	ssyncset.done $0x0  }
0x8d: {  	[sflag:s8] =	ssyncadd.s32 $0xFFFFC000  }
0x8e: {  	[tilespmem:s6], [sflag:$0x2] =	stream.indirect.gather [spmem:s2], $0x80, s0, s4, $0xb8;
	[tilespmem:$0x12000] =	vst v63  }
0x8f: {  	_ =	swait.ge [sflag:s14], $0x4000  }
0x90: {  	[sflag:s14] =	ssyncset.done $0x0  }
0x91: {  	s0 =	rddreg [dreg:$0xd];
	[sflag:s14] =	ssyncadd.s32 $0xFFFFC000  }
0x92: {  	[hbm4b:s0+s1] =	stream.linear.scatter [tilespmem:s5], [sflag:$0x8], $0x4000, $0x38;
	[tilespmem:$0x12000] =	vst v63  }
0x93: {  	_ =	swait.ge [sflag:s11], $0x4000  }
0x94: {  	s0 =	sld [smem:$0x7F2]  }
0x95: {  	[sflag:s11] =	ssyncset.done $0x0  }
0x96: {  	[sflag:s11] =	ssyncadd.s32 $0xFFFFC000  }
0x97: {  	[tilespmem:s3], [sflag:$0x3] =	stream.indirect.gather [spmem:s2], $0x80, s0, s4, $0xb8;
	[tilespmem:$0x12000] =	vst v63  }
0x98: {  	_ =	swait.ge [sflag:s15], $0x4000  }
0x99: {  	[sflag:s15] =	ssyncset.done $0x0  }
0x9a: {  	s0 =	rddreg [dreg:$0xe];
	[sflag:s15] =	ssyncadd.s32 $0xFFFFC000  }
0x9b: {  	[hbm4b:s0+s1] =	stream.linear.scatter [tilespmem:s9], [sflag:$0x5], $0x4000, $0x38;
	[tilespmem:$0x12000] =	vst v63  }
0x9c: {  	_ =	swait.ge [sflag:s10], $0x4000  }
0x9d: {  	s0 =	sld [smem:$0x7F3]  }
0x9e: {  	[sflag:s10] =	ssyncset.done $0x0  }
0x9f: {  	[sflag:s10] =	ssyncadd.s32 $0xFFFFC000  }
0xa0: {  	[tilespmem:s5], [sflag:$0x4] =	stream.indirect.gather [spmem:s2], $0x80, s0, s4, $0xb8;
	[tilespmem:$0x12000] =	vst v63  }
0xa1: {  	_ =	swait.ge [sflag:s12], $0x4000  }
0xa2: {  	[sflag:s12] =	ssyncset.done $0x0  }
0xa3: {  	s0 =	rddreg [dreg:$0xf];
	[sflag:s12] =	ssyncadd.s32 $0xFFFFC000  }
0xa4: {  	[hbm4b:s0+s1] =	stream.linear.scatter [tilespmem:s6], [sflag:$0x6], $0x4000, $0x38;
	[tilespmem:$0x12000] =	vst v63  }
0xa5: {  	_ =	swait.ge [sflag:s7], $0x4000  }
0xa6: {  	s0 =	sld [smem:$0x7F4]  }
0xa7: {  	[sflag:s7] =	ssyncset.done $0x0  }
0xa8: {  	[sflag:s7] =	ssyncadd.s32 $0xFFFFC000  }
0xa9: {  	[tilespmem:s9], [sflag:$0x1] =	stream.indirect.gather [spmem:s2], $0x80, s0, s4, $0xb8;
	[tilespmem:$0x12000] =	vst v63  }
0xaa: {  	_ =	swait.ge [sflag:s13], $0x4000  }
0xab: {  	[sflag:s13] =	ssyncset.done $0x0  }
0xac: {  	s0 =	rddreg [dreg:$0x10];
	[sflag:s13] =	ssyncadd.s32 $0xFFFFC000  }
0xad: {  	[hbm4b:s0+s1] =	stream.linear.scatter [tilespmem:s3], [sflag:$0x7], $0x4000, $0x38;
	[tilespmem:$0x12000] =	vst v63  }
0xae: {  	_ =	swait.ge [sflag:s8], $0x4000  }
0xaf: {  	s0 =	sld [smem:$0x7F5]  }
0xb0: {  	[sflag:s8] =	ssyncset.done $0x0  }
0xb1: {  	[sflag:s8] =	ssyncadd.s32 $0xFFFFC000  }
0xb2: {  	[tilespmem:s6], [sflag:$0x2] =	stream.indirect.gather [spmem:s2], $0x80, s0, s4, $0xb8;
	[tilespmem:$0x12000] =	vst v63  }
0xb3: {  	_ =	swait.ge [sflag:s14], $0x4000  }
0xb4: {  	[sflag:s14] =	ssyncset.done $0x0  }
0xb5: {  	s0 =	rddreg [dreg:$0x11];
	[sflag:s14] =	ssyncadd.s32 $0xFFFFC000  }
0xb6: {  	[hbm4b:s0+s1] =	stream.linear.scatter [tilespmem:s5], [sflag:$0x8], $0x4000, $0x38;
	[tilespmem:$0x12000] =	vst v63  }
0xb7: {  	_ =	swait.ge [sflag:s11], $0x4000  }
0xb8: {  	s0 =	sld [smem:$0x7F6]  }
0xb9: {  	[sflag:s11] =	ssyncset.done $0x0  }
0xba: {  	[sflag:s11] =	ssyncadd.s32 $0xFFFFC000  }
0xbb: {  	[tilespmem:s3], [sflag:$0x3] =	stream.indirect.gather [spmem:s2], $0x80, s0, s4, $0xb8;
	[tilespmem:$0x12000] =	vst v63  }
0xbc: {  	_ =	swait.ge [sflag:s15], $0x4000  }
0xbd: {  	[sflag:s15] =	ssyncset.done $0x0  }
0xbe: {  	s0 =	rddreg [dreg:$0x12];
	[sflag:s15] =	ssyncadd.s32 $0xFFFFC000  }
0xbf: {  	[hbm4b:s0+s1] =	stream.linear.scatter [tilespmem:s9], [sflag:$0x5], $0x4000, $0x38;
	[tilespmem:$0x12000] =	vst v63  }
0xc0: {  	_ =	swait.ge [sflag:s10], $0x4000  }
0xc1: {  	s0 =	sld [smem:$0x7F7]  }
0xc2: {  	[sflag:s10] =	ssyncset.done $0x0  }
0xc3: {  	[sflag:s10] =	ssyncadd.s32 $0xFFFFC000  }
0xc4: {  	[tilespmem:s5], [sflag:$0x4] =	stream.indirect.gather [spmem:s2], $0x80, s0, s4, $0xb8;
	[tilespmem:$0x12000] =	vst v63  }
0xc5: {  	_ =	swait.ge [sflag:s12], $0x4000  }
0xc6: {  	[sflag:s12] =	ssyncset.done $0x0  }
0xc7: {  	s0 =	rddreg [dreg:$0x13];
	[sflag:s12] =	ssyncadd.s32 $0xFFFFC000  }
0xc8: {  	[hbm4b:s0+s1] =	stream.linear.scatter [tilespmem:s6], [sflag:$0x6], $0x4000, $0x38;
	[tilespmem:$0x12000] =	vst v63  }
0xc9: {  	_ =	swait.ge [sflag:s7], $0x4000  }
0xca: {  	s0 =	sld [smem:$0x7F8]  }
0xcb: {  	[sflag:s7] =	ssyncset.done $0x0  }
0xcc: {  	[sflag:s7] =	ssyncadd.s32 $0xFFFFC000  }
0xcd: {  	[tilespmem:s9], [sflag:$0x1] =	stream.indirect.gather [spmem:s2], $0x80, s0, s4, $0xb8;
	[tilespmem:$0x12000] =	vst v63  }
0xce: {  	_ =	swait.ge [sflag:s13], $0x4000  }
0xcf: {  	[sflag:s13] =	ssyncset.done $0x0  }
0xd0: {  	s0 =	rddreg [dreg:$0x14];
	[sflag:s13] =	ssyncadd.s32 $0xFFFFC000  }
0xd1: {  	[hbm4b:s0+s1] =	stream.linear.scatter [tilespmem:s3], [sflag:$0x7], $0x4000, $0x38;
	[tilespmem:$0x12000] =	vst v63  }
0xd2: {  	_ =	swait.ge [sflag:s8], $0x4000  }
0xd3: {  	s0 =	sld [smem:$0x7F9]  }
0xd4: {  	[sflag:s8] =	ssyncset.done $0x0  }
0xd5: {  	[sflag:s8] =	ssyncadd.s32 $0xFFFFC000  }
0xd6: {  	[tilespmem:s6], [sflag:$0x2] =	stream.indirect.gather [spmem:s2], $0x80, s0, s4, $0xb8;
	[tilespmem:$0x12000] =	vst v63  }
0xd7: {  	_ =	swait.ge [sflag:s14], $0x4000  }
0xd8: {  	[sflag:s14] =	ssyncset.done $0x0  }
0xd9: {  	s0 =	rddreg [dreg:$0x15];
	[sflag:s14] =	ssyncadd.s32 $0xFFFFC000  }
0xda: {  	[hbm4b:s0+s1] =	stream.linear.scatter [tilespmem:s5], [sflag:$0x8], $0x4000, $0x38;
	[tilespmem:$0x12000] =	vst v63  }
0xdb: {  	_ =	swait.ge [sflag:s11], $0x4000  }
0xdc: {  	s0 =	sld [smem:$0x7FA]  }
0xdd: {  	[sflag:s11] =	ssyncset.done $0x0  }
0xde: {  	[sflag:s11] =	ssyncadd.s32 $0xFFFFC000  }
0xdf: {  	[tilespmem:s3], [sflag:$0x3] =	stream.indirect.gather [spmem:s2], $0x80, s0, s4, $0xb8;
	[tilespmem:$0x12000] =	vst v63  }
0xe0: {  	_ =	swait.ge [sflag:s15], $0x4000  }
0xe1: {  	[sflag:s15] =	ssyncset.done $0x0  }
0xe2: {  	s0 =	rddreg [dreg:$0x16];
	[sflag:s15] =	ssyncadd.s32 $0xFFFFC000  }
0xe3: {  	[hbm4b:s0+s1] =	stream.linear.scatter [tilespmem:s9], [sflag:$0x5], $0x4000, $0x38;
	[tilespmem:$0x12000] =	vst v63  }
0xe4: {  	_ =	swait.ge [sflag:s10], $0x4000  }
0xe5: {  	s0 =	sld [smem:$0x7FB]  }
0xe6: {  	[sflag:s10] =	ssyncset.done $0x0  }
0xe7: {  	[sflag:s10] =	ssyncadd.s32 $0xFFFFC000  }
0xe8: {  	[tilespmem:s5], [sflag:$0x4] =	stream.indirect.gather [spmem:s2], $0x80, s0, s4, $0xb8;
	[tilespmem:$0x12000] =	vst v63  }
0xe9: {  	_ =	swait.ge [sflag:s12], $0x4000  }
0xea: {  	[sflag:s12] =	ssyncset.done $0x0  }
0xeb: {  	s0 =	rddreg [dreg:$0x17];
	[sflag:s12] =	ssyncadd.s32 $0xFFFFC000  }
0xec: {  	[hbm4b:s0+s1] =	stream.linear.scatter [tilespmem:s6], [sflag:$0x6], $0x4000, $0x38;
	[tilespmem:$0x12000] =	vst v63  }
0xed: {  	_ =	swait.ge [sflag:s7], $0x4000  }
0xee: {  	s0 =	sld [smem:$0x7FC]  }
0xef: {  	[sflag:s7] =	ssyncset.done $0x0  }
0xf0: {  	[sflag:s7] =	ssyncadd.s32 $0xFFFFC000  }
0xf1: {  	[tilespmem:s9], [sflag:$0x1] =	stream.indirect.gather [spmem:s2], $0x80, s0, s4, $0xb8;
	[tilespmem:$0x12000] =	vst v63  }
0xf2: {  	_ =	swait.ge [sflag:s13], $0x4000  }
0xf3: {  	[sflag:s13] =	ssyncset.done $0x0  }
0xf4: {  	s0 =	rddreg [dreg:$0x18];
	[sflag:s13] =	ssyncadd.s32 $0xFFFFC000  }
0xf5: {  	[hbm4b:s0+s1] =	stream.linear.scatter [tilespmem:s3], [sflag:$0x7], $0x4000, $0x38;
	[tilespmem:$0x12000] =	vst v63  }
0xf6: {  	_ =	swait.ge [sflag:s8], $0x4000  }
0xf7: {  	s0 =	sld [smem:$0x7FD]  }
0xf8: {  	[sflag:s8] =	ssyncset.done $0x0  }
0xf9: {  	[sflag:s8] =	ssyncadd.s32 $0xFFFFC000  }
0xfa: {  	[tilespmem:s6], [sflag:$0x2] =	stream.indirect.gather [spmem:s2], $0x80, s0, s4, $0xb8;
	[tilespmem:$0x12000] =	vst v63  }
0xfb: {  	_ =	swait.ge [sflag:s14], $0x4000  }
0xfc: {  	[sflag:s14] =	ssyncset.done $0x0  }
0xfd: {  	s0 =	rddreg [dreg:$0x19];
	[sflag:s14] =	ssyncadd.s32 $0xFFFFC000  }
0xfe: {  	[hbm4b:s0+s1] =	stream.linear.scatter [tilespmem:s5], [sflag:$0x8], $0x4000, $0x38;
	[tilespmem:$0x12000] =	vst v63  }
0xff: {  	_ =	swait.ge [sflag:s11], $0x4000  }
0x100: {  	[sflag:s11] =	ssyncset.done $0x0  }
0x101: {  	[sflag:s11] =	ssyncadd.s32 $0xFFFFC000  }
0x102: {  	[tilespmem:s3], [sflag:$0x3] =	stream.indirect.gather [spmem:s2], $0x80, s25, s4, $0xb8;
	[tilespmem:$0x12000] =	vst v63  }
0x103: {  	_ =	swait.ge [sflag:s15], $0x4000  }
0x104: {  	[sflag:s15] =	ssyncset.done $0x0  }
0x105: {  	s0 =	rddreg [dreg:$0x1a];
	[sflag:s15] =	ssyncadd.s32 $0xFFFFC000  }
0x106: {  	[hbm4b:s0+s1] =	stream.linear.scatter [tilespmem:s9], [sflag:$0x5], $0x4000, $0x38;
	[tilespmem:$0x12000] =	vst v63  }
0x107: {  	_ =	swait.ge [sflag:s10], $0x4000  }
0x108: {  	[sflag:s10] =	ssyncset.done $0x0  }
0x109: {  	[sflag:s10] =	ssyncadd.s32 $0xFFFFC000  }
0x10a: {  	[tilespmem:s5], [sflag:$0x4] =	stream.indirect.gather [spmem:s2], $0x80, s24, s4, $0xb8;
	[tilespmem:$0x12000] =	vst v63  }
0x10b: {  	_ =	swait.ge [sflag:s12], $0x4000  }
0x10c: {  	[sflag:s12] =	ssyncset.done $0x0  }
0x10d: {  	s0 =	rddreg [dreg:$0x1b];
	[sflag:s12] =	ssyncadd.s32 $0xFFFFC000  }
0x10e: {  	[hbm4b:s0+s1] =	stream.linear.scatter [tilespmem:s6], [sflag:$0x6], $0x4000, $0x38;
	[tilespmem:$0x12000] =	vst v63  }
0x10f: {  	_ =	swait.ge [sflag:s7], $0x4000  }
0x110: {  	[sflag:s7] =	ssyncset.done $0x0  }
0x111: {  	[sflag:s7] =	ssyncadd.s32 $0xFFFFC000  }
0x112: {  	[tilespmem:s9], [sflag:$0x1] =	stream.indirect.gather [spmem:s2], $0x80, s23, s4, $0xb8;
	[tilespmem:$0x12000] =	vst v63  }
0x113: {  	_ =	swait.ge [sflag:s13], $0x4000  }
0x114: {  	[sflag:s13] =	ssyncset.done $0x0  }
0x115: {  	s0 =	rddreg [dreg:$0x1c];
	[sflag:s13] =	ssyncadd.s32 $0xFFFFC000  }
0x116: {  	[hbm4b:s0+s1] =	stream.linear.scatter [tilespmem:s3], [sflag:$0x7], $0x4000, $0x38;
	[tilespmem:$0x12000] =	vst v63  }
0x117: {  	_ =	swait.ge [sflag:s8], $0x4000  }
0x118: {  	[sflag:s8] =	ssyncset.done $0x0  }
0x119: {  	[sflag:s8] =	ssyncadd.s32 $0xFFFFC000  }
0x11a: {  	[tilespmem:s6], [sflag:$0x2] =	stream.indirect.gather [spmem:s2], $0x80, s22, s4, $0xb8;
	[tilespmem:$0x12000] =	vst v63  }
0x11b: {  	_ =	swait.ge [sflag:s14], $0x4000  }
0x11c: {  	[sflag:s14] =	ssyncset.done $0x0  }
0x11d: {  	s0 =	rddreg [dreg:$0x1d];
	[sflag:s14] =	ssyncadd.s32 $0xFFFFC000  }
0x11e: {  	[hbm4b:s0+s1] =	stream.linear.scatter [tilespmem:s5], [sflag:$0x8], $0x4000, $0x38;
	[tilespmem:$0x12000] =	vst v63  }
0x11f: {  	_ =	swait.ge [sflag:s11], $0x4000  }
0x120: {  	[sflag:s11] =	ssyncset.done $0x0  }
0x121: {  	[sflag:s11] =	ssyncadd.s32 $0xFFFFC000  }
0x122: {  	[tilespmem:s3], [sflag:$0x3] =	stream.indirect.gather [spmem:s2], $0x80, s21, s4, $0xb8;
	[tilespmem:$0x12000] =	vst v63  }
0x123: {  	_ =	swait.ge [sflag:s15], $0x4000  }
0x124: {  	[sflag:s15] =	ssyncset.done $0x0  }
0x125: {  	s0 =	rddreg [dreg:$0x1e];
	[sflag:s15] =	ssyncadd.s32 $0xFFFFC000  }
0x126: {  	[hbm4b:s0+s1] =	stream.linear.scatter [tilespmem:s9], [sflag:$0x5], $0x4000, $0x38;
	[tilespmem:$0x12000] =	vst v63  }
0x127: {  	_ =	swait.ge [sflag:s10], $0x4000  }
0x128: {  	[sflag:s10] =	ssyncset.done $0x0  }
0x129: {  	[sflag:s10] =	ssyncadd.s32 $0xFFFFC000  }
0x12a: {  	[tilespmem:s5], [sflag:$0x4] =	stream.indirect.gather [spmem:s2], $0x80, s20, s4, $0xb8;
	[tilespmem:$0x12000] =	vst v63  }
0x12b: {  	_ =	swait.ge [sflag:s12], $0x4000  }
0x12c: {  	[sflag:s12] =	ssyncset.done $0x0  }
0x12d: {  	s0 =	rddreg [dreg:$0x1f];
	[sflag:s12] =	ssyncadd.s32 $0xFFFFC000  }
0x12e: {  	[hbm4b:s0+s1] =	stream.linear.scatter [tilespmem:s6], [sflag:$0x6], $0x4000, $0x38;
	[tilespmem:$0x12000] =	vst v63  }
0x12f: {  	_ =	swait.ge [sflag:s7], $0x4000  }
0x130: {  	[sflag:s7] =	ssyncset.done $0x0  }
0x131: {  	[sflag:s7] =	ssyncadd.s32 $0xFFFFC000  }
0x132: {  	[tilespmem:s9], [sflag:$0x1] =	stream.indirect.gather [spmem:s2], $0x80, s19, s4, $0xb8;
	[tilespmem:$0x12000] =	vst v63  }
0x133: {  	_ =	swait.ge [sflag:s13], $0x4000  }
0x134: {  	s0 =	sld [smem:$0x7E4]  }
0x135: {  	[sflag:s13] =	ssyncset.done $0x0  }
0x136: {  	[sflag:s13] =	ssyncadd.s32 $0xFFFFC000  }
0x137: {  	[hbm4b:s0+s1] =	stream.linear.scatter [tilespmem:s3], [sflag:$0x7], $0x4000, $0x38;
	[tilespmem:$0x12000] =	vst v63  }
0x138: {  	_ =	swait.ge [sflag:s8], $0x4000  }
0x139: {  	[sflag:s8] =	ssyncset.done $0x0  }
0x13a: {  	[sflag:s8] =	ssyncadd.s32 $0xFFFFC000  }
0x13b: {  	[tilespmem:s6], [sflag:$0x2] =	stream.indirect.gather [spmem:s2], $0x80, s18, s4, $0xb8;
	[tilespmem:$0x12000] =	vst v63  }
0x13c: {  	_ =	swait.ge [sflag:s14], $0x4000  }
0x13d: {  	s0 =	sld [smem:$0x7E5]  }
0x13e: {  	[sflag:s14] =	ssyncset.done $0x0  }
0x13f: {  	[sflag:s14] =	ssyncadd.s32 $0xFFFFC000  }
0x140: {  	[hbm4b:s0+s1] =	stream.linear.scatter [tilespmem:s5], [sflag:$0x8], $0x4000, $0x38;
	[tilespmem:$0x12000] =	vst v63  }
0x141: {  	_ =	swait.ge [sflag:s11], $0x4000  }
0x142: {  	[sflag:s11] =	ssyncset.done $0x0  }
0x143: {  	[sflag:s11] =	ssyncadd.s32 $0xFFFFC000  }
0x144: {  	[tilespmem:s3], [sflag:$0x3] =	stream.indirect.gather [spmem:s2], $0x80, s17, s4, $0xb8;
	[tilespmem:$0x12000] =	vst v63  }
0x145: {  	_ =	swait.ge [sflag:s15], $0x4000  }
0x146: {  	s0 =	sld [smem:$0x7E6]  }
0x147: {  	[sflag:s15] =	ssyncset.done $0x0  }
0x148: {  	[sflag:s15] =	ssyncadd.s32 $0xFFFFC000  }
0x149: {  	[hbm4b:s0+s1] =	stream.linear.scatter [tilespmem:s9], [sflag:$0x5], $0x4000, $0x38;
	[tilespmem:$0x12000] =	vst v63  }
0x14a: {  	_ =	swait.ge [sflag:s10], $0x4000  }
0x14b: {  	[sflag:s10] =	ssyncset.done $0x0  }
0x14c: {  	s0 =	simm.s32 $0xF80;
	[sflag:s10] =	ssyncadd.s32 $0xFFFFC000  }
0x14d: {  	[tilespmem:s5], [sflag:$0x4] =	stream.indirect.gather [spmem:s2], $0x80, s0, s4, $0xb8;
	[tilespmem:$0x12000] =	vst v63  }
0x14e: {  	_ =	swait.ge [sflag:s12], $0x4000  }
0x14f: {  	s0 =	sld [smem:$0x7E7]  }
0x150: {  	[sflag:s12] =	ssyncset.done $0x0  }
0x151: {  	[sflag:s12] =	ssyncadd.s32 $0xFFFFC000  }
0x152: {  	[hbm4b:s0+s1] =	stream.linear.scatter [tilespmem:s6], [sflag:$0x6], $0x4000, $0x38;
	[tilespmem:$0x12000] =	vst v63  }
0x153: {  	_ =	swait.ge [sflag:s13], $0x4000  }
0x154: {  	s0 =	sld [smem:$0x7E8]  }
0x155: {  	[sflag:s13] =	ssyncset.done $0x0  }
0x156: {  	[sflag:s13] =	ssyncadd.s32 $0xFFFFC000  }
0x157: {  	[hbm4b:s0+s1] =	stream.linear.scatter [tilespmem:s3], [sflag:$0x7], $0x4000, $0x38;
	[tilespmem:$0x12000] =	vst v63  }
0x158: {  	_ =	swait.ge [sflag:s14], $0x4000  }
0x159: {  	s0 =	sld [smem:$0x7E9]  }
0x15a: {  	[sflag:s14] =	ssyncset.done $0x0  }
0x15b: {  	[sflag:s14] =	ssyncadd.s32 $0xFFFFC000  }
0x15c: {  	[hbm4b:s0+s1] =	stream.linear.scatter [tilespmem:s5], [sflag:$0x8], $0x4000, $0x38;
	[tilespmem:$0x12000] =	vst v63  }
0x15d: {  	_ =	swait.ge [sflag:s7], $0x4000  }
0x15e: {  	[sflag:s7] =	ssyncset.done $0x0  }
0x15f: {  	[sflag:s7] =	ssyncadd.s32 $0xFFFFC000  }
0x160: {  	_ =	swait.ge [sflag:s8], $0x4000  }
0x161: {  	s31 =	sadd.s32 $0xFFFFFFFF, s16;
	[sflag:s8] =	ssyncset.done $0x0  }
0x162: {  	p2 =	sne.s32 s31, $0x0;
	[sflag:s8] =	ssyncadd.s32 $0xFFFFC000  }
.Ltmp1:
0x163: {  	_ =	swait.ge [sflag:s11], $0x4000;
	(pc) =	sbr.rel @!p2 .LBB2_3-.Ltmp1, $4  }
0x164: {  	[sflag:s11] =	ssyncset.done $0x0  }
0x165: {  	[sflag:s11] =	ssyncadd.s32 $0xFFFFC000  }
0x166: {  	_ =	swait.ge [sflag:s10], $0x4000  }
0x167: {  	p1 =	por $0x1, $0x1;
	s0 =	rddreg [dreg:$0x4];
	[sflag:s10] =	ssyncset.done $0x0  }
.LBB2_4:
0x168: {  	[sflag:s10] =	ssyncadd.s32 $0xFFFFC000  }
0x169: {  	[spmem:s28], [sflag:s29] =	dma.local @!p0 [hbm:s0], $0x2000  }
0x16a: {  	_ =	swait.ge @!p0 [sflag:s30], $0x2000  }
0x16b: {  	[sflag:s30] =	ssyncset.done @!p0 $0x0  }
0x16c: {  	s16 =	rddreg [dreg:$0x5];
	[sflag:s30] =	ssyncadd.s32 @!p0 $0xFFFFE000  }
0x16d: {  	[tilespmem:s1], [sflag:$0x9] =	stream.linear.gather [hbm4b:s16+s1], $0x1000, $0x38;
	[tilespmem:$0x12000] =	vst v63  }
0x16e: {  	_ =	swait.ge [sflag:s26], $0x1000  }
0x16f: {  	[sflag:s26] =	ssyncset.done $0x0  }
0x170: {  	[sflag:s26] =	ssyncadd.s32 $0xFFFFF000  }
0x171: {  	[bflag:$0x0] =	sbarrier.arrive $0xFFFF  }
0x172: {  	[tilespmem:s9], [sflag:$0x1] =	stream.indirect.gather [spmem:s2], $0x80, s1, s4, $0xb8;
	[tilespmem:$0x12000] =	vst v63  }
0x173: {  	s16 =	sld [smem:$0x7EA]  }
0x174: {  	[tilespmem:s6], [sflag:$0x2] =	stream.indirect.gather [spmem:s2], $0x80, s4, s4, $0xb8;
	[tilespmem:$0x12000] =	vst v63  }
0x175: {  	_ = 	snop  }
0x176: {  	[tilespmem:s3], [sflag:$0x3] =	stream.indirect.gather [spmem:s2], $0x80, s16, s4, $0xb8;
	[tilespmem:$0x12000] =	vst v63  }
0x177: {  	_ =	swait.ge [sflag:s15], $0x4000  }
0x178: {  	s0 =	rddreg [dreg:$0x6];
	[sflag:s15] =	ssyncset.done $0x0  }
0x179: {  	s16 =	sld [smem:$0x7EB];
	[sflag:s15] =	ssyncadd.s32 $0xFFFFC000  }
0x17a: {  	[hbm4b:s0+s1] =	stream.linear.scatter [tilespmem:s9], [sflag:$0x5], $0x4000, $0x38;
	[tilespmem:$0x12000] =	vst v63  }
0x17b: {  	_ = 	snop  }
0x17c: {  	[tilespmem:s5], [sflag:$0x4] =	stream.indirect.gather [spmem:s2], $0x80, s16, s4, $0xb8;
	[tilespmem:$0x12000] =	vst v63  }
0x17d: {  	_ =	swait.ge [sflag:s12], $0x4000  }
0x17e: {  	[sflag:s12] =	ssyncset.done $0x0  }
0x17f: {  	s0 =	rddreg [dreg:$0x7];
	[sflag:s12] =	ssyncadd.s32 $0xFFFFC000  }
0x180: {  	[hbm4b:s0+s1] =	stream.linear.scatter [tilespmem:s6], [sflag:$0x6], $0x4000, $0x38;
	[tilespmem:$0x12000] =	vst v63  }
0x181: {  	_ =	swait.ge [sflag:s7], $0x4000  }
0x182: {  	s0 =	sld [smem:$0x7EC]  }
0x183: {  	[sflag:s7] =	ssyncset.done $0x0  }
0x184: {  	[sflag:s7] =	ssyncadd.s32 $0xFFFFC000  }
0x185: {  	[tilespmem:s9], [sflag:$0x1] =	stream.indirect.gather [spmem:s2], $0x80, s0, s4, $0xb8;
	[tilespmem:$0x12000] =	vst v63  }
0x186: {  	_ =	swait.ge [sflag:s13], $0x4000  }
0x187: {  	[sflag:s13] =	ssyncset.done $0x0  }
0x188: {  	s0 =	rddreg [dreg:$0x8];
	[sflag:s13] =	ssyncadd.s32 $0xFFFFC000  }
0x189: {  	[hbm4b:s0+s1] =	stream.linear.scatter [tilespmem:s3], [sflag:$0x7], $0x4000, $0x38;
	[tilespmem:$0x12000] =	vst v63  }
0x18a: {  	_ =	swait.ge [sflag:s8], $0x4000  }
0x18b: {  	s0 =	sld [smem:$0x7ED]  }
0x18c: {  	[sflag:s8] =	ssyncset.done $0x0  }
0x18d: {  	[sflag:s8] =	ssyncadd.s32 $0xFFFFC000  }
0x18e: {  	[tilespmem:s6], [sflag:$0x2] =	stream.indirect.gather [spmem:s2], $0x80, s0, s4, $0xb8;
	[tilespmem:$0x12000] =	vst v63  }
0x18f: {  	_ =	swait.ge [sflag:s14], $0x4000  }
0x190: {  	[sflag:s14] =	ssyncset.done $0x0  }
0x191: {  	s0 =	rddreg [dreg:$0x9];
	[sflag:s14] =	ssyncadd.s32 $0xFFFFC000  }
0x192: {  	[hbm4b:s0+s1] =	stream.linear.scatter [tilespmem:s5], [sflag:$0x8], $0x4000, $0x38;
	[tilespmem:$0x12000] =	vst v63  }
0x193: {  	_ =	swait.ge [sflag:s11], $0x4000  }
0x194: {  	s0 =	sld [smem:$0x7EE]  }
0x195: {  	[sflag:s11] =	ssyncset.done $0x0  }
0x196: {  	[sflag:s11] =	ssyncadd.s32 $0xFFFFC000  }
0x197: {  	[tilespmem:s3], [sflag:$0x3] =	stream.indirect.gather [spmem:s2], $0x80, s0, s4, $0xb8;
	[tilespmem:$0x12000] =	vst v63  }
0x198: {  	_ =	swait.ge [sflag:s15], $0x4000  }
0x199: {  	[sflag:s15] =	ssyncset.done $0x0  }
0x19a: {  	s0 =	rddreg [dreg:$0xa];
	[sflag:s15] =	ssyncadd.s32 $0xFFFFC000  }
0x19b: {  	[hbm4b:s0+s1] =	stream.linear.scatter [tilespmem:s9], [sflag:$0x5], $0x4000, $0x38;
	[tilespmem:$0x12000] =	vst v63  }
0x19c: {  	_ =	swait.ge [sflag:s10], $0x4000  }
0x19d: {  	s0 =	sld [smem:$0x7EF]  }
0x19e: {  	[sflag:s10] =	ssyncset.done $0x0  }
0x19f: {  	[sflag:s10] =	ssyncadd.s32 $0xFFFFC000  }
0x1a0: {  	[tilespmem:s5], [sflag:$0x4] =	stream.indirect.gather [spmem:s2], $0x80, s0, s4, $0xb8;
	[tilespmem:$0x12000] =	vst v63  }
0x1a1: {  	_ =	swait.ge [sflag:s12], $0x4000  }
0x1a2: {  	[sflag:s12] =	ssyncset.done $0x0  }
0x1a3: {  	s0 =	rddreg [dreg:$0xb];
	[sflag:s12] =	ssyncadd.s32 $0xFFFFC000  }
0x1a4: {  	[hbm4b:s0+s1] =	stream.linear.scatter [tilespmem:s6], [sflag:$0x6], $0x4000, $0x38;
	[tilespmem:$0x12000] =	vst v63  }
0x1a5: {  	_ =	swait.ge [sflag:s7], $0x4000  }
0x1a6: {  	s0 =	sld [smem:$0x7F0]  }
0x1a7: {  	[sflag:s7] =	ssyncset.done $0x0  }
0x1a8: {  	[sflag:s7] =	ssyncadd.s32 $0xFFFFC000  }
0x1a9: {  	[tilespmem:s9], [sflag:$0x1] =	stream.indirect.gather [spmem:s2], $0x80, s0, s4, $0xb8;
	[tilespmem:$0x12000] =	vst v63  }
0x1aa: {  	_ =	swait.ge [sflag:s13], $0x4000  }
0x1ab: {  	[sflag:s13] =	ssyncset.done $0x0  }
0x1ac: {  	s0 =	rddreg [dreg:$0xc];
	[sflag:s13] =	ssyncadd.s32 $0xFFFFC000  }
0x1ad: {  	[hbm4b:s0+s1] =	stream.linear.scatter [tilespmem:s3], [sflag:$0x7], $0x4000, $0x38;
	[tilespmem:$0x12000] =	vst v63  }
0x1ae: {  	_ =	swait.ge [sflag:s8], $0x4000  }
0x1af: {  	s0 =	sld [smem:$0x7F1]  }
0x1b0: {  	[sflag:s8] =	ssyncset.done $0x0  }
0x1b1: {  	[sflag:s8] =	ssyncadd.s32 $0xFFFFC000  }
0x1b2: {  	[tilespmem:s6], [sflag:$0x2] =	stream.indirect.gather [spmem:s2], $0x80, s0, s4, $0xb8;
	[tilespmem:$0x12000] =	vst v63  }
0x1b3: {  	_ =	swait.ge [sflag:s14], $0x4000  }
0x1b4: {  	[sflag:s14] =	ssyncset.done $0x0  }
0x1b5: {  	s0 =	rddreg [dreg:$0xd];
	[sflag:s14] =	ssyncadd.s32 $0xFFFFC000  }
0x1b6: {  	[hbm4b:s0+s1] =	stream.linear.scatter [tilespmem:s5], [sflag:$0x8], $0x4000, $0x38;
	[tilespmem:$0x12000] =	vst v63  }
0x1b7: {  	_ =	swait.ge [sflag:s11], $0x4000  }
0x1b8: {  	s0 =	sld [smem:$0x7F2]  }
0x1b9: {  	[sflag:s11] =	ssyncset.done $0x0  }
0x1ba: {  	[sflag:s11] =	ssyncadd.s32 $0xFFFFC000  }
0x1bb: {  	[tilespmem:s3], [sflag:$0x3] =	stream.indirect.gather [spmem:s2], $0x80, s0, s4, $0xb8;
	[tilespmem:$0x12000] =	vst v63  }
0x1bc: {  	_ =	swait.ge [sflag:s15], $0x4000  }
0x1bd: {  	[sflag:s15] =	ssyncset.done $0x0  }
0x1be: {  	s0 =	rddreg [dreg:$0xe];
	[sflag:s15] =	ssyncadd.s32 $0xFFFFC000  }
0x1bf: {  	[hbm4b:s0+s1] =	stream.linear.scatter [tilespmem:s9], [sflag:$0x5], $0x4000, $0x38;
	[tilespmem:$0x12000] =	vst v63  }
0x1c0: {  	_ =	swait.ge [sflag:s10], $0x4000  }
0x1c1: {  	s0 =	sld [smem:$0x7F3]  }
0x1c2: {  	[sflag:s10] =	ssyncset.done $0x0  }
0x1c3: {  	[sflag:s10] =	ssyncadd.s32 $0xFFFFC000  }
0x1c4: {  	[tilespmem:s5], [sflag:$0x4] =	stream.indirect.gather [spmem:s2], $0x80, s0, s4, $0xb8;
	[tilespmem:$0x12000] =	vst v63  }
0x1c5: {  	_ =	swait.ge [sflag:s12], $0x4000  }
0x1c6: {  	[sflag:s12] =	ssyncset.done $0x0  }
0x1c7: {  	s0 =	rddreg [dreg:$0xf];
	[sflag:s12] =	ssyncadd.s32 $0xFFFFC000  }
0x1c8: {  	[hbm4b:s0+s1] =	stream.linear.scatter [tilespmem:s6], [sflag:$0x6], $0x4000, $0x38;
	[tilespmem:$0x12000] =	vst v63  }
0x1c9: {  	_ =	swait.ge [sflag:s7], $0x4000  }
0x1ca: {  	s0 =	sld [smem:$0x7F4]  }
0x1cb: {  	[sflag:s7] =	ssyncset.done $0x0  }
0x1cc: {  	[sflag:s7] =	ssyncadd.s32 $0xFFFFC000  }
0x1cd: {  	[tilespmem:s9], [sflag:$0x1] =	stream.indirect.gather [spmem:s2], $0x80, s0, s4, $0xb8;
	[tilespmem:$0x12000] =	vst v63  }
0x1ce: {  	_ =	swait.ge [sflag:s13], $0x4000  }
0x1cf: {  	[sflag:s13] =	ssyncset.done $0x0  }
0x1d0: {  	s0 =	rddreg [dreg:$0x10];
	[sflag:s13] =	ssyncadd.s32 $0xFFFFC000  }
0x1d1: {  	[hbm4b:s0+s1] =	stream.linear.scatter [tilespmem:s3], [sflag:$0x7], $0x4000, $0x38;
	[tilespmem:$0x12000] =	vst v63  }
0x1d2: {  	_ =	swait.ge [sflag:s8], $0x4000  }
0x1d3: {  	s0 =	sld [smem:$0x7F5]  }
0x1d4: {  	[sflag:s8] =	ssyncset.done $0x0  }
0x1d5: {  	[sflag:s8] =	ssyncadd.s32 $0xFFFFC000  }
0x1d6: {  	[tilespmem:s6], [sflag:$0x2] =	stream.indirect.gather [spmem:s2], $0x80, s0, s4, $0xb8;
	[tilespmem:$0x12000] =	vst v63  }
0x1d7: {  	_ =	swait.ge [sflag:s14], $0x4000  }
0x1d8: {  	[sflag:s14] =	ssyncset.done $0x0  }
0x1d9: {  	s0 =	rddreg [dreg:$0x11];
	[sflag:s14] =	ssyncadd.s32 $0xFFFFC000  }
0x1da: {  	[hbm4b:s0+s1] =	stream.linear.scatter [tilespmem:s5], [sflag:$0x8], $0x4000, $0x38;
	[tilespmem:$0x12000] =	vst v63  }
0x1db: {  	_ =	swait.ge [sflag:s11], $0x4000  }
0x1dc: {  	s0 =	sld [smem:$0x7F6]  }
0x1dd: {  	[sflag:s11] =	ssyncset.done $0x0  }
0x1de: {  	[sflag:s11] =	ssyncadd.s32 $0xFFFFC000  }
0x1df: {  	[tilespmem:s3], [sflag:$0x3] =	stream.indirect.gather [spmem:s2], $0x80, s0, s4, $0xb8;
	[tilespmem:$0x12000] =	vst v63  }
0x1e0: {  	_ =	swait.ge [sflag:s15], $0x4000  }
0x1e1: {  	[sflag:s15] =	ssyncset.done $0x0  }
0x1e2: {  	s0 =	rddreg [dreg:$0x12];
	[sflag:s15] =	ssyncadd.s32 $0xFFFFC000  }
0x1e3: {  	[hbm4b:s0+s1] =	stream.linear.scatter [tilespmem:s9], [sflag:$0x5], $0x4000, $0x38;
	[tilespmem:$0x12000] =	vst v63  }
0x1e4: {  	_ =	swait.ge [sflag:s10], $0x4000  }
0x1e5: {  	s0 =	sld [smem:$0x7F7]  }
0x1e6: {  	[sflag:s10] =	ssyncset.done $0x0  }
0x1e7: {  	[sflag:s10] =	ssyncadd.s32 $0xFFFFC000  }
0x1e8: {  	[tilespmem:s5], [sflag:$0x4] =	stream.indirect.gather [spmem:s2], $0x80, s0, s4, $0xb8;
	[tilespmem:$0x12000] =	vst v63  }
0x1e9: {  	_ =	swait.ge [sflag:s12], $0x4000  }
0x1ea: {  	[sflag:s12] =	ssyncset.done $0x0  }
0x1eb: {  	s0 =	rddreg [dreg:$0x13];
	[sflag:s12] =	ssyncadd.s32 $0xFFFFC000  }
0x1ec: {  	[hbm4b:s0+s1] =	stream.linear.scatter [tilespmem:s6], [sflag:$0x6], $0x4000, $0x38;
	[tilespmem:$0x12000] =	vst v63  }
0x1ed: {  	_ =	swait.ge [sflag:s7], $0x4000  }
0x1ee: {  	s0 =	sld [smem:$0x7F8]  }
0x1ef: {  	[sflag:s7] =	ssyncset.done $0x0  }
0x1f0: {  	[sflag:s7] =	ssyncadd.s32 $0xFFFFC000  }
0x1f1: {  	[tilespmem:s9], [sflag:$0x1] =	stream.indirect.gather [spmem:s2], $0x80, s0, s4, $0xb8;
	[tilespmem:$0x12000] =	vst v63  }
0x1f2: {  	_ =	swait.ge [sflag:s13], $0x4000  }
0x1f3: {  	[sflag:s13] =	ssyncset.done $0x0  }
0x1f4: {  	s0 =	rddreg [dreg:$0x14];
	[sflag:s13] =	ssyncadd.s32 $0xFFFFC000  }
0x1f5: {  	[hbm4b:s0+s1] =	stream.linear.scatter [tilespmem:s3], [sflag:$0x7], $0x4000, $0x38;
	[tilespmem:$0x12000] =	vst v63  }
0x1f6: {  	_ =	swait.ge [sflag:s8], $0x4000  }
0x1f7: {  	s0 =	sld [smem:$0x7F9]  }
0x1f8: {  	[sflag:s8] =	ssyncset.done $0x0  }
0x1f9: {  	[sflag:s8] =	ssyncadd.s32 $0xFFFFC000  }
0x1fa: {  	[tilespmem:s6], [sflag:$0x2] =	stream.indirect.gather [spmem:s2], $0x80, s0, s4, $0xb8;
	[tilespmem:$0x12000] =	vst v63  }
0x1fb: {  	_ =	swait.ge [sflag:s14], $0x4000  }
0x1fc: {  	[sflag:s14] =	ssyncset.done $0x0  }
0x1fd: {  	s0 =	rddreg [dreg:$0x15];
	[sflag:s14] =	ssyncadd.s32 $0xFFFFC000  }
0x1fe: {  	[hbm4b:s0+s1] =	stream.linear.scatter [tilespmem:s5], [sflag:$0x8], $0x4000, $0x38;
	[tilespmem:$0x12000] =	vst v63  }
0x1ff: {  	_ =	swait.ge [sflag:s11], $0x4000  }
0x200: {  	s0 =	sld [smem:$0x7FA]  }
0x201: {  	[sflag:s11] =	ssyncset.done $0x0  }
0x202: {  	[sflag:s11] =	ssyncadd.s32 $0xFFFFC000  }
0x203: {  	[tilespmem:s3], [sflag:$0x3] =	stream.indirect.gather [spmem:s2], $0x80, s0, s4, $0xb8;
	[tilespmem:$0x12000] =	vst v63  }
0x204: {  	_ =	swait.ge [sflag:s15], $0x4000  }
0x205: {  	[sflag:s15] =	ssyncset.done $0x0  }
0x206: {  	s0 =	rddreg [dreg:$0x16];
	[sflag:s15] =	ssyncadd.s32 $0xFFFFC000  }
0x207: {  	[hbm4b:s0+s1] =	stream.linear.scatter [tilespmem:s9], [sflag:$0x5], $0x4000, $0x38;
	[tilespmem:$0x12000] =	vst v63  }
0x208: {  	_ =	swait.ge [sflag:s10], $0x4000  }
0x209: {  	s0 =	sld [smem:$0x7FB]  }
0x20a: {  	[sflag:s10] =	ssyncset.done $0x0  }
0x20b: {  	[sflag:s10] =	ssyncadd.s32 $0xFFFFC000  }
0x20c: {  	[tilespmem:s5], [sflag:$0x4] =	stream.indirect.gather [spmem:s2], $0x80, s0, s4, $0xb8;
	[tilespmem:$0x12000] =	vst v63  }
0x20d: {  	_ =	swait.ge [sflag:s12], $0x4000  }
0x20e: {  	[sflag:s12] =	ssyncset.done $0x0  }
0x20f: {  	s0 =	rddreg [dreg:$0x17];
	[sflag:s12] =	ssyncadd.s32 $0xFFFFC000  }
0x210: {  	[hbm4b:s0+s1] =	stream.linear.scatter [tilespmem:s6], [sflag:$0x6], $0x4000, $0x38;
	[tilespmem:$0x12000] =	vst v63  }
0x211: {  	_ =	swait.ge [sflag:s7], $0x4000  }
0x212: {  	s0 =	sld [smem:$0x7FC]  }
0x213: {  	[sflag:s7] =	ssyncset.done $0x0  }
0x214: {  	[sflag:s7] =	ssyncadd.s32 $0xFFFFC000  }
0x215: {  	[tilespmem:s9], [sflag:$0x1] =	stream.indirect.gather [spmem:s2], $0x80, s0, s4, $0xb8;
	[tilespmem:$0x12000] =	vst v63  }
0x216: {  	_ =	swait.ge [sflag:s13], $0x4000  }
0x217: {  	[sflag:s13] =	ssyncset.done $0x0  }
0x218: {  	s0 =	rddreg [dreg:$0x18];
	[sflag:s13] =	ssyncadd.s32 $0xFFFFC000  }
0x219: {  	[hbm4b:s0+s1] =	stream.linear.scatter [tilespmem:s3], [sflag:$0x7], $0x4000, $0x38;
	[tilespmem:$0x12000] =	vst v63  }
0x21a: {  	_ =	swait.ge [sflag:s8], $0x4000  }
0x21b: {  	s0 =	sld [smem:$0x7FD]  }
0x21c: {  	[sflag:s8] =	ssyncset.done $0x0  }
0x21d: {  	[sflag:s8] =	ssyncadd.s32 $0xFFFFC000  }
0x21e: {  	[tilespmem:s6], [sflag:$0x2] =	stream.indirect.gather [spmem:s2], $0x80, s0, s4, $0xb8;
	[tilespmem:$0x12000] =	vst v63  }
0x21f: {  	_ =	swait.ge [sflag:s14], $0x4000  }
0x220: {  	[sflag:s14] =	ssyncset.done $0x0  }
0x221: {  	s0 =	rddreg [dreg:$0x19];
	[sflag:s14] =	ssyncadd.s32 $0xFFFFC000  }
0x222: {  	[hbm4b:s0+s1] =	stream.linear.scatter [tilespmem:s5], [sflag:$0x8], $0x4000, $0x38;
	[tilespmem:$0x12000] =	vst v63  }
0x223: {  	_ =	swait.ge [sflag:s11], $0x4000  }
0x224: {  	[sflag:s11] =	ssyncset.done $0x0  }
0x225: {  	[sflag:s11] =	ssyncadd.s32 $0xFFFFC000  }
0x226: {  	[tilespmem:s3], [sflag:$0x3] =	stream.indirect.gather [spmem:s2], $0x80, s25, s4, $0xb8;
	[tilespmem:$0x12000] =	vst v63  }
0x227: {  	_ =	swait.ge [sflag:s15], $0x4000  }
0x228: {  	[sflag:s15] =	ssyncset.done $0x0  }
0x229: {  	s0 =	rddreg [dreg:$0x1a];
	[sflag:s15] =	ssyncadd.s32 $0xFFFFC000  }
0x22a: {  	[hbm4b:s0+s1] =	stream.linear.scatter [tilespmem:s9], [sflag:$0x5], $0x4000, $0x38;
	[tilespmem:$0x12000] =	vst v63  }
0x22b: {  	_ =	swait.ge [sflag:s10], $0x4000  }
0x22c: {  	[sflag:s10] =	ssyncset.done $0x0  }
0x22d: {  	[sflag:s10] =	ssyncadd.s32 $0xFFFFC000  }
0x22e: {  	[tilespmem:s5], [sflag:$0x4] =	stream.indirect.gather [spmem:s2], $0x80, s24, s4, $0xb8;
	[tilespmem:$0x12000] =	vst v63  }
0x22f: {  	_ =	swait.ge [sflag:s12], $0x4000  }
0x230: {  	[sflag:s12] =	ssyncset.done $0x0  }
0x231: {  	s0 =	rddreg [dreg:$0x1b];
	[sflag:s12] =	ssyncadd.s32 $0xFFFFC000  }
0x232: {  	[hbm4b:s0+s1] =	stream.linear.scatter [tilespmem:s6], [sflag:$0x6], $0x4000, $0x38;
	[tilespmem:$0x12000] =	vst v63  }
0x233: {  	_ =	swait.ge [sflag:s7], $0x4000  }
0x234: {  	[sflag:s7] =	ssyncset.done $0x0  }
0x235: {  	[sflag:s7] =	ssyncadd.s32 $0xFFFFC000  }
0x236: {  	[tilespmem:s9], [sflag:$0x1] =	stream.indirect.gather [spmem:s2], $0x80, s23, s4, $0xb8;
	[tilespmem:$0x12000] =	vst v63  }
0x237: {  	_ =	swait.ge [sflag:s13], $0x4000  }
0x238: {  	[sflag:s13] =	ssyncset.done $0x0  }
0x239: {  	s0 =	rddreg [dreg:$0x1c];
	[sflag:s13] =	ssyncadd.s32 $0xFFFFC000  }
0x23a: {  	[hbm4b:s0+s1] =	stream.linear.scatter [tilespmem:s3], [sflag:$0x7], $0x4000, $0x38;
	[tilespmem:$0x12000] =	vst v63  }
0x23b: {  	_ =	swait.ge [sflag:s8], $0x4000  }
0x23c: {  	[sflag:s8] =	ssyncset.done $0x0  }
0x23d: {  	[sflag:s8] =	ssyncadd.s32 $0xFFFFC000  }
0x23e: {  	[tilespmem:s6], [sflag:$0x2] =	stream.indirect.gather [spmem:s2], $0x80, s22, s4, $0xb8;
	[tilespmem:$0x12000] =	vst v63  }
0x23f: {  	_ =	swait.ge [sflag:s14], $0x4000  }
0x240: {  	[sflag:s14] =	ssyncset.done $0x0  }
0x241: {  	s0 =	rddreg [dreg:$0x1d];
	[sflag:s14] =	ssyncadd.s32 $0xFFFFC000  }
0x242: {  	[hbm4b:s0+s1] =	stream.linear.scatter [tilespmem:s5], [sflag:$0x8], $0x4000, $0x38;
	[tilespmem:$0x12000] =	vst v63  }
0x243: {  	_ =	swait.ge [sflag:s11], $0x4000  }
0x244: {  	[sflag:s11] =	ssyncset.done $0x0  }
0x245: {  	[sflag:s11] =	ssyncadd.s32 $0xFFFFC000  }
0x246: {  	[tilespmem:s3], [sflag:$0x3] =	stream.indirect.gather [spmem:s2], $0x80, s21, s4, $0xb8;
	[tilespmem:$0x12000] =	vst v63  }
0x247: {  	_ =	swait.ge [sflag:s15], $0x4000  }
0x248: {  	[sflag:s15] =	ssyncset.done $0x0  }
0x249: {  	s0 =	rddreg [dreg:$0x1e];
	[sflag:s15] =	ssyncadd.s32 $0xFFFFC000  }
0x24a: {  	[hbm4b:s0+s1] =	stream.linear.scatter [tilespmem:s9], [sflag:$0x5], $0x4000, $0x38;
	[tilespmem:$0x12000] =	vst v63  }
0x24b: {  	_ =	swait.ge [sflag:s10], $0x4000  }
0x24c: {  	[sflag:s10] =	ssyncset.done $0x0  }
0x24d: {  	[sflag:s10] =	ssyncadd.s32 $0xFFFFC000  }
0x24e: {  	[tilespmem:s5], [sflag:$0x4] =	stream.indirect.gather [spmem:s2], $0x80, s20, s4, $0xb8;
	[tilespmem:$0x12000] =	vst v63  }
0x24f: {  	_ =	swait.ge [sflag:s12], $0x4000  }
0x250: {  	[sflag:s12] =	ssyncset.done $0x0  }
0x251: {  	s0 =	rddreg [dreg:$0x1f];
	[sflag:s12] =	ssyncadd.s32 $0xFFFFC000  }
0x252: {  	[hbm4b:s0+s1] =	stream.linear.scatter [tilespmem:s6], [sflag:$0x6], $0x4000, $0x38;
	[tilespmem:$0x12000] =	vst v63  }
0x253: {  	_ =	swait.ge [sflag:s7], $0x4000  }
0x254: {  	[sflag:s7] =	ssyncset.done $0x0  }
0x255: {  	[sflag:s7] =	ssyncadd.s32 $0xFFFFC000  }
0x256: {  	[tilespmem:s9], [sflag:$0x1] =	stream.indirect.gather [spmem:s2], $0x80, s19, s4, $0xb8;
	[tilespmem:$0x12000] =	vst v63  }
0x257: {  	_ =	swait.ge [sflag:s13], $0x4000  }
0x258: {  	s0 =	sld [smem:$0x7E4]  }
0x259: {  	[sflag:s13] =	ssyncset.done $0x0  }
0x25a: {  	[sflag:s13] =	ssyncadd.s32 $0xFFFFC000  }
0x25b: {  	[hbm4b:s0+s1] =	stream.linear.scatter [tilespmem:s3], [sflag:$0x7], $0x4000, $0x38;
	[tilespmem:$0x12000] =	vst v63  }
0x25c: {  	_ =	swait.ge [sflag:s8], $0x4000  }
0x25d: {  	[sflag:s8] =	ssyncset.done $0x0  }
0x25e: {  	[sflag:s8] =	ssyncadd.s32 $0xFFFFC000  }
0x25f: {  	[tilespmem:s6], [sflag:$0x2] =	stream.indirect.gather [spmem:s2], $0x80, s18, s4, $0xb8;
	[tilespmem:$0x12000] =	vst v63  }
0x260: {  	_ =	swait.ge [sflag:s14], $0x4000  }
0x261: {  	s0 =	sld [smem:$0x7E5]  }
0x262: {  	[sflag:s14] =	ssyncset.done $0x0  }
0x263: {  	[sflag:s14] =	ssyncadd.s32 $0xFFFFC000  }
0x264: {  	[hbm4b:s0+s1] =	stream.linear.scatter [tilespmem:s5], [sflag:$0x8], $0x4000, $0x38;
	[tilespmem:$0x12000] =	vst v63  }
0x265: {  	_ =	swait.ge [sflag:s11], $0x4000  }
0x266: {  	[sflag:s11] =	ssyncset.done $0x0  }
0x267: {  	[sflag:s11] =	ssyncadd.s32 $0xFFFFC000  }
0x268: {  	[tilespmem:s3], [sflag:$0x3] =	stream.indirect.gather [spmem:s2], $0x80, s17, s4, $0xb8;
	[tilespmem:$0x12000] =	vst v63  }
0x269: {  	_ =	swait.ge [sflag:s15], $0x4000  }
0x26a: {  	s0 =	sld [smem:$0x7E6]  }
0x26b: {  	[sflag:s15] =	ssyncset.done $0x0  }
0x26c: {  	[sflag:s15] =	ssyncadd.s32 $0xFFFFC000  }
0x26d: {  	[hbm4b:s0+s1] =	stream.linear.scatter [tilespmem:s9], [sflag:$0x5], $0x4000, $0x38;
	[tilespmem:$0x12000] =	vst v63  }
0x26e: {  	_ =	swait.ge [sflag:s10], $0x4000  }
0x26f: {  	[sflag:s10] =	ssyncset.done $0x0  }
0x270: {  	s16 =	simm.s32 $0xF80;
	[sflag:s10] =	ssyncadd.s32 $0xFFFFC000  }
0x271: {  	[tilespmem:s5], [sflag:$0x4] =	stream.indirect.gather [spmem:s2], $0x80, s16, s4, $0xb8;
	[tilespmem:$0x12000] =	vst v63  }
0x272: {  	_ =	swait.ge [sflag:s12], $0x4000  }
0x273: {  	s16 =	sld [smem:$0x7E7]  }
0x274: {  	[sflag:s12] =	ssyncset.done $0x0  }
0x275: {  	[sflag:s12] =	ssyncadd.s32 $0xFFFFC000  }
0x276: {  	[hbm4b:s16+s1] =	stream.linear.scatter [tilespmem:s6], [sflag:$0x6], $0x4000, $0x38;
	[tilespmem:$0x12000] =	vst v63  }
0x277: {  	_ =	swait.ge [sflag:s13], $0x4000  }
0x278: {  	s16 =	sld [smem:$0x7E8]  }
0x279: {  	[sflag:s13] =	ssyncset.done $0x0  }
0x27a: {  	[sflag:s13] =	ssyncadd.s32 $0xFFFFC000  }
0x27b: {  	[hbm4b:s16+s1] =	stream.linear.scatter [tilespmem:s3], [sflag:$0x7], $0x4000, $0x38;
	[tilespmem:$0x12000] =	vst v63  }
0x27c: {  	_ =	swait.ge [sflag:s14], $0x4000  }
0x27d: {  	s16 =	sld [smem:$0x7E9]  }
0x27e: {  	[sflag:s14] =	ssyncset.done $0x0  }
0x27f: {  	[sflag:s14] =	ssyncadd.s32 $0xFFFFC000  }
0x280: {  	[hbm4b:s16+s1] =	stream.linear.scatter [tilespmem:s5], [sflag:$0x8], $0x4000, $0x38;
	[tilespmem:$0x12000] =	vst v63  }
0x281: {  	_ =	swait.ge [sflag:s7], $0x4000  }
0x282: {  	[sflag:s7] =	ssyncset.done $0x0  }
0x283: {  	[sflag:s7] =	ssyncadd.s32 $0xFFFFC000  }
0x284: {  	_ =	swait.ge [sflag:s8], $0x4000  }
0x285: {  	s31 =	sadd.s32 $0xFFFFFFFF, s31;
	[sflag:s8] =	ssyncset.done $0x0  }
0x286: {  	p2 =	sne.s32 s31, $0x0;
	[sflag:s8] =	ssyncadd.s32 $0xFFFFC000  }
.Ltmp2:
0x287: {  	_ =	swait.ge [sflag:s11], $0x4000;
	(pc) =	sbr.rel @p2 .LBB2_4-.Ltmp2, $4  }
0x288: {  	[sflag:s11] =	ssyncset.done $0x0  }
0x289: {  	[sflag:s11] =	ssyncadd.s32 $0xFFFFC000  }
0x28a: {  	_ =	swait.ge [sflag:s10], $0x4000  }
0x28b: {  	s0 =	rddreg [dreg:$0x4];
	[sflag:s10] =	ssyncset.done $0x0  }
0x28c: {  	s30 =	simm.s32 $0xF80;
	s29 =	rddreg [dreg:$0x3]  }
.LBB2_6:
0x28d: {  	[sflag:s10] =	ssyncadd.s32 @p1 $0xFFFFC000;
	s16 =	simm.s32 @!p0 $0x1C09  }
0x28e: {  	[spmem:s28], [sflag:s16] =	dma.local @!p0 [hbm:s0], $0x2000  }
0x28f: {  	s0 =	simm.s32 @!p0 $0x9  }
0x290: {  	_ =	swait.ge @!p0 [sflag:s0], $0x2000  }
0x291: {  	[sflag:s0] =	ssyncset.done @!p0 $0x0  }
0x292: {  	s31 =	rddreg [dreg:$0x5];
	[sflag:s0] =	ssyncadd.s32 @!p0 $0xFFFFE000  }
0x293: {  	[tilespmem:s1], [sflag:$0x9] =	stream.linear.gather [hbm4b:s31+s1], $0x1000, $0x38;
	[tilespmem:$0x12000] =	vst v63  }
0x294: {  	_ =	swait.ge [sflag:s26], $0x1000  }
0x295: {  	[sflag:s26] =	ssyncset.done $0x0  }
0x296: {  	[sflag:s26] =	ssyncadd.s32 $0xFFFFF000  }
0x297: {  	[bflag:$0x0] =	sbarrier.arrive $0xFFFF  }
0x298: {  	[tilespmem:s9], [sflag:$0x1] =	stream.indirect.gather [spmem:s2], $0x80, s1, s4, $0xb8;
	[tilespmem:$0x12000] =	vst v63  }
0x299: {  	s26 =	sld [smem:$0x7EA]  }
0x29a: {  	[tilespmem:s6], [sflag:$0x2] =	stream.indirect.gather [spmem:s2], $0x80, s4, s4, $0xb8;
	[tilespmem:$0x12000] =	vst v63  }
0x29b: {  	_ = 	snop  }
0x29c: {  	[tilespmem:s3], [sflag:$0x3] =	stream.indirect.gather [spmem:s2], $0x80, s26, s4, $0xb8;
	[tilespmem:$0x12000] =	vst v63  }
0x29d: {  	_ =	swait.ge [sflag:s15], $0x4000  }
0x29e: {  	s28 =	rddreg [dreg:$0x6];
	[sflag:s15] =	ssyncset.done $0x0  }
0x29f: {  	s31 =	sld [smem:$0x7EB];
	[sflag:s15] =	ssyncadd.s32 $0xFFFFC000  }
0x2a0: {  	[hbm4b:s28+s1] =	stream.linear.scatter [tilespmem:s9], [sflag:$0x5], $0x4000, $0x38;
	[tilespmem:$0x12000] =	vst v63  }
0x2a1: {  	_ = 	snop  }
0x2a2: {  	[tilespmem:s5], [sflag:$0x4] =	stream.indirect.gather [spmem:s2], $0x80, s31, s4, $0xb8;
	[tilespmem:$0x12000] =	vst v63  }
0x2a3: {  	_ =	swait.ge [sflag:s12], $0x4000  }
0x2a4: {  	[sflag:s12] =	ssyncset.done $0x0  }
0x2a5: {  	s16 =	rddreg [dreg:$0x7];
	[sflag:s12] =	ssyncadd.s32 $0xFFFFC000  }
0x2a6: {  	[hbm4b:s16+s1] =	stream.linear.scatter [tilespmem:s6], [sflag:$0x6], $0x4000, $0x38;
	[tilespmem:$0x12000] =	vst v63  }
0x2a7: {  	_ =	swait.ge [sflag:s7], $0x4000  }
0x2a8: {  	s26 =	sld [smem:$0x7EC]  }
0x2a9: {  	[sflag:s7] =	ssyncset.done $0x0  }
0x2aa: {  	[sflag:s7] =	ssyncadd.s32 $0xFFFFC000  }
0x2ab: {  	[tilespmem:s9], [sflag:$0x1] =	stream.indirect.gather [spmem:s2], $0x80, s26, s4, $0xb8;
	[tilespmem:$0x12000] =	vst v63  }
0x2ac: {  	_ =	swait.ge [sflag:s13], $0x4000  }
0x2ad: {  	[sflag:s13] =	ssyncset.done $0x0  }
0x2ae: {  	s28 =	rddreg [dreg:$0x8];
	[sflag:s13] =	ssyncadd.s32 $0xFFFFC000  }
0x2af: {  	[hbm4b:s28+s1] =	stream.linear.scatter [tilespmem:s3], [sflag:$0x7], $0x4000, $0x38;
	[tilespmem:$0x12000] =	vst v63  }
0x2b0: {  	_ =	swait.ge [sflag:s8], $0x4000  }
0x2b1: {  	s31 =	sld [smem:$0x7ED]  }
0x2b2: {  	[sflag:s8] =	ssyncset.done $0x0  }
0x2b3: {  	[sflag:s8] =	ssyncadd.s32 $0xFFFFC000  }
0x2b4: {  	[tilespmem:s6], [sflag:$0x2] =	stream.indirect.gather [spmem:s2], $0x80, s31, s4, $0xb8;
	[tilespmem:$0x12000] =	vst v63  }
0x2b5: {  	_ =	swait.ge [sflag:s14], $0x4000  }
0x2b6: {  	[sflag:s14] =	ssyncset.done $0x0  }
0x2b7: {  	s16 =	rddreg [dreg:$0x9];
	[sflag:s14] =	ssyncadd.s32 $0xFFFFC000  }
0x2b8: {  	[hbm4b:s16+s1] =	stream.linear.scatter [tilespmem:s5], [sflag:$0x8], $0x4000, $0x38;
	[tilespmem:$0x12000] =	vst v63  }
0x2b9: {  	_ =	swait.ge [sflag:s11], $0x4000  }
0x2ba: {  	s26 =	sld [smem:$0x7EE]  }
0x2bb: {  	[sflag:s11] =	ssyncset.done $0x0  }
0x2bc: {  	[sflag:s11] =	ssyncadd.s32 $0xFFFFC000  }
0x2bd: {  	[tilespmem:s3], [sflag:$0x3] =	stream.indirect.gather [spmem:s2], $0x80, s26, s4, $0xb8;
	[tilespmem:$0x12000] =	vst v63  }
0x2be: {  	_ =	swait.ge [sflag:s15], $0x4000  }
0x2bf: {  	[sflag:s15] =	ssyncset.done $0x0  }
0x2c0: {  	s28 =	rddreg [dreg:$0xa];
	[sflag:s15] =	ssyncadd.s32 $0xFFFFC000  }
0x2c1: {  	[hbm4b:s28+s1] =	stream.linear.scatter [tilespmem:s9], [sflag:$0x5], $0x4000, $0x38;
	[tilespmem:$0x12000] =	vst v63  }
0x2c2: {  	_ =	swait.ge [sflag:s10], $0x4000  }
0x2c3: {  	s31 =	sld [smem:$0x7EF]  }
0x2c4: {  	[sflag:s10] =	ssyncset.done $0x0  }
0x2c5: {  	[sflag:s10] =	ssyncadd.s32 $0xFFFFC000  }
0x2c6: {  	[tilespmem:s5], [sflag:$0x4] =	stream.indirect.gather [spmem:s2], $0x80, s31, s4, $0xb8;
	[tilespmem:$0x12000] =	vst v63  }
0x2c7: {  	_ =	swait.ge [sflag:s12], $0x4000  }
0x2c8: {  	[sflag:s12] =	ssyncset.done $0x0  }
0x2c9: {  	s16 =	rddreg [dreg:$0xb];
	[sflag:s12] =	ssyncadd.s32 $0xFFFFC000  }
0x2ca: {  	[hbm4b:s16+s1] =	stream.linear.scatter [tilespmem:s6], [sflag:$0x6], $0x4000, $0x38;
	[tilespmem:$0x12000] =	vst v63  }
0x2cb: {  	_ =	swait.ge [sflag:s7], $0x4000  }
0x2cc: {  	s26 =	sld [smem:$0x7F0]  }
0x2cd: {  	[sflag:s7] =	ssyncset.done $0x0  }
0x2ce: {  	[sflag:s7] =	ssyncadd.s32 $0xFFFFC000  }
0x2cf: {  	[tilespmem:s9], [sflag:$0x1] =	stream.indirect.gather [spmem:s2], $0x80, s26, s4, $0xb8;
	[tilespmem:$0x12000] =	vst v63  }
0x2d0: {  	_ =	swait.ge [sflag:s13], $0x4000  }
0x2d1: {  	[sflag:s13] =	ssyncset.done $0x0  }
0x2d2: {  	s28 =	rddreg [dreg:$0xc];
	[sflag:s13] =	ssyncadd.s32 $0xFFFFC000  }
0x2d3: {  	[hbm4b:s28+s1] =	stream.linear.scatter [tilespmem:s3], [sflag:$0x7], $0x4000, $0x38;
	[tilespmem:$0x12000] =	vst v63  }
0x2d4: {  	_ =	swait.ge [sflag:s8], $0x4000  }
0x2d5: {  	s31 =	sld [smem:$0x7F1]  }
0x2d6: {  	[sflag:s8] =	ssyncset.done $0x0  }
0x2d7: {  	[sflag:s8] =	ssyncadd.s32 $0xFFFFC000  }
0x2d8: {  	[tilespmem:s6], [sflag:$0x2] =	stream.indirect.gather [spmem:s2], $0x80, s31, s4, $0xb8;
	[tilespmem:$0x12000] =	vst v63  }
0x2d9: {  	_ =	swait.ge [sflag:s14], $0x4000  }
0x2da: {  	[sflag:s14] =	ssyncset.done $0x0  }
0x2db: {  	s16 =	rddreg [dreg:$0xd];
	[sflag:s14] =	ssyncadd.s32 $0xFFFFC000  }
0x2dc: {  	[hbm4b:s16+s1] =	stream.linear.scatter [tilespmem:s5], [sflag:$0x8], $0x4000, $0x38;
	[tilespmem:$0x12000] =	vst v63  }
0x2dd: {  	_ =	swait.ge [sflag:s11], $0x4000  }
0x2de: {  	s26 =	sld [smem:$0x7F2]  }
0x2df: {  	[sflag:s11] =	ssyncset.done $0x0  }
0x2e0: {  	[sflag:s11] =	ssyncadd.s32 $0xFFFFC000  }
0x2e1: {  	[tilespmem:s3], [sflag:$0x3] =	stream.indirect.gather [spmem:s2], $0x80, s26, s4, $0xb8;
	[tilespmem:$0x12000] =	vst v63  }
0x2e2: {  	_ =	swait.ge [sflag:s15], $0x4000  }
0x2e3: {  	[sflag:s15] =	ssyncset.done $0x0  }
0x2e4: {  	s28 =	rddreg [dreg:$0xe];
	[sflag:s15] =	ssyncadd.s32 $0xFFFFC000  }
0x2e5: {  	[hbm4b:s28+s1] =	stream.linear.scatter [tilespmem:s9], [sflag:$0x5], $0x4000, $0x38;
	[tilespmem:$0x12000] =	vst v63  }
0x2e6: {  	_ =	swait.ge [sflag:s10], $0x4000  }
0x2e7: {  	s31 =	sld [smem:$0x7F3]  }
0x2e8: {  	[sflag:s10] =	ssyncset.done $0x0  }
0x2e9: {  	[sflag:s10] =	ssyncadd.s32 $0xFFFFC000  }
0x2ea: {  	[tilespmem:s5], [sflag:$0x4] =	stream.indirect.gather [spmem:s2], $0x80, s31, s4, $0xb8;
	[tilespmem:$0x12000] =	vst v63  }
0x2eb: {  	_ =	swait.ge [sflag:s12], $0x4000  }
0x2ec: {  	[sflag:s12] =	ssyncset.done $0x0  }
0x2ed: {  	s16 =	rddreg [dreg:$0xf];
	[sflag:s12] =	ssyncadd.s32 $0xFFFFC000  }
0x2ee: {  	[hbm4b:s16+s1] =	stream.linear.scatter [tilespmem:s6], [sflag:$0x6], $0x4000, $0x38;
	[tilespmem:$0x12000] =	vst v63  }
0x2ef: {  	_ =	swait.ge [sflag:s7], $0x4000  }
0x2f0: {  	s26 =	sld [smem:$0x7F4]  }
0x2f1: {  	[sflag:s7] =	ssyncset.done $0x0  }
0x2f2: {  	[sflag:s7] =	ssyncadd.s32 $0xFFFFC000  }
0x2f3: {  	[tilespmem:s9], [sflag:$0x1] =	stream.indirect.gather [spmem:s2], $0x80, s26, s4, $0xb8;
	[tilespmem:$0x12000] =	vst v63  }
0x2f4: {  	_ =	swait.ge [sflag:s13], $0x4000  }
0x2f5: {  	[sflag:s13] =	ssyncset.done $0x0  }
0x2f6: {  	s28 =	rddreg [dreg:$0x10];
	[sflag:s13] =	ssyncadd.s32 $0xFFFFC000  }
0x2f7: {  	[hbm4b:s28+s1] =	stream.linear.scatter [tilespmem:s3], [sflag:$0x7], $0x4000, $0x38;
	[tilespmem:$0x12000] =	vst v63  }
0x2f8: {  	_ =	swait.ge [sflag:s8], $0x4000  }
0x2f9: {  	s31 =	sld [smem:$0x7F5]  }
0x2fa: {  	[sflag:s8] =	ssyncset.done $0x0  }
0x2fb: {  	[sflag:s8] =	ssyncadd.s32 $0xFFFFC000  }
0x2fc: {  	[tilespmem:s6], [sflag:$0x2] =	stream.indirect.gather [spmem:s2], $0x80, s31, s4, $0xb8;
	[tilespmem:$0x12000] =	vst v63  }
0x2fd: {  	_ =	swait.ge [sflag:s14], $0x4000  }
0x2fe: {  	[sflag:s14] =	ssyncset.done $0x0  }
0x2ff: {  	s16 =	rddreg [dreg:$0x11];
	[sflag:s14] =	ssyncadd.s32 $0xFFFFC000  }
0x300: {  	[hbm4b:s16+s1] =	stream.linear.scatter [tilespmem:s5], [sflag:$0x8], $0x4000, $0x38;
	[tilespmem:$0x12000] =	vst v63  }
0x301: {  	_ =	swait.ge [sflag:s11], $0x4000  }
0x302: {  	s26 =	sld [smem:$0x7F6]  }
0x303: {  	[sflag:s11] =	ssyncset.done $0x0  }
0x304: {  	[sflag:s11] =	ssyncadd.s32 $0xFFFFC000  }
0x305: {  	[tilespmem:s3], [sflag:$0x3] =	stream.indirect.gather [spmem:s2], $0x80, s26, s4, $0xb8;
	[tilespmem:$0x12000] =	vst v63  }
0x306: {  	_ =	swait.ge [sflag:s15], $0x4000  }
0x307: {  	[sflag:s15] =	ssyncset.done $0x0  }
0x308: {  	s28 =	rddreg [dreg:$0x12];
	[sflag:s15] =	ssyncadd.s32 $0xFFFFC000  }
0x309: {  	[hbm4b:s28+s1] =	stream.linear.scatter [tilespmem:s9], [sflag:$0x5], $0x4000, $0x38;
	[tilespmem:$0x12000] =	vst v63  }
0x30a: {  	_ =	swait.ge [sflag:s10], $0x4000  }
0x30b: {  	s31 =	sld [smem:$0x7F7]  }
0x30c: {  	[sflag:s10] =	ssyncset.done $0x0  }
0x30d: {  	[sflag:s10] =	ssyncadd.s32 $0xFFFFC000  }
0x30e: {  	[tilespmem:s5], [sflag:$0x4] =	stream.indirect.gather [spmem:s2], $0x80, s31, s4, $0xb8;
	[tilespmem:$0x12000] =	vst v63  }
0x30f: {  	_ =	swait.ge [sflag:s12], $0x4000  }
0x310: {  	[sflag:s12] =	ssyncset.done $0x0  }
0x311: {  	s16 =	rddreg [dreg:$0x13];
	[sflag:s12] =	ssyncadd.s32 $0xFFFFC000  }
0x312: {  	[hbm4b:s16+s1] =	stream.linear.scatter [tilespmem:s6], [sflag:$0x6], $0x4000, $0x38;
	[tilespmem:$0x12000] =	vst v63  }
0x313: {  	_ =	swait.ge [sflag:s7], $0x4000  }
0x314: {  	s26 =	sld [smem:$0x7F8]  }
0x315: {  	[sflag:s7] =	ssyncset.done $0x0  }
0x316: {  	[sflag:s7] =	ssyncadd.s32 $0xFFFFC000  }
0x317: {  	[tilespmem:s9], [sflag:$0x1] =	stream.indirect.gather [spmem:s2], $0x80, s26, s4, $0xb8;
	[tilespmem:$0x12000] =	vst v63  }
0x318: {  	_ =	swait.ge [sflag:s13], $0x4000  }
0x319: {  	[sflag:s13] =	ssyncset.done $0x0  }
0x31a: {  	s28 =	rddreg [dreg:$0x14];
	[sflag:s13] =	ssyncadd.s32 $0xFFFFC000  }
0x31b: {  	[hbm4b:s28+s1] =	stream.linear.scatter [tilespmem:s3], [sflag:$0x7], $0x4000, $0x38;
	[tilespmem:$0x12000] =	vst v63  }
0x31c: {  	_ =	swait.ge [sflag:s8], $0x4000  }
0x31d: {  	s31 =	sld [smem:$0x7F9]  }
0x31e: {  	[sflag:s8] =	ssyncset.done $0x0  }
0x31f: {  	[sflag:s8] =	ssyncadd.s32 $0xFFFFC000  }
0x320: {  	[tilespmem:s6], [sflag:$0x2] =	stream.indirect.gather [spmem:s2], $0x80, s31, s4, $0xb8;
	[tilespmem:$0x12000] =	vst v63  }
0x321: {  	_ =	swait.ge [sflag:s14], $0x4000  }
0x322: {  	[sflag:s14] =	ssyncset.done $0x0  }
0x323: {  	s16 =	rddreg [dreg:$0x15];
	[sflag:s14] =	ssyncadd.s32 $0xFFFFC000  }
0x324: {  	[hbm4b:s16+s1] =	stream.linear.scatter [tilespmem:s5], [sflag:$0x8], $0x4000, $0x38;
	[tilespmem:$0x12000] =	vst v63  }
0x325: {  	_ =	swait.ge [sflag:s11], $0x4000  }
0x326: {  	s26 =	sld [smem:$0x7FA]  }
0x327: {  	[sflag:s11] =	ssyncset.done $0x0  }
0x328: {  	[sflag:s11] =	ssyncadd.s32 $0xFFFFC000  }
0x329: {  	[tilespmem:s3], [sflag:$0x3] =	stream.indirect.gather [spmem:s2], $0x80, s26, s4, $0xb8;
	[tilespmem:$0x12000] =	vst v63  }
0x32a: {  	_ =	swait.ge [sflag:s15], $0x4000  }
0x32b: {  	[sflag:s15] =	ssyncset.done $0x0  }
0x32c: {  	s28 =	rddreg [dreg:$0x16];
	[sflag:s15] =	ssyncadd.s32 $0xFFFFC000  }
0x32d: {  	[hbm4b:s28+s1] =	stream.linear.scatter [tilespmem:s9], [sflag:$0x5], $0x4000, $0x38;
	[tilespmem:$0x12000] =	vst v63  }
0x32e: {  	_ =	swait.ge [sflag:s10], $0x4000  }
0x32f: {  	s31 =	sld [smem:$0x7FB]  }
0x330: {  	[sflag:s10] =	ssyncset.done $0x0  }
0x331: {  	[sflag:s10] =	ssyncadd.s32 $0xFFFFC000  }
0x332: {  	[tilespmem:s5], [sflag:$0x4] =	stream.indirect.gather [spmem:s2], $0x80, s31, s4, $0xb8;
	[tilespmem:$0x12000] =	vst v63  }
0x333: {  	_ =	swait.ge [sflag:s12], $0x4000  }
0x334: {  	[sflag:s12] =	ssyncset.done $0x0  }
0x335: {  	s16 =	rddreg [dreg:$0x17];
	[sflag:s12] =	ssyncadd.s32 $0xFFFFC000  }
0x336: {  	[hbm4b:s16+s1] =	stream.linear.scatter [tilespmem:s6], [sflag:$0x6], $0x4000, $0x38;
	[tilespmem:$0x12000] =	vst v63  }
0x337: {  	_ =	swait.ge [sflag:s7], $0x4000  }
0x338: {  	s26 =	sld [smem:$0x7FC]  }
0x339: {  	[sflag:s7] =	ssyncset.done $0x0  }
0x33a: {  	[sflag:s7] =	ssyncadd.s32 $0xFFFFC000  }
0x33b: {  	[tilespmem:s9], [sflag:$0x1] =	stream.indirect.gather [spmem:s2], $0x80, s26, s4, $0xb8;
	[tilespmem:$0x12000] =	vst v63  }
0x33c: {  	_ =	swait.ge [sflag:s13], $0x4000  }
0x33d: {  	[sflag:s13] =	ssyncset.done $0x0  }
0x33e: {  	s28 =	rddreg [dreg:$0x18];
	[sflag:s13] =	ssyncadd.s32 $0xFFFFC000  }
0x33f: {  	[hbm4b:s28+s1] =	stream.linear.scatter [tilespmem:s3], [sflag:$0x7], $0x4000, $0x38;
	[tilespmem:$0x12000] =	vst v63  }
0x340: {  	_ =	swait.ge [sflag:s8], $0x4000  }
0x341: {  	s31 =	sld [smem:$0x7FD]  }
0x342: {  	[sflag:s8] =	ssyncset.done $0x0  }
0x343: {  	[sflag:s8] =	ssyncadd.s32 $0xFFFFC000  }
0x344: {  	[tilespmem:s6], [sflag:$0x2] =	stream.indirect.gather [spmem:s2], $0x80, s31, s4, $0xb8;
	[tilespmem:$0x12000] =	vst v63  }
0x345: {  	_ =	swait.ge [sflag:s14], $0x4000  }
0x346: {  	[sflag:s14] =	ssyncset.done $0x0  }
0x347: {  	s16 =	rddreg [dreg:$0x19];
	[sflag:s14] =	ssyncadd.s32 $0xFFFFC000  }
0x348: {  	[hbm4b:s16+s1] =	stream.linear.scatter [tilespmem:s5], [sflag:$0x8], $0x4000, $0x38;
	[tilespmem:$0x12000] =	vst v63  }
0x349: {  	_ =	swait.ge [sflag:s11], $0x4000  }
0x34a: {  	[sflag:s11] =	ssyncset.done $0x0  }
0x34b: {  	[sflag:s11] =	ssyncadd.s32 $0xFFFFC000  }
0x34c: {  	[tilespmem:s3], [sflag:$0x3] =	stream.indirect.gather [spmem:s2], $0x80, s25, s4, $0xb8;
	[tilespmem:$0x12000] =	vst v63  }
0x34d: {  	_ =	swait.ge [sflag:s15], $0x4000  }
0x34e: {  	[sflag:s15] =	ssyncset.done $0x0  }
0x34f: {  	s26 =	rddreg [dreg:$0x1a];
	[sflag:s15] =	ssyncadd.s32 $0xFFFFC000  }
0x350: {  	[hbm4b:s26+s1] =	stream.linear.scatter [tilespmem:s9], [sflag:$0x5], $0x4000, $0x38;
	[tilespmem:$0x12000] =	vst v63  }
0x351: {  	_ =	swait.ge [sflag:s10], $0x4000  }
0x352: {  	[sflag:s10] =	ssyncset.done $0x0  }
0x353: {  	[sflag:s10] =	ssyncadd.s32 $0xFFFFC000  }
0x354: {  	[tilespmem:s5], [sflag:$0x4] =	stream.indirect.gather [spmem:s2], $0x80, s24, s4, $0xb8;
	[tilespmem:$0x12000] =	vst v63  }
0x355: {  	_ =	swait.ge [sflag:s12], $0x4000  }
0x356: {  	[sflag:s12] =	ssyncset.done $0x0  }
0x357: {  	s28 =	rddreg [dreg:$0x1b];
	[sflag:s12] =	ssyncadd.s32 $0xFFFFC000  }
0x358: {  	[hbm4b:s28+s1] =	stream.linear.scatter [tilespmem:s6], [sflag:$0x6], $0x4000, $0x38;
	[tilespmem:$0x12000] =	vst v63  }
0x359: {  	_ =	swait.ge [sflag:s7], $0x4000  }
0x35a: {  	[sflag:s7] =	ssyncset.done $0x0  }
0x35b: {  	[sflag:s7] =	ssyncadd.s32 $0xFFFFC000  }
0x35c: {  	[tilespmem:s9], [sflag:$0x1] =	stream.indirect.gather [spmem:s2], $0x80, s23, s4, $0xb8;
	[tilespmem:$0x12000] =	vst v63  }
0x35d: {  	_ =	swait.ge [sflag:s13], $0x4000  }
0x35e: {  	[sflag:s13] =	ssyncset.done $0x0  }
0x35f: {  	s31 =	rddreg [dreg:$0x1c];
	[sflag:s13] =	ssyncadd.s32 $0xFFFFC000  }
0x360: {  	[hbm4b:s31+s1] =	stream.linear.scatter [tilespmem:s3], [sflag:$0x7], $0x4000, $0x38;
	[tilespmem:$0x12000] =	vst v63  }
0x361: {  	_ =	swait.ge [sflag:s8], $0x4000  }
0x362: {  	[sflag:s8] =	ssyncset.done $0x0  }
0x363: {  	[sflag:s8] =	ssyncadd.s32 $0xFFFFC000  }
0x364: {  	[tilespmem:s6], [sflag:$0x2] =	stream.indirect.gather [spmem:s2], $0x80, s22, s4, $0xb8;
	[tilespmem:$0x12000] =	vst v63  }
0x365: {  	_ =	swait.ge [sflag:s14], $0x4000  }
0x366: {  	[sflag:s14] =	ssyncset.done $0x0  }
0x367: {  	s16 =	rddreg [dreg:$0x1d];
	[sflag:s14] =	ssyncadd.s32 $0xFFFFC000  }
0x368: {  	[hbm4b:s16+s1] =	stream.linear.scatter [tilespmem:s5], [sflag:$0x8], $0x4000, $0x38;
	[tilespmem:$0x12000] =	vst v63  }
0x369: {  	_ =	swait.ge [sflag:s11], $0x4000  }
0x36a: {  	[sflag:s11] =	ssyncset.done $0x0  }
0x36b: {  	[sflag:s11] =	ssyncadd.s32 $0xFFFFC000  }
0x36c: {  	[tilespmem:s3], [sflag:$0x3] =	stream.indirect.gather [spmem:s2], $0x80, s21, s4, $0xb8;
	[tilespmem:$0x12000] =	vst v63  }
0x36d: {  	_ =	swait.ge [sflag:s15], $0x4000  }
0x36e: {  	[sflag:s15] =	ssyncset.done $0x0  }
0x36f: {  	s22 =	rddreg [dreg:$0x1e];
	[sflag:s15] =	ssyncadd.s32 $0xFFFFC000  }
0x370: {  	[hbm4b:s22+s1] =	stream.linear.scatter [tilespmem:s9], [sflag:$0x5], $0x4000, $0x38;
	[tilespmem:$0x12000] =	vst v63  }
0x371: {  	_ =	swait.ge [sflag:s10], $0x4000  }
0x372: {  	[sflag:s10] =	ssyncset.done $0x0  }
0x373: {  	[sflag:s10] =	ssyncadd.s32 $0xFFFFC000  }
0x374: {  	[tilespmem:s5], [sflag:$0x4] =	stream.indirect.gather [spmem:s2], $0x80, s20, s4, $0xb8;
	[tilespmem:$0x12000] =	vst v63  }
0x375: {  	_ =	swait.ge [sflag:s12], $0x4000  }
0x376: {  	[sflag:s12] =	ssyncset.done $0x0  }
0x377: {  	s23 =	rddreg [dreg:$0x1f];
	[sflag:s12] =	ssyncadd.s32 $0xFFFFC000  }
0x378: {  	[hbm4b:s23+s1] =	stream.linear.scatter [tilespmem:s6], [sflag:$0x6], $0x4000, $0x38;
	[tilespmem:$0x12000] =	vst v63  }
0x379: {  	_ =	swait.ge [sflag:s7], $0x4000  }
0x37a: {  	[sflag:s7] =	ssyncset.done $0x0  }
0x37b: {  	[sflag:s7] =	ssyncadd.s32 $0xFFFFC000  }
0x37c: {  	[tilespmem:s9], [sflag:$0x1] =	stream.indirect.gather [spmem:s2], $0x80, s19, s4, $0xb8;
	[tilespmem:$0x12000] =	vst v63  }
0x37d: {  	_ =	swait.ge [sflag:s13], $0x4000  }
0x37e: {  	s24 =	sld [smem:$0x7E4]  }
0x37f: {  	[sflag:s13] =	ssyncset.done $0x0  }
0x380: {  	[sflag:s13] =	ssyncadd.s32 $0xFFFFC000  }
0x381: {  	[hbm4b:s24+s1] =	stream.linear.scatter [tilespmem:s3], [sflag:$0x7], $0x4000, $0x38;
	[tilespmem:$0x12000] =	vst v63  }
0x382: {  	_ =	swait.ge [sflag:s8], $0x4000  }
0x383: {  	[sflag:s8] =	ssyncset.done $0x0  }
0x384: {  	[sflag:s8] =	ssyncadd.s32 $0xFFFFC000  }
0x385: {  	[tilespmem:s6], [sflag:$0x2] =	stream.indirect.gather [spmem:s2], $0x80, s18, s4, $0xb8;
	[tilespmem:$0x12000] =	vst v63  }
0x386: {  	_ =	swait.ge [sflag:s14], $0x4000  }
0x387: {  	s25 =	sld [smem:$0x7E5]  }
0x388: {  	[sflag:s14] =	ssyncset.done $0x0  }
0x389: {  	[sflag:s14] =	ssyncadd.s32 $0xFFFFC000  }
0x38a: {  	[hbm4b:s25+s1] =	stream.linear.scatter [tilespmem:s5], [sflag:$0x8], $0x4000, $0x38;
	[tilespmem:$0x12000] =	vst v63  }
0x38b: {  	_ =	swait.ge [sflag:s11], $0x4000  }
0x38c: {  	[sflag:s11] =	ssyncset.done $0x0  }
0x38d: {  	[sflag:s11] =	ssyncadd.s32 $0xFFFFC000  }
0x38e: {  	[tilespmem:s3], [sflag:$0x3] =	stream.indirect.gather [spmem:s2], $0x80, s17, s4, $0xb8;
	[tilespmem:$0x12000] =	vst v63  }
0x38f: {  	_ =	swait.ge [sflag:s15], $0x4000  }
0x390: {  	s26 =	sld [smem:$0x7E6]  }
0x391: {  	[sflag:s15] =	ssyncset.done $0x0  }
0x392: {  	[sflag:s15] =	ssyncadd.s32 $0xFFFFC000  }
0x393: {  	[hbm4b:s26+s1] =	stream.linear.scatter [tilespmem:s9], [sflag:$0x5], $0x4000, $0x38;
	[tilespmem:$0x12000] =	vst v63  }
0x394: {  	_ =	swait.ge [sflag:s10], $0x4000  }
0x395: {  	[sflag:s10] =	ssyncset.done $0x0  }
0x396: {  	[sflag:s10] =	ssyncadd.s32 $0xFFFFC000  }
0x397: {  	[tilespmem:s5], [sflag:$0x4] =	stream.indirect.gather [spmem:s2], $0x80, s30, s4, $0xb8;
	[tilespmem:$0x12000] =	vst v63  }
0x398: {  	_ =	swait.ge [sflag:s12], $0x4000  }
0x399: {  	s28 =	sld [smem:$0x7E7]  }
0x39a: {  	[sflag:s12] =	ssyncset.done $0x0  }
0x39b: {  	[sflag:s12] =	ssyncadd.s32 $0xFFFFC000  }
0x39c: {  	[hbm4b:s28+s1] =	stream.linear.scatter [tilespmem:s6], [sflag:$0x6], $0x4000, $0x38;
	[tilespmem:$0x12000] =	vst v63  }
0x39d: {  	_ =	swait.ge [sflag:s13], $0x4000  }
0x39e: {  	s30 =	sld [smem:$0x7E8]  }
0x39f: {  	[sflag:s13] =	ssyncset.done $0x0  }
0x3a0: {  	[sflag:s13] =	ssyncadd.s32 $0xFFFFC000  }
0x3a1: {  	[hbm4b:s30+s1] =	stream.linear.scatter [tilespmem:s3], [sflag:$0x7], $0x4000, $0x38;
	[tilespmem:$0x12000] =	vst v63  }
0x3a2: {  	_ =	swait.ge [sflag:s14], $0x4000  }
0x3a3: {  	s31 =	sld [smem:$0x7E9]  }
0x3a4: {  	[sflag:s14] =	ssyncset.done $0x0  }
0x3a5: {  	[sflag:s14] =	ssyncadd.s32 $0xFFFFC000  }
0x3a6: {  	[hbm4b:s31+s1] =	stream.linear.scatter [tilespmem:s5], [sflag:$0x8], $0x4000, $0x38;
	[tilespmem:$0x12000] =	vst v63  }
0x3a7: {  	_ =	swait.ge [sflag:s7], $0x4000  }
0x3a8: {  	[sflag:s7] =	ssyncset.done $0x0  }
0x3a9: {  	[sflag:s7] =	ssyncadd.s32 $0xFFFFC000  }
0x3aa: {  	_ =	swait.ge [sflag:s8], $0x4000  }
0x3ab: {  	[sflag:s8] =	ssyncset.done $0x0  }
0x3ac: {  	[sflag:s8] =	ssyncadd.s32 $0xFFFFC000  }
0x3ad: {  	_ =	swait.ge [sflag:s11], $0x4000  }
0x3ae: {  	[sflag:s11] =	ssyncset.done $0x0  }
0x3af: {  	[sflag:s11] =	ssyncadd.s32 $0xFFFFC000  }
0x3b0: {  	_ =	swait.ge [sflag:s10], $0x4000  }
0x3b1: {  	[sflag:s10] =	ssyncset.done $0x0  }
0x3b2: {  	[sflag:s10] =	ssyncadd.s32 $0xFFFFC000  }
0x3b3: {  	_ =	sfence.sel $0x180000  }
0x3b4: {  	[bflag:$0x0] =	sbarrier.arrive $0xFFFF  }
0x3b5: {  	_ =	strace $0x90000047  }
0x3b6: {  	s0 =	sadd.s32 @!p0 $0x100000, s29;
	[bflag:$0x2] =	sbarrier.arrive $0xFFFF  }
0x3b7: {  	[sflag:s0] =	ssyncadd.tile.s32 @!p0 $0x1;
	_ =	shalt  }
.LBB2_1:
.Ltmp3:
0x3b8: {  	(pc) =	sbr.rel .LBB2_6-.Ltmp3, $2  }
0x3b9: {  	_ =	sdelay $0x2  }
0x3ba: {  	s30 =	simm.s32 $0xF80  }
.LBB2_3:
.Ltmp4:
0x3bb: {  	(pc) =	sbr.rel .LBB2_6-.Ltmp4, $2  }
0x3bc: {  	_ =	sdelay $0x2  }
0x3bd: {  	s30 =	simm.s32 $0xF80;
	s29 =	rddreg [dreg:$0x3]  }
.Lfunc_end2:
_tile_overlayer_lowered:
.L_overlay_start_2:
0x3be: {  	(tag) =	ssettag $0x2  }
0x3bf: {  	s0 =	rddreg [dreg:$0x0];
	s2 =	stileid.u32  }
0x3c0: {  	s1 =	rddreg [dreg:$0x1];
	p0 =	sne.s32 s2, $0x0  }
0x3c1: {  	s3 =	rddreg [dreg:$0x2];
	[bflag:$0x3] =	sbarrier.arrive $0xFFFF;
	s2 =	simm.s32 @!p0 $0x1C09  }
0x3c2: {  	[timem:s3], [sflag:s2] =	dma.local @!p0 [hbm:s0], s1  }
0x3c3: {  	s0 =	simm.s32 @!p0 $0x9  }
0x3c4: {  	_ =	swait.ge @!p0 [sflag:s0], s1  }
0x3c5: {  	s1 =	ssub.s32 @!p0 $0x0, s1;
	[sflag:s0] =	ssyncset.done @!p0 $0x0  }
0x3c6: {  	[sflag:s0] =	ssyncadd.s32 @!p0 s1  }
0x3c7: {  	[bflag:$0x3] =	sbarrier.arrive $0xFFFF  }
0x3c8: {  	_ =	shalt  }

// kernel: sparse-core-data-format-call.cloned.1.call-start
scs
called_computation_lowered:
.L_overlay_start_0:
0x0: {  	s2 =	sld [smem:$0x3FD9]  }
0x1: {  	s3 =	sld [smem:$0x3FFE];
	_ =	sdelay $0x1  }
0x2: {  	s1 =	srdreg.scid  }
0x3: {  	s0 =	sand.u32 $0x1, s1  }
0x4: {  	s15 =	sshll.u32 s0, $0xA;
	s2 =	sadd.s32 s3, s2  }
0x5: {  	s2 =	sadd.s32 s2, s15  }
0x6: {  	[smem:$0x3FC2] =	sst s2  }
0x7: {  	_ = 	snop  }
0x8: {  	s2 =	sld [smem:$0x3FD0];
	_ =	sdelay $0x2  }
0x9: {  	s16 =	simm.s32 $0xA;
	s4 =	simm.s32 $0x10  }
0xa: {  	[smem:s4], [sflag:s16] =	dma.local [hbm:s2], $0x1  }
0xb: {  	_ =	swait.eq [sflag:s16], $0x1  }
0xc: {  	[sflag:s16] =	ssyncset.done $0x0  }
0xd: {  	[sflag:s16] =	ssyncadd.s32 $0xFFFFFFFF  }
0xe: {  	s17 =	sld [smem:$0x10];
	(tm) =	ssettm $0x1  }
0xf: {  	s18 =	sld [smem:$0x3FFB];
	_ =	sdelay $0x3  }
0x10: {  	_ =	strace s18  }
0x11: {  	s3 =	sld [smem:$0x3FFC];
	_ =	sdelay $0x3  }
0x12: {  	_ =	strace s3  }
0x13: {  	s3 =	sld [smem:$0x3FFD];
	_ =	sdelay $0x3  }
0x14: {  	_ =	strace s3  }
0x15: {  	_ =	strace $0x8FFFFFFF  }
0x16: {  	s19 =	sld [smem:$0x3FDB];
	_ =	sdelay $0x1  }
0x17: {  	s20 =	simm.s32 $_scs_section_size  }
0x18: {  	s5 =	simm.s32 $_size__tile_overlayer_lowered;
	s6 =	simm.s32 $_tile_overlayer_lowered  }
0x19: {  	s23 =	simm.s32 $0x1BFF;
	s22 =	sshll.u32 s6, $0x1;
	s3 =	sadd.s32 s20, s19  }
0x1a: {  	s7 =	simm.s32 $0x0;
	s21 =	sshll.u32 s5, $0x1;
	s5 =	sadd.s32 s22, s3  }
0x1b: {  	[timem:s7], [sflag:s23] =	dma.local [hbm:s5], s21  }
0x1c: {  	_ =	swait.ge [sflag:s23], s21  }
0x1d: {  	s4 =	ssub.s32 $0x0, s21;
	[sflag:s23] =	ssyncset.done $0x0  }
0x1e: {  	[sflag:s23] =	ssyncadd.s32 s4;
	_ =	sdelay $0x1  }
0x1f: {  	s24 =	simm.s32 $0x1B8B  }
0x20: {  	_ =	swait.ge [sflag:s24], $0x1  }
0x21: {  	[sflag:s24] =	ssyncset.done $0x0  }
0x22: {  	s26 =	simm.s32 $0x1B8E;
	s25 =	sld [smem:$0x3FFE];
	[sflag:s24] =	ssyncadd.s32 $0xFFFFFFFF  }
0x23: {  	s27 =	simm.s32 $execute0_lowered;
	[smem:$0x3FD2] =	sst s26  }
0x24: {  	s5 =	sshll.u32 s27, $0x1;
	_ =	strace $0x80000049;
	[dreg:$0x1] =	wrdreg $0xFFFFFFFF  }
0x25: {  	s28 =	simm.s32 $_size_execute0_lowered;
	s3 =	sadd.s32 s3, s5;
	[dreg:$0x0] =	wrdreg $0x0  }
0x26: {  	s5 =	sshll.u32 s28, $0x1;
	[dreg:$0x2] =	wrdreg s3  }
0x27: {  	[dreg:$0x3] =	wrdreg s5  }
0x28: {  	[dreg:$0x4] =	wrdreg $0xC0  }
0x29: {  	_ =	task [dreg:s7], $0x5FFFF  }
0x2a: {  	[dreg:$0x1] =	wrdreg $0xFFFFFFFF  }
0x2b: {  	[dreg:$0x0] =	wrdreg $0x60  }
0x2c: {  	[dreg:$0x2] =	wrdreg s25  }
0x2d: {  	[dreg:$0x3] =	wrdreg s17  }
0x2e: {  	[dreg:$0x4] =	wrdreg $0x9  }
0x2f: {  	_ =	task.clear_ibuf [dreg:s7], $0x5FFFF;
	_ =	strace $0x90000049  }
0x30: {  	s29 =	simm.s32 $0x9;
	_ =	strace $0x8000004B  }
0x31: {  	_ =	swait.ge [sflag:s29], $0x1  }
0x32: {  	[sflag:s29] =	ssyncadd.s32 $0xFFFFFFFF  }
0x33: {  	_ =	strace $0x9000004B  }
0x34: {  	_ =	sfence  }
0x35: {  	s30 =	sld [smem:$0x0];
	_ =	sdelay $0x2  }
0x36: {  	s31 =	sshll.u32 s1, $0xD;
	s1 =	sshrl.u32 s1, $0x2  }
0x37: {  	s3 =	sand.u32 $0x4000, s31;
	s1 =	sadd.s32 s1, s30  }
0x38: {  	s0 =	sor.u32 s3, s0;
	s1 =	sshll.u32 s1, $0x11  }
0x39: {  	s0 =	sor.u32 s1, s0  }
0x3a: {  	s0 =	sadd.s32 $0x8F2B, s0  }
0x3b: {  	[sflag:s0] =	ssyncadd.remote.s32 $0x1  }
0x3c: {  	_ =	sfence.sel $0xFFFF  }
0x3d: {  	[dreg:$0x0] =	wrdreg $0xFFFFFFFF;
	(pc) =	sbr.abs _section_cstart, $3  }
0x3e: {  	[dreg:$0x1] =	wrdreg $0xFFFFFFFF  }
0x3f: {  	_ =	task.clear_ibuf [dreg:s7], $0x2FFFF;
	_ =	strace $0x9FFFFFFF  }
0x40: {  	(tm) =	ssettm $0x7FFFFFFF  }
0x41: {  	_ =	shalt  }
tec
execute0_lowered:
.L_overlay_start_1:
0x0: {  	(tag) =	ssettag $0x1  }
0x1: {  	s1 =	rddreg [dreg:$0x0]  }
0x2: {  	s2 =	rddreg [dreg:$0x1]  }
0x3: {  	s0 =	rddreg [dreg:$0x2]  }
0x4: {  	s4 =	srdreg.scid;
	_ =	strace $0x8000004A;
	s6 =	simm.s32 $0x2  }
0x5: {  	s12 =	simm.s32 $0x0;
	p0 =	por $0x0, $0x0;
	s13 =	simm.s32 $0x0  }
.Ltmp0:
0x6: {  	s8 =	simm.s32 $0x0;
	s9 =	simm.s32 $0x0;
	(pc) =	sbr.rel .LBB1_1-.Ltmp0, $4  }
0x7: {  	s10 =	simm.s32 $0x0;
	s3 =	sadd.s32 $0x3000, s1;
	s4 =	sshll.u32 s4, $0x4  }
0x8: {  	s1 =	stileid.u32;
	s5 =	sand.u32 $0x10, s4;
	s4 =	simm.s32 $0x1  }
0x9: {  	s7 =	simm.s32 $0x0;
	s5 =	sor.u32 s1, s5;
	[sflag:s4] =	ssyncpa.u1 $0x0  }
0xa: {  	[sflag:s6] =	ssyncpa.u1 $0x0;
	s6 =	simm.s32 $0x2000;
	s11 =	smov.u32 s5  }
.LBB1_5:
0xb: {  	p1 =	slt.u32 s7, $0x2  }
0xc: {  	s15 =	smov.u32 s13;
	p2 =	sgt.s32 @!p1 s13, $0x7F;
	s14 =	sshra.s32 @!p1 s13, $0x1F  }
0xd: {  	p3 =	sgt.s32 @!p1 s12, $0x380;
	s16 =	sshra.s32 @!p1 s12, $0x1F;
	p2 =	por !p2, p1  }
0xe: {  	s13 =	sand.u32 @!p1 s14, s13;
	p3 =	por !p3, p1;
	s14 =	smov.u32 s12  }
0xf: {  	s12 =	sand.u32 @!p1 s16, s12;
	s15 =	simm.s32 @p2 $0x7F;
	s14 =	simm.s32 @p3 $0x380  }
0x10: {  	s16 =	smov.u32 s11;
	s13 =	ssub.s32 @!p1 s15, s13;
	s12 =	ssub.s32 @!p1 s14, s12  }
0x11: {  	s14 =	sadd.s32 @!p1 $0xFFFFFF81, s13;
	s13 =	ssub.s32 @!p1 $0x80, s13;
	s15 =	sadd.s32 @!p1 $0xFFFFFC80, s12  }
0x12: {  	p2 =	sgt.s32 @!p1 s14, $0x0;
	s13 =	smul.u32 @!p1 $0x60, s13;
	p3 =	sgt.s32 @!p1 s15, $0x7F  }
0x13: {  	s12 =	ssub.s32 @!p1 $0x400, s12;
	p2 =	por !p2, p1;
	p3 =	por !p3, p1  }
0x14: {  	s14 =	sadd.s32 $0x80, s10;
	s13 =	simm.s32 @!p2 $0x0;
	s12 =	simm.s32 @!p3 $0x0  }
0x15: {  	p2 =	sgt.s32 s14, $0x3FF;
	s12 =	smul.u32 @!p1 s12, s13;
	s13 =	sadd.s32 $0x20, s11  }
0x16: {  	s16 =	smov.u32 @p2 s13  }
0x17: {  	s7 =	sadd.s32 $0x1, s7;
	s14 =	simm.s32 @p2 $0x0;
	p2 =	sgt.s32 s16, $0x7F  }
0x18: {  	s16 =	smov.u32 @p2 s5;
	p2 =	sne.s32 s7, $0x22  }
.Ltmp1:
0x19: {  	p0 =	por !p0, !p0;
	(pc) =	sbr.rel @!p2 .LBB1_6-.Ltmp1, $4  }
0x1a: {  	s15 =	simm.s32 @!p1 $0x2;
	s13 =	smov.u32 s9;
	s12 =	sand.u32 @!p1 $0x3FFFFFE0, s12  }
0x1b: {  	s9 =	smov.u32 s11;
	_ =	swait.ge @!p1 [sflag:s15], s12;
	s17 =	ssub.s32 @!p1 $0x0, s12  }
0x1c: {  	s12 =	smov.u32 s8;
	s8 =	smov.u32 s10;
	[sflag:s15] =	ssyncset.done @!p1 $0x0  }
0x1d: {  	s10 =	smov.u32 s14;
	s11 =	smov.u32 s16;
	[sflag:s15] =	ssyncadd.s32 @!p1 s17  }
.LBB1_1:
0x1e: {  	p1 =	sgt.u32 s7, $0x1F  }
0x1f: {  	s14 =	sxor.u32 @!p1 $0xFFFFFFFF, s7;
	s15 =	sshll.u32 @!p1 s11, $0xE;
	s16 =	sshll.u32 @!p1 s10, $0x4  }
0x20: {  	s14 =	sshll.u32 @!p1 s14, $0xE;
	s16 =	sand.u32 @!p1 $0x3FF0, s16;
	s15 =	sadd.s32 @!p1 s3, s15  }
0x21: {  	s14 =	sand.u32 @!p1 $0x4000, s14;
	s15 =	sadd.s32 @!p1 s16, s15;
	s16 =	simm.s32 @!p1 $0x0  }
0x22: {  	[tilespmem:s14], [sflag:$0x1] =	stream.linear.gather @!p1 [hbm4b:s15+s16], $0x4000, $0x38;
	[tilespmem:$0x10100] =	vst v63  }
0x23: {  	p1 =	seq.s32 s7, $0x0  }
0x24: {  	p2 =	seq.s32 @!p1 s7, $0x21  }
0x25: {  	p1 =	por p1, p2  }
.Ltmp2:
0x26: {  	_ = 	snop;
	(pc) =	sbr.rel @p1 .LBB1_5-.Ltmp2, $1  }
0x27: {  	_ =	sdelay $0x3  }
0x28: {  	s14 =	simm.s32 $0x1  }
0x29: {  	_ =	swait.ge [sflag:s4], $0x4000;
	s14 =	simm.s32 @!p0 $0x0  }
0x2a: {  	[sflag:s4] =	ssyncset.done $0x0;
	s15 =	sshll.u32 s14, $0xE  }
0x2b: {  	[sflag:s4] =	ssyncadd.s32 $0xFFFFC000;
	s15 =	sor.u32 $0x40, s15  }
0x2c: {  	s14 =	smul.u32 $0x10200, s14;
	v0 =	vld [tilespmem:s15+$0x30]  }
0x2d: {  	v1 =	vld [tilespmem:s15+$0xFFFFFFD0]  }
0x2e: {  	s14 =	sshrl.u32 s14, $0x2;
	v5 =	vld [tilespmem:s15+$0xFFFFFFE0]  }
0x2f: {  	v6 =	vld [tilespmem:s15+$0xFFFFFFF0];
	s17 =	sor.u32 $0x8000, s14  }
0x30: {  	s31 =	sand.u32 $0x1, s7;
	v4 =	vld [tilespmem:s15+$0x0];
	s16 =	sadd.s32 $0x0, s17  }
0x31: {  	v3 =	vld [tilespmem:s15+$0x10];
	s14 =	smul.u32 $0x10200, s31;
	[tilespmem:s16+$0x3870 ss:$0x81] =	vst.msk $0xffff, v0  }
0x32: {  	v2 =	vld [tilespmem:s15+$0x20];
	[tilespmem:s16+$0x810 ss:$0x81] =	vst.msk $0xffff, v1  }
0x33: {  	s14 =	sshrl.u32 s14, $0x2;
	v1 =	vld [tilespmem:s15+$0xFFFFFFC0];
	[tilespmem:s16+$0x1020 ss:$0x81] =	vst.msk $0xffff, v5;
	s15 =	sadd.s32 $0x80, s15  }
0x34: {  	s18 =	simm.s32 $0x4;
	s19 =	simm.s32 $0x8;
	s14 =	sor.u32 $0x8000, s14;
	[tilespmem:s16+$0x1830 ss:$0x81] =	vst.msk $0xffff, v6;
	v0 =	vld [tilespmem:s15+$0x30]  }
.LBB1_3:
0x35: {  	p1 =	sne.s32 s19, $0x1FC;
	v5 =	vld [tilespmem:s15+$0xFFFFFFD0];
	[tilespmem:s16+$0x2040 ss:$0x81] =	vst.msk $0xffff, v4  }
0x36: {  	v6 =	vld [tilespmem:s15+$0xFFFFFFE0];
	[tilespmem:s16+$0x2850 ss:$0x81] =	vst.msk $0xffff, v3  }
0x37: {  	s20 =	sshra.s32 s18, $0x2;
	s18 =	smov.u32 s19;
	v7 =	vld [tilespmem:s15+$0xFFFFFFF0];
	[tilespmem:s16+$0x3060 ss:$0x81] =	vst.msk $0xffff, v2  }
.Ltmp3:
0x38: {  	v4 =	vld [tilespmem:s15+$0x0];
	[tilespmem:s16+$0x0 ss:$0x81] =	vst.msk $0xffff, v1;
	s16 =	sadd.s32 s20, s17;
	(pc) =	sbr.rel @p1 .LBB1_3-.Ltmp3, $4  }
0x39: {  	v3 =	vld [tilespmem:s15+$0x10];
	[tilespmem:s16+$0x3870 ss:$0x81] =	vst.msk $0xffff, v0  }
0x3a: {  	[tilespmem:s16+$0x810 ss:$0x81] =	vst.msk $0xffff, v5;
	v2 =	vld [tilespmem:s15+$0x20]  }
0x3b: {  	v1 =	vld [tilespmem:s15+$0xFFFFFFC0];
	[tilespmem:s16+$0x1020 ss:$0x81] =	vst.msk $0xffff, v6;
	s15 =	sadd.s32 $0x80, s15  }
0x3c: {  	s19 =	sadd.s32 $0x4, s19;
	v0 =	vld [tilespmem:s15+$0x30];
	[tilespmem:s16+$0x1830 ss:$0x81] =	vst.msk $0xffff, v7  }
0x3d: {  	s18 =	sshra.s32 s18, $0x2;
	s24 =	sshrl.u32 s8, $0x7  }
0x3e: {  	p1 =	sgt.s32 s9, $0x7F;
	s19 =	smov.u32 s9;
	s20 =	sshra.s32 s9, $0x1F  }
0x3f: {  	v5 =	vld [tilespmem:s15+$0xFFFFFFD0];
	[tilespmem:s16+$0x2040 ss:$0x81] =	vst.msk $0xffff, v4;
	s22 =	sshra.s32 s8, $0x1F;
	s27 =	smul.u32 $0x3000, s9;
	s28 =	sshrl.u32 s8, $0x3  }
0x40: {  	v58 =	vld [tilespmem:s15+$0xFFFFFFE0];
	s29 =	sand.u32 $0x7, s8;
	s17 =	sadd.s32 s18, s17;
	s18 =	sand.u32 $0x3FFFFF, s24;
	[tilespmem:s16+$0x2850 ss:$0x81] =	vst.msk $0xffff, v3  }
0x41: {  	v59 =	vld [tilespmem:s15+$0xFFFFFFF0];
	s19 =	simm.s32 @!p1 $0x7F;
	s20 =	sand.u32 s20, s9;
	p1 =	sgt.s32 s8, $0x380;
	[tilespmem:s16+$0x3060 ss:$0x81] =	vst.msk $0xffff, v2  }
0x42: {  	v60 =	vld [tilespmem:s15+$0x0];
	s22 =	sand.u32 s22, s8;
	s19 =	ssub.s32 s19, s20;
	s20 =	smov.u32 s8;
	[tilespmem:s16+$0x0 ss:$0x81] =	vst.msk $0xffff, v1  }
0x43: {  	v61 =	vld [tilespmem:s15+$0x10];
	s21 =	smulhi.u32 $0x2AAAAAB, s18;
	s25 =	ssub.s32 $0x80, s19;
	s20 =	simm.s32 @!p1 $0x380;
	[tilespmem:s17+$0x3870 ss:$0x81] =	vst.msk $0xffff, v0  }
0x44: {  	v62 =	vld [tilespmem:s15+$0x20];
	s19 =	sadd.s32 $0xFFFFFF81, s19;
	s20 =	ssub.s32 s20, s22;
	s16 =	smul.u32 $0x60, s25;
	[tilespmem:s17+$0x810 ss:$0x81] =	vst.msk $0xffff, v5  }
0x45: {  	v63 =	vld [tilespmem:s15+$0xFFFFFFC0];
	s21 =	smul.u32 $0x60, s21;
	p1 =	sgt.s32 s19, $0x0;
	s26 =	sadd.s32 $0xFFFFFC80, s20;
	[tilespmem:s17+$0x1020 ss:$0x81] =	vst.msk $0xffff, v58  }
0x46: {  	s15 =	ssub.s32 $0x400, s20;
	[tilespmem:s17+$0x1830 ss:$0x81] =	vst.msk $0xffff, v59;
	s16 =	simm.s32 @p1 $0x0;
	p1 =	sgt.s32 s26, $0x7F  }
.Ltmp4:
0x47: {  	s19 =	sadd.s32 s2, s27;
	[tilespmem:s17+$0x2040 ss:$0x81] =	vst.msk $0xffff, v60;
	s15 =	simm.s32 @p1 $0x0;
	(pc) =	sbr.rel .LBB1_5-.Ltmp4, $4  }
0x48: {  	[tilespmem:s17+$0x2850 ss:$0x81] =	vst.msk $0xffff, v61;
	s18 =	ssub.s32 s18, s21;
	s15 =	smul.u32 s15, s16;
	s16 =	sand.u32 $0xF, s28  }
0x49: {  	s30 =	sshll.u32 s29, $0x12;
	[tilespmem:s17+$0x3060 ss:$0x81] =	vst.msk $0xffff, v62;
	s18 =	sshll.u32 s18, $0x7;
	s16 =	sadd.s32 s16, s19  }
0x4a: {  	s31 =	sor.u32 $0x400, s30;
	[tilespmem:s17+$0x0 ss:$0x81] =	vst.msk $0xffff, v63;
	s15 =	sand.u32 $0x3FFFFFE0, s15;
	s16 =	sadd.s32 s18, s16  }
0x4b: {  	[hbm4b:s16+s31] =	stream.strided.scatter [tilespmem:s14], [sflag:$0x2], s15, s6, s31, $0x20;
	[tilespmem:$0x10100] =	vst v63  }
.LBB1_6:
0x4c: {  	_ =	sfence.sel $0x180000  }
0x4d: {  	s2 =	simm.s32 $0x1;
	[bflag:$0x0] =	sbarrier.arrive $0xFFFF  }
0x4e: {  	s31 =	simm.s32 $0x2;
	[sflag:s2] =	ssyncpa.u1 $0x1  }
0x4f: {  	[sflag:s31] =	ssyncpa.u1 $0x1  }
0x50: {  	p0 =	sne.s32 s1, $0x0;
	_ =	strace $0x9000004A  }
0x51: {  	s0 =	sadd.s32 @!p0 $0x100000, s0;
	[bflag:$0x2] =	sbarrier.arrive $0xFFFF  }
0x52: {  	[sflag:s0] =	ssyncadd.tile.s32 @!p0 $0x1;
	_ =	shalt  }
.Lfunc_end1:
_tile_overlayer_lowered:
.L_overlay_start_2:
0x53: {  	(tag) =	ssettag $0x2  }
0x54: {  	s0 =	rddreg [dreg:$0x0];
	s2 =	stileid.u32  }
0x55: {  	s1 =	rddreg [dreg:$0x1];
	p0 =	sne.s32 s2, $0x0  }
0x56: {  	s3 =	rddreg [dreg:$0x2];
	[bflag:$0x3] =	sbarrier.arrive $0xFFFF;
	s2 =	simm.s32 @!p0 $0x1C01  }
0x57: {  	[timem:s3], [sflag:s2] =	dma.local @!p0 [hbm:s0], s1  }
0x58: {  	s0 =	simm.s32 @!p0 $0x1  }
0x59: {  	_ =	swait.ge @!p0 [sflag:s0], s1  }
0x5a: {  	s1 =	ssub.s32 @!p0 $0x0, s1;
	[sflag:s0] =	ssyncset.done @!p0 $0x0  }
0x5b: {  	[sflag:s0] =	ssyncadd.s32 @!p0 s1  }
0x5c: {  	[bflag:$0x3] =	sbarrier.arrive $0xFFFF  }
0x5d: {  	_ =	shalt  }

</sc_bundles>
